<compile_context>
chip_gen: v7x
topology: tpu7x:2x2x1
jax: 0.10.2.dev20260603
libtpu: 0.0.44.dev20260713+nightly
codegen_flags: <defaults>
</compile_context>

<pallas_src>
import functools

import jax
import jax.numpy as jnp
import numpy as np
from jax import lax
from jax.experimental import pallas as pl
from jax.experimental.pallas import tpu as pltpu
from jax.experimental.pallas import tpu_sc as plsc

_NC = 2
_NS = 16
_NW = _NC * _NS
_L = 16
_CHUNK = 128
_FLUSH = 80


def _sc_spmm_body(x_hbm, cv_f, rows_f, out_hbm,
                  b0, b1, b2, c0, c1, c2, r0, r1, r2,
                  acc_sh,
                  gs0, gs1, gs2, ss0, ss1, ss2, cs0, cs1, cs2,
                  rs0, rs1, rs2,
                  *, n_rows, n_main, n_extra):
    cid = lax.axis_index("c")
    sid = lax.axis_index("s")
    wid = sid * _NC + cid

    d = x_hbm.shape[1]
    buf = (b0, b1, b2)
    cbuf = (c0, c1, c2)
    rbuf = (r0, r1, r2)
    gsem = (gs0, gs1, gs2)
    ssem = (ss0, ss1, ss2)
    csem = (cs0, cs1, cs2)
    rsem = (rs0, rs1, rs2)

    n_units = n_rows // _FLUSH
    per = n_units // _NS
    hi = n_units % _NS
    ubase = sid * per + jnp.minimum(sid, hi)
    ucnt = per + jnp.where(sid < hi, 1, 0)

    def chunk_id(c):
        return wid * n_main + c

    def start_cv(s, c):
        pltpu.async_copy(cv_f.at[chunk_id(c)], cbuf[s], csem[s])

    def wait_cv(s, c):
        pltpu.make_async_copy(cv_f.at[chunk_id(c)], cbuf[s], csem[s]).wait()

    def start_rows(s, c):
        pltpu.async_copy(rows_f.at[chunk_id(c)], rbuf[s], rsem[s])

    def wait_rows(s, c):
        pltpu.make_async_copy(rows_f.at[chunk_id(c)], rbuf[s],
                              rsem[s]).wait()

    def start_gather(s):
        pltpu.async_copy(x_hbm.at[cbuf[s].at[0, pl.ds(0, _CHUNK)]], buf[s],
                         gsem[s])

    def wait_gather(s):
        pltpu.make_async_copy(x_hbm.at[cbuf[s].at[0, pl.ds(0, _CHUNK)]],
                              buf[s], gsem[s]).wait()

    def start_scatter(s):
        pltpu.async_copy(buf[s], acc_sh.at[rbuf[s].at[0]], ssem[s], add=True)

    def wait_scatter(s):
        pltpu.make_async_copy(buf[s], acc_sh.at[rbuf[s].at[0]],
                              ssem[s]).wait()

    def _scale(b, vref):
        @pl.loop(0, _CHUNK // _L)
        def _(g):
            v16i = vref[0, pl.ds(_CHUNK + g * _L, _L)]
            v16 = lax.bitcast_convert_type(v16i, jnp.float32)

            @pl.loop(0, _L, unroll=4)
            def _(t):
                vb = v16.at[jnp.full((_L,), t, jnp.int32)].get(
                    mode="promise_in_bounds")
                e = g * _L + t
                for j in range(d // _L):
                    sl = pl.ds(j * _L, _L)
                    b[e, sl] = b[e, sl] * vb

    n3 = (n_main // 3) * 3

    if n3 >= 3:
        start_cv(0, 0)
        start_rows(0, 0)
        start_cv(1, 1)
        start_rows(1, 1)
        start_cv(2, 2)
        wait_cv(0, 0)
        start_gather(0)
        wait_cv(1, 1)
        start_gather(1)

    @pl.loop(0, _FLUSH)
    def _zero_buf(r):
        for j in range(d // _L):
            b2[r, pl.ds(j * _L, _L)] = jnp.zeros((_L,), jnp.float32)

    @pl.loop(ubase, ubase + ucnt)
    def _zero(u):
        off = pl.multiple_of(u * _FLUSH, 8)
        pltpu.sync_copy(b2.at[pl.ds(0, _FLUSH)], acc_sh.at[pl.ds(off, _FLUSH)])
    plsc.subcore_barrier()

    if n3 >= 3:
        @pl.loop(0, n3, step=3)
        def _main(c):
            for k in range(3):
                cc = c + k
                s = k
                s2 = (k + 2) % 3

                @pl.when(cc >= 1)
                def _():
                    wait_scatter(s2)

                @pl.when(cc + 2 < n3)
                def _():
                    start_rows(s2, cc + 2)
                    wait_cv(s2, cc + 2)
                    start_gather(s2)

                wait_gather(s)
                _scale(buf[s], cbuf[s])

                @pl.when(cc + 3 < n3)
                def _():
                    start_cv(s, cc + 3)

                wait_rows(s, cc)
                start_scatter(s)

        wait_scatter((n3 - 1) % 3)

    for cc in range(n3, n_main):
        start_cv(0, cc)
        start_rows(0, cc)
        wait_cv(0, cc)
        start_gather(0)
        wait_gather(0)
        _scale(b0, c0)
        wait_rows(0, cc)
        start_scatter(0)
        wait_scatter(0)

    if n_extra:
        @pl.when(wid < n_extra)
        def _tail():
            ct = _NW * n_main + wid
            pltpu.async_copy(cv_f.at[ct], c0, cs0)
            pltpu.async_copy(rows_f.at[ct], r0, rs0)
            pltpu.make_async_copy(cv_f.at[ct], c0, cs0).wait()
            pltpu.make_async_copy(rows_f.at[ct], r0, rs0).wait()
            pltpu.sync_copy(x_hbm.at[c0.at[0, pl.ds(0, _CHUNK)]], b0)
            _scale(b0, c0)
            pltpu.sync_copy(b0, acc_sh.at[r0.at[0]], add=True)

    plsc.subcore_barrier()

    @pl.loop(ubase, ubase + ucnt)
    def _flush(u):
        off = pl.multiple_of(u * _FLUSH, 8)
        pltpu.sync_copy(acc_sh.at[pl.ds(off, _FLUSH)],
                        out_hbm.at[cid, pl.ds(off, _FLUSH)])


def _sc_spmm(x, cv_f, rows_f, n_main, n_extra):
    n_rows, d = x.shape

    body = functools.partial(
        _sc_spmm_body, n_rows=n_rows, n_main=n_main, n_extra=n_extra)
    dma = pltpu.SemaphoreType.DMA
    return pl.kernel(
        body,
        out_type=jax.ShapeDtypeStruct((_NC, n_rows, d), jnp.float32),
        mesh=plsc.VectorSubcoreMesh(core_axis_name="c", subcore_axis_name="s"),
        scratch_types=[
            pltpu.VMEM((_CHUNK, d), jnp.float32),
            pltpu.VMEM((_CHUNK, d), jnp.float32),
            pltpu.VMEM((_CHUNK, d), jnp.float32),
            pltpu.VMEM((1, 2 * _CHUNK), jnp.int32),
            pltpu.VMEM((1, 2 * _CHUNK), jnp.int32),
            pltpu.VMEM((1, 2 * _CHUNK), jnp.int32),
            pltpu.VMEM((1, _CHUNK), jnp.int32),
            pltpu.VMEM((1, _CHUNK), jnp.int32),
            pltpu.VMEM((1, _CHUNK), jnp.int32),
            pltpu.VMEM_SHARED((n_rows, d), jnp.float32),
            dma, dma, dma,
            dma, dma, dma,
            dma, dma, dma,
            dma, dma, dma,
        ],
    )(x, cv_f, rows_f)


def _epilogue_body(w_ref, acc_ref, o_ref):
    a = acc_ref[0] + acc_ref[1]
    s = a * w_ref[0]
    n2 = jnp.sum(s * s, axis=1, keepdims=True)
    y = s * lax.rsqrt(jnp.maximum(n2, 1e-24))
    o_ref[...] = 0.5 * y * (1.0 + lax.erf(y * np.float32(1.0 / np.sqrt(2.0))))


def _epilogue(acc, w, n_rows):
    d = acc.shape[2]
    blk = 1000
    grid = n_rows // blk
    return pl.pallas_call(
        _epilogue_body,
        grid=(grid,),
        in_specs=[
            pl.BlockSpec(memory_space=pltpu.SMEM),
            pl.BlockSpec((2, blk, d), lambda i: (0, i, 0)),
        ],
        out_specs=pl.BlockSpec((blk, d), lambda i: (i, 0)),
        out_shape=jax.ShapeDtypeStruct((n_rows, d), jnp.float32),
    )(w, acc)


def kernel(x, weight, adj_rows, adj_cols, adj_vals, idx):
    rows = lax.dynamic_index_in_dim(adj_rows, idx, 0, keepdims=False)
    cols = lax.dynamic_index_in_dim(adj_cols, idx, 0, keepdims=False)
    vals = lax.dynamic_index_in_dim(adj_vals, idx, 0, keepdims=False)
    w = lax.dynamic_index_in_dim(weight, idx, 0, keepdims=False)

    e = rows.shape[0]
    n = x.shape[0]
    n_chunks = e // _CHUNK
    n_main = n_chunks // _NW
    n_extra = n_chunks % _NW

    cv_f = jnp.concatenate(
        [cols.reshape(n_chunks, 1, _CHUNK).astype(jnp.int32),
         lax.bitcast_convert_type(vals.reshape(n_chunks, 1, _CHUNK)
                                  .astype(jnp.float32), jnp.int32)],
        axis=2)
    rows_f = rows.reshape(n_chunks, 1, _CHUNK).astype(jnp.int32)

    acc = _sc_spmm(x.astype(jnp.float32), cv_f, rows_f, n_main, n_extra)
    return _epilogue(acc, w.reshape(1).astype(jnp.float32), n)

# --- scband reference (transcript-rebuilt; emitter-appended) ---
"""Pipeline reference for scband-cell-14654428414368 (READ-ONLY COPY).

The authoritative reference and input builder live on the scoring server;
editing this copy changes nothing except your own understanding.
"""

import jax, jax.numpy as jnp
import numpy as np

N = 10000
E = 320000
D = 128
K = 4


def setup_inputs(seed: int = 0) -> dict:
    key = jax.random.key(seed)
    k0, k1, k2, k3, k4 = jax.random.split(key, 5)
    x = jax.random.normal(k0, (N, D), dtype=jnp.float32)
    weight = jax.random.normal(k1, (K,), dtype=jnp.float32)
    adj_rows = jax.random.randint(k2, (K, E), 0, N)
    adj_cols = jax.random.randint(k3, (K, E), 0, N)
    adj_vals = jax.random.uniform(k4, (K, E), dtype=jnp.float32)
    idx = 1
    return {"x": x, "weight": weight, "adj_rows": adj_rows, "adj_cols": adj_cols, "adj_vals": adj_vals, "idx": idx}


def _spmm(rows, cols, vals, x):
    # sparse (N x N) @ dense (N x D): gather source rows, scale by edge
    # value, scatter-add into destination rows.
    msg = vals[:, None] * jnp.take(x, cols, axis=0)
    return jax.ops.segment_sum(msg, rows, num_segments=x.shape[0])


def reference(x, weight, adj_rows, adj_cols, adj_vals, idx):
    # Cell.forward with idx is not None:
    #   out = weight[idx] * torch.spmm(adjs[idx], x)
    rows = adj_rows[idx]
    cols = adj_cols[idx]
    vals = adj_vals[idx]
    out = weight[idx] * _spmm(rows, cols, vals, x)
    # use_norm=False -> identity norm
    # F.normalize(output, p=2, dim=1) with torch eps=1e-12 (clamp_min)
    nrm = jnp.sqrt(jnp.sum(out * out, axis=1, keepdims=True))
    out = out / jnp.maximum(nrm, 1e-12)
    # use_nl=True -> exact (erf) GELU, matching torch F.gelu default
    out = jax.nn.gelu(out, approximate=False)
    return out

if __name__ == "__main__":
    import jax
    _d = setup_inputs()
    print(jax.jit(kernel)(*tuple(_d.values())))

</pallas_src>

<mosaic_0001>
#map = affine_map<(d0, d1) -> (0, 0)>
#map1 = affine_map<(d0, d1) -> (0, 0, 0)>
module attributes {stable_mosaic.version = 14 : i64} {
  func.func @_sc_spmm_body(%arg0: i32, %arg1: i32, %arg2: memref<10000x128xf32, #tpu.memory_space<hbm>>, %arg3: memref<2500x1x256xi32, #tpu.memory_space<hbm>>, %arg4: memref<2500x1x128xi32, #tpu.memory_space<hbm>>, %arg5: memref<2x10000x128xf32, #tpu.memory_space<hbm>>, %arg6: memref<128x128xf32, #tpu.memory_space<vmem>>, %arg7: memref<128x128xf32, #tpu.memory_space<vmem>>, %arg8: memref<128x128xf32, #tpu.memory_space<vmem>>, %arg9: memref<1x256xi32, #tpu.memory_space<vmem>>, %arg10: memref<1x256xi32, #tpu.memory_space<vmem>>, %arg11: memref<1x256xi32, #tpu.memory_space<vmem>>, %arg12: memref<1x128xi32, #tpu.memory_space<vmem>>, %arg13: memref<1x128xi32, #tpu.memory_space<vmem>>, %arg14: memref<1x128xi32, #tpu.memory_space<vmem>>, %arg15: memref<10000x128xf32, #tpu.memory_space<vmem_shared>>, %arg16: memref<!tpu.dma_semaphore, #tpu.memory_space<semaphore_mem>>, %arg17: memref<!tpu.dma_semaphore, #tpu.memory_space<semaphore_mem>>, %arg18: memref<!tpu.dma_semaphore, #tpu.memory_space<semaphore_mem>>, %arg19: memref<!tpu.dma_semaphore, #tpu.memory_space<semaphore_mem>>, %arg20: memref<!tpu.dma_semaphore, #tpu.memory_space<semaphore_mem>>, %arg21: memref<!tpu.dma_semaphore, #tpu.memory_space<semaphore_mem>>, %arg22: memref<!tpu.dma_semaphore, #tpu.memory_space<semaphore_mem>>, %arg23: memref<!tpu.dma_semaphore, #tpu.memory_space<semaphore_mem>>, %arg24: memref<!tpu.dma_semaphore, #tpu.memory_space<semaphore_mem>>, %arg25: memref<!tpu.dma_semaphore, #tpu.memory_space<semaphore_mem>>, %arg26: memref<!tpu.dma_semaphore, #tpu.memory_space<semaphore_mem>>, %arg27: memref<!tpu.dma_semaphore, #tpu.memory_space<semaphore_mem>>) attributes {dimension_semantics = [#tpu.dimension_semantics<core_parallel>, #tpu.dimension_semantics<subcore_parallel>], iteration_bounds = array<i64: 2, 16>, scalar_prefetch = 0 : i64, scratch_operands = 22 : i64, tpu.core_type = #tpu.core_type<sc_vector_subcore>, window_params = [{transform_indices = #map}, {transform_indices = #map1}, {transform_indices = #map1}, {transform_indices = #map1}]} {
    %mul3A = arith.constant 2 : i32
    %mul3A_0 = arith.muli %arg1, %mul3A : i32
    %add3A = arith.addi %mul3A_0, %arg0 : i32
    %mul3A_1 = arith.constant 7 : i32
    %mul3A_2 = arith.muli %arg1, %mul3A_1 : i32
    %min3A = arith.constant 13 : i32
    %min3A_3 = arith.minsi %arg1, %min3A : i32
    %add3A_4 = arith.addi %mul3A_2, %min3A_3 : i32
    %lt3A = arith.constant 13 : i32
    %lt3A_5 = arith.cmpi slt, %arg1, %lt3A : i32
    %jit3A = arith.constant 1 : i32
    %jit3A_6 = arith.constant 0 : i32
    %select_n3A = arith.select %lt3A_5, %jit3A, %jit3A_6 : i32
    %add3A_7 = arith.constant 7 : i32
    %add3A_8 = arith.addi %add3A_7, %select_n3A : i32
    %mul3A_9 = arith.constant 78 : i32
    %mul3A_10 = arith.muli %add3A, %mul3A_9 : i32
    %add3A_11 = arith.constant 0 : i32
    %add3A_12 = arith.addi %mul3A_10, %add3A_11 : i32
    %dma_start3A = arith.constant 0 : i32
    %dma_start3A_13 = arith.constant 0 : i32
    %dma_start3A_14 = tpu.memref_slice %arg3[%add3A_12, %dma_start3A, %dma_start3A_13] : memref<2500x1x256xi32, #tpu.memory_space<hbm>> -> memref<1x1x256xi32, #tpu.memory_space<hbm>>
    %dma_start3A_15 = tpu.memref_squeeze %dma_start3A_14 : memref<1x1x256xi32, #tpu.memory_space<hbm>> -> memref<1x256xi32, #tpu.memory_space<hbm>>
    %dma_start3A_16 = arith.constant 0 : i32
    %dma_start3A_17 = arith.constant 0 : i32
    %dma_start3A_18 = tpu.memref_slice %arg3[%add3A_12, %dma_start3A_16, %dma_start3A_17] : memref<2500x1x256xi32, #tpu.memory_space<hbm>> -> memref<1x1x256xi32, #tpu.memory_space<hbm>>
    %dma_start3A_19 = tpu.memref_squeeze %dma_start3A_18 : memref<1x1x256xi32, #tpu.memory_space<hbm>> -> memref<1x256xi32, #tpu.memory_space<hbm>>
    tpu.enqueue_dma source(%dma_start3A_19 : memref<1x256xi32, #tpu.memory_space<hbm>>) target(%arg9 : memref<1x256xi32, #tpu.memory_space<vmem>>) target_semaphore(%arg22 : memref<!tpu.dma_semaphore, #tpu.memory_space<semaphore_mem>>)
    %mul3A_20 = arith.constant 78 : i32
    %mul3A_21 = arith.muli %add3A, %mul3A_20 : i32
    %add3A_22 = arith.constant 0 : i32
    %add3A_23 = arith.addi %mul3A_21, %add3A_22 : i32
    %dma_start3A_24 = arith.constant 0 : i32
    %dma_start3A_25 = arith.constant 0 : i32
    %dma_start3A_26 = tpu.memref_slice %arg4[%add3A_23, %dma_start3A_24, %dma_start3A_25] : memref<2500x1x128xi32, #tpu.memory_space<hbm>> -> memref<1x1x128xi32, #tpu.memory_space<hbm>>
    %dma_start3A_27 = tpu.memref_squeeze %dma_start3A_26 : memref<1x1x128xi32, #tpu.memory_space<hbm>> -> memref<1x128xi32, #tpu.memory_space<hbm>>
    %dma_start3A_28 = arith.constant 0 : i32
    %dma_start3A_29 = arith.constant 0 : i32
    %dma_start3A_30 = tpu.memref_slice %arg4[%add3A_23, %dma_start3A_28, %dma_start3A_29] : memref<2500x1x128xi32, #tpu.memory_space<hbm>> -> memref<1x1x128xi32, #tpu.memory_space<hbm>>
    %dma_start3A_31 = tpu.memref_squeeze %dma_start3A_30 : memref<1x1x128xi32, #tpu.memory_space<hbm>> -> memref<1x128xi32, #tpu.memory_space<hbm>>
    tpu.enqueue_dma source(%dma_start3A_31 : memref<1x128xi32, #tpu.memory_space<hbm>>) target(%arg12 : memref<1x128xi32, #tpu.memory_space<vmem>>) target_semaphore(%arg25 : memref<!tpu.dma_semaphore, #tpu.memory_space<semaphore_mem>>)
    %mul3A_32 = arith.constant 78 : i32
    %mul3A_33 = arith.muli %add3A, %mul3A_32 : i32
    %add3A_34 = arith.constant 1 : i32
    %add3A_35 = arith.addi %mul3A_33, %add3A_34 : i32
    %dma_start3A_36 = arith.constant 0 : i32
    %dma_start3A_37 = arith.constant 0 : i32
    %dma_start3A_38 = tpu.memref_slice %arg3[%add3A_35, %dma_start3A_36, %dma_start3A_37] : memref<2500x1x256xi32, #tpu.memory_space<hbm>> -> memref<1x1x256xi32, #tpu.memory_space<hbm>>
    %dma_start3A_39 = tpu.memref_squeeze %dma_start3A_38 : memref<1x1x256xi32, #tpu.memory_space<hbm>> -> memref<1x256xi32, #tpu.memory_space<hbm>>
    %dma_start3A_40 = arith.constant 0 : i32
    %dma_start3A_41 = arith.constant 0 : i32
    %dma_start3A_42 = tpu.memref_slice %arg3[%add3A_35, %dma_start3A_40, %dma_start3A_41] : memref<2500x1x256xi32, #tpu.memory_space<hbm>> -> memref<1x1x256xi32, #tpu.memory_space<hbm>>
    %dma_start3A_43 = tpu.memref_squeeze %dma_start3A_42 : memref<1x1x256xi32, #tpu.memory_space<hbm>> -> memref<1x256xi32, #tpu.memory_space<hbm>>
    tpu.enqueue_dma source(%dma_start3A_43 : memref<1x256xi32, #tpu.memory_space<hbm>>) target(%arg10 : memref<1x256xi32, #tpu.memory_space<vmem>>) target_semaphore(%arg23 : memref<!tpu.dma_semaphore, #tpu.memory_space<semaphore_mem>>)
    %mul3A_44 = arith.constant 78 : i32
    %mul3A_45 = arith.muli %add3A, %mul3A_44 : i32
    %add3A_46 = arith.constant 1 : i32
    %add3A_47 = arith.addi %mul3A_45, %add3A_46 : i32
    %dma_start3A_48 = arith.constant 0 : i32
    %dma_start3A_49 = arith.constant 0 : i32
    %dma_start3A_50 = tpu.memref_slice %arg4[%add3A_47, %dma_start3A_48, %dma_start3A_49] : memref<2500x1x128xi32, #tpu.memory_space<hbm>> -> memref<1x1x128xi32, #tpu.memory_space<hbm>>
    %dma_start3A_51 = tpu.memref_squeeze %dma_start3A_50 : memref<1x1x128xi32, #tpu.memory_space<hbm>> -> memref<1x128xi32, #tpu.memory_space<hbm>>
    %dma_start3A_52 = arith.constant 0 : i32
    %dma_start3A_53 = arith.constant 0 : i32
    %dma_start3A_54 = tpu.memref_slice %arg4[%add3A_47, %dma_start3A_52, %dma_start3A_53] : memref<2500x1x128xi32, #tpu.memory_space<hbm>> -> memref<1x1x128xi32, #tpu.memory_space<hbm>>
    %dma_start3A_55 = tpu.memref_squeeze %dma_start3A_54 : memref<1x1x128xi32, #tpu.memory_space<hbm>> -> memref<1x128xi32, #tpu.memory_space<hbm>>
    tpu.enqueue_dma source(%dma_start3A_55 : memref<1x128xi32, #tpu.memory_space<hbm>>) target(%arg13 : memref<1x128xi32, #tpu.memory_space<vmem>>) target_semaphore(%arg26 : memref<!tpu.dma_semaphore, #tpu.memory_space<semaphore_mem>>)
    %mul3A_56 = arith.constant 78 : i32
    %mul3A_57 = arith.muli %add3A, %mul3A_56 : i32
    %add3A_58 = arith.constant 2 : i32
    %add3A_59 = arith.addi %mul3A_57, %add3A_58 : i32
    %dma_start3A_60 = arith.constant 0 : i32
    %dma_start3A_61 = arith.constant 0 : i32
    %dma_start3A_62 = tpu.memref_slice %arg3[%add3A_59, %dma_start3A_60, %dma_start3A_61] : memref<2500x1x256xi32, #tpu.memory_space<hbm>> -> memref<1x1x256xi32, #tpu.memory_space<hbm>>
    %dma_start3A_63 = tpu.memref_squeeze %dma_start3A_62 : memref<1x1x256xi32, #tpu.memory_space<hbm>> -> memref<1x256xi32, #tpu.memory_space<hbm>>
    %dma_start3A_64 = arith.constant 0 : i32
    %dma_start3A_65 = arith.constant 0 : i32
    %dma_start3A_66 = tpu.memref_slice %arg3[%add3A_59, %dma_start3A_64, %dma_start3A_65] : memref<2500x1x256xi32, #tpu.memory_space<hbm>> -> memref<1x1x256xi32, #tpu.memory_space<hbm>>
    %dma_start3A_67 = tpu.memref_squeeze %dma_start3A_66 : memref<1x1x256xi32, #tpu.memory_space<hbm>> -> memref<1x256xi32, #tpu.memory_space<hbm>>
    tpu.enqueue_dma source(%dma_start3A_67 : memref<1x256xi32, #tpu.memory_space<hbm>>) target(%arg11 : memref<1x256xi32, #tpu.memory_space<vmem>>) target_semaphore(%arg24 : memref<!tpu.dma_semaphore, #tpu.memory_space<semaphore_mem>>)
    %mul3A_68 = arith.constant 78 : i32
    %mul3A_69 = arith.muli %add3A, %mul3A_68 : i32
    %add3A_70 = arith.constant 0 : i32
    %add3A_71 = arith.addi %mul3A_69, %add3A_70 : i32
    %dma_wait3A = arith.constant 0 : i32
    %dma_wait3A_72 = arith.constant 0 : i32
    %dma_wait3A_73 = tpu.memref_slice %arg3[%add3A_71, %dma_wait3A, %dma_wait3A_72] : memref<2500x1x256xi32, #tpu.memory_space<hbm>> -> memref<1x1x256xi32, #tpu.memory_space<hbm>>
    %dma_wait3A_74 = tpu.memref_squeeze %dma_wait3A_73 : memref<1x1x256xi32, #tpu.memory_space<hbm>> -> memref<1x256xi32, #tpu.memory_space<hbm>>
    %dma_wait3A_75 = arith.constant 0 : i32
    %dma_wait3A_76 = arith.constant 0 : i32
    %dma_wait3A_77 = tpu.memref_slice %arg3[%add3A_71, %dma_wait3A_75, %dma_wait3A_76] : memref<2500x1x256xi32, #tpu.memory_space<hbm>> -> memref<1x1x256xi32, #tpu.memory_space<hbm>>
    %dma_wait3A_78 = tpu.memref_squeeze %dma_wait3A_77 : memref<1x1x256xi32, #tpu.memory_space<hbm>> -> memref<1x256xi32, #tpu.memory_space<hbm>>
    tpu.wait_dma2 semaphore(%arg22 : memref<!tpu.dma_semaphore, #tpu.memory_space<semaphore_mem>>) src(%dma_wait3A_78 : memref<1x256xi32, #tpu.memory_space<hbm>>) dst(%arg9 : memref<1x256xi32, #tpu.memory_space<vmem>>)
    %dma_start3A_79 = arith.constant 0 : i32
    %dma_start3A_80 = arith.constant 0 : i32
    %dma_start3A_81 = tpu.memref_slice %arg9[%dma_start3A_79, %dma_start3A_80] : memref<1x256xi32, #tpu.memory_space<vmem>> -> memref<1x128xi32, #tpu.memory_space<vmem>>
    %dma_start3A_82 = tpu.memref_squeeze %dma_start3A_81 : memref<1x128xi32, #tpu.memory_space<vmem>> -> memref<128xi32, #tpu.memory_space<vmem>>
    %dma_start3A_83 = arith.constant 0 : i32
    %dma_start3A_84 = arith.constant 0 : i32
    %dma_start3A_85 = tpu.memref_slice %arg2[%dma_start3A_83, %dma_start3A_84] : memref<10000x128xf32, #tpu.memory_space<hbm>> -> memref<10000x128xf32, #tpu.memory_space<hbm>>
    tpu.enqueue_indirect_dma source(%dma_start3A_85 : memref<10000x128xf32, #tpu.memory_space<hbm>>) target(%arg6 : memref<128x128xf32, #tpu.memory_space<vmem>>) offsets(%dma_start3A_82 : memref<128xi32, #tpu.memory_space<vmem>>) semaphore(%arg16 : memref<!tpu.dma_semaphore, #tpu.memory_space<semaphore_mem>>)
    %mul3A_86 = arith.constant 78 : i32
    %mul3A_87 = arith.muli %add3A, %mul3A_86 : i32
    %add3A_88 = arith.constant 1 : i32
    %add3A_89 = arith.addi %mul3A_87, %add3A_88 : i32
    %dma_wait3A_90 = arith.constant 0 : i32
    %dma_wait3A_91 = arith.constant 0 : i32
    %dma_wait3A_92 = tpu.memref_slice %arg3[%add3A_89, %dma_wait3A_90, %dma_wait3A_91] : memref<2500x1x256xi32, #tpu.memory_space<hbm>> -> memref<1x1x256xi32, #tpu.memory_space<hbm>>
    %dma_wait3A_93 = tpu.memref_squeeze %dma_wait3A_92 : memref<1x1x256xi32, #tpu.memory_space<hbm>> -> memref<1x256xi32, #tpu.memory_space<hbm>>
    %dma_wait3A_94 = arith.constant 0 : i32
    %dma_wait3A_95 = arith.constant 0 : i32
    %dma_wait3A_96 = tpu.memref_slice %arg3[%add3A_89, %dma_wait3A_94, %dma_wait3A_95] : memref<2500x1x256xi32, #tpu.memory_space<hbm>> -> memref<1x1x256xi32, #tpu.memory_space<hbm>>
    %dma_wait3A_97 = tpu.memref_squeeze %dma_wait3A_96 : memref<1x1x256xi32, #tpu.memory_space<hbm>> -> memref<1x256xi32, #tpu.memory_space<hbm>>
    tpu.wait_dma2 semaphore(%arg23 : memref<!tpu.dma_semaphore, #tpu.memory_space<semaphore_mem>>) src(%dma_wait3A_97 : memref<1x256xi32, #tpu.memory_space<hbm>>) dst(%arg10 : memref<1x256xi32, #tpu.memory_space<vmem>>)
    %dma_start3A_98 = arith.constant 0 : i32
    %dma_start3A_99 = arith.constant 0 : i32
    %dma_start3A_100 = tpu.memref_slice %arg10[%dma_start3A_98, %dma_start3A_99] : memref<1x256xi32, #tpu.memory_space<vmem>> -> memref<1x128xi32, #tpu.memory_space<vmem>>
    %dma_start3A_101 = tpu.memref_squeeze %dma_start3A_100 : memref<1x128xi32, #tpu.memory_space<vmem>> -> memref<128xi32, #tpu.memory_space<vmem>>
    %dma_start3A_102 = arith.constant 0 : i32
    %dma_start3A_103 = arith.constant 0 : i32
    %dma_start3A_104 = tpu.memref_slice %arg2[%dma_start3A_102, %dma_start3A_103] : memref<10000x128xf32, #tpu.memory_space<hbm>> -> memref<10000x128xf32, #tpu.memory_space<hbm>>
    tpu.enqueue_indirect_dma source(%dma_start3A_104 : memref<10000x128xf32, #tpu.memory_space<hbm>>) target(%arg7 : memref<128x128xf32, #tpu.memory_space<vmem>>) offsets(%dma_start3A_101 : memref<128xi32, #tpu.memory_space<vmem>>) semaphore(%arg17 : memref<!tpu.dma_semaphore, #tpu.memory_space<semaphore_mem>>)
    %scan3A = arith.constant 0 : i32
    %scan3A_105 = arith.constant 80 : i32
    %scan3A_106 = arith.addi %scan3A, %scan3A_105 : i32
    %scan3A_107 = arith.constant 1 : i32
    scf.for %scan3A_158 = %scan3A to %scan3A_106 step %scan3A_107  : i32 {
      %mul3A_159 = arith.constant 1 : i32
      %mul3A_160 = arith.muli %scan3A_158, %mul3A_159 : i32
      %add3A_161 = arith.constant 0 : i32
      %add3A_162 = arith.addi %add3A_161, %mul3A_160 : i32
      %broadcast_in_dim3A = arith.constant 0.000000e+00 : f32
      %broadcast_in_dim3A_163 = vector.broadcast %broadcast_in_dim3A : f32 to vector<16xf32>
      %swap3A = arith.index_cast %add3A_162 : i32 to index
      %swap3A_164 = arith.constant 0 : index
      %swap3A_165 = tpu.vector_load %arg8[%swap3A, %swap3A_164] {strides = array<i32>} : memref<128x128xf32, #tpu.memory_space<vmem>>, vector<1x16xf32>,
      %swap3A_166 = vector.shape_cast %swap3A_165 : vector<1x16xf32> to vector<16xf32>
      %swap3A_167 = vector.shape_cast %broadcast_in_dim3A_163 : vector<16xf32> to vector<1x16xf32>
      tpu.vector_store %arg8[%swap3A, %swap3A_164], %swap3A_167 {strides = array<i32>} : memref<128x128xf32, #tpu.memory_space<vmem>>, vector<1x16xf32>,
      %broadcast_in_dim3A_168 = arith.constant 0.000000e+00 : f32
      %broadcast_in_dim3A_169 = vector.broadcast %broadcast_in_dim3A_168 : f32 to vector<16xf32>
      %swap3A_170 = arith.index_cast %add3A_162 : i32 to index
      %swap3A_171 = arith.constant 16 : index
      %swap3A_172 = tpu.vector_load %arg8[%swap3A_170, %swap3A_171] {strides = array<i32>} : memref<128x128xf32, #tpu.memory_space<vmem>>, vector<1x16xf32>,
      %swap3A_173 = vector.shape_cast %swap3A_172 : vector<1x16xf32> to vector<16xf32>
      %swap3A_174 = vector.shape_cast %broadcast_in_dim3A_169 : vector<16xf32> to vector<1x16xf32>
      tpu.vector_store %arg8[%swap3A_170, %swap3A_171], %swap3A_174 {strides = array<i32>} : memref<128x128xf32, #tpu.memory_space<vmem>>, vector<1x16xf32>,
      %broadcast_in_dim3A_175 = arith.constant 0.000000e+00 : f32
      %broadcast_in_dim3A_176 = vector.broadcast %broadcast_in_dim3A_175 : f32 to vector<16xf32>
      %swap3A_177 = arith.index_cast %add3A_162 : i32 to index
      %swap3A_178 = arith.constant 32 : index
      %swap3A_179 = tpu.vector_load %arg8[%swap3A_177, %swap3A_178] {strides = array<i32>} : memref<128x128xf32, #tpu.memory_space<vmem>>, vector<1x16xf32>,
      %swap3A_180 = vector.shape_cast %swap3A_179 : vector<1x16xf32> to vector<16xf32>
      %swap3A_181 = vector.shape_cast %broadcast_in_dim3A_176 : vector<16xf32> to vector<1x16xf32>
      tpu.vector_store %arg8[%swap3A_177, %swap3A_178], %swap3A_181 {strides = array<i32>} : memref<128x128xf32, #tpu.memory_space<vmem>>, vector<1x16xf32>,
      %broadcast_in_dim3A_182 = arith.constant 0.000000e+00 : f32
      %broadcast_in_dim3A_183 = vector.broadcast %broadcast_in_dim3A_182 : f32 to vector<16xf32>
      %swap3A_184 = arith.index_cast %add3A_162 : i32 to index
      %swap3A_185 = arith.constant 48 : index
      %swap3A_186 = tpu.vector_load %arg8[%swap3A_184, %swap3A_185] {strides = array<i32>} : memref<128x128xf32, #tpu.memory_space<vmem>>, vector<1x16xf32>,
      %swap3A_187 = vector.shape_cast %swap3A_186 : vector<1x16xf32> to vector<16xf32>
      %swap3A_188 = vector.shape_cast %broadcast_in_dim3A_183 : vector<16xf32> to vector<1x16xf32>
      tpu.vector_store %arg8[%swap3A_184, %swap3A_185], %swap3A_188 {strides = array<i32>} : memref<128x128xf32, #tpu.memory_space<vmem>>, vector<1x16xf32>,
      %broadcast_in_dim3A_189 = arith.constant 0.000000e+00 : f32
      %broadcast_in_dim3A_190 = vector.broadcast %broadcast_in_dim3A_189 : f32 to vector<16xf32>
      %swap3A_191 = arith.index_cast %add3A_162 : i32 to index
      %swap3A_192 = arith.constant 64 : index
      %swap3A_193 = tpu.vector_load %arg8[%swap3A_191, %swap3A_192] {strides = array<i32>} : memref<128x128xf32, #tpu.memory_space<vmem>>, vector<1x16xf32>,
      %swap3A_194 = vector.shape_cast %swap3A_193 : vector<1x16xf32> to vector<16xf32>
      %swap3A_195 = vector.shape_cast %broadcast_in_dim3A_190 : vector<16xf32> to vector<1x16xf32>
      tpu.vector_store %arg8[%swap3A_191, %swap3A_192], %swap3A_195 {strides = array<i32>} : memref<128x128xf32, #tpu.memory_space<vmem>>, vector<1x16xf32>,
      %broadcast_in_dim3A_196 = arith.constant 0.000000e+00 : f32
      %broadcast_in_dim3A_197 = vector.broadcast %broadcast_in_dim3A_196 : f32 to vector<16xf32>
      %swap3A_198 = arith.index_cast %add3A_162 : i32 to index
      %swap3A_199 = arith.constant 80 : index
      %swap3A_200 = tpu.vector_load %arg8[%swap3A_198, %swap3A_199] {strides = array<i32>} : memref<128x128xf32, #tpu.memory_space<vmem>>, vector<1x16xf32>,
      %swap3A_201 = vector.shape_cast %swap3A_200 : vector<1x16xf32> to vector<16xf32>
      %swap3A_202 = vector.shape_cast %broadcast_in_dim3A_197 : vector<16xf32> to vector<1x16xf32>
      tpu.vector_store %arg8[%swap3A_198, %swap3A_199], %swap3A_202 {strides = array<i32>} : memref<128x128xf32, #tpu.memory_space<vmem>>, vector<1x16xf32>,
      %broadcast_in_dim3A_203 = arith.constant 0.000000e+00 : f32
      %broadcast_in_dim3A_204 = vector.broadcast %broadcast_in_dim3A_203 : f32 to vector<16xf32>
      %swap3A_205 = arith.index_cast %add3A_162 : i32 to index
      %swap3A_206 = arith.constant 96 : index
      %swap3A_207 = tpu.vector_load %arg8[%swap3A_205, %swap3A_206] {strides = array<i32>} : memref<128x128xf32, #tpu.memory_space<vmem>>, vector<1x16xf32>,
      %swap3A_208 = vector.shape_cast %swap3A_207 : vector<1x16xf32> to vector<16xf32>
      %swap3A_209 = vector.shape_cast %broadcast_in_dim3A_204 : vector<16xf32> to vector<1x16xf32>
      tpu.vector_store %arg8[%swap3A_205, %swap3A_206], %swap3A_209 {strides = array<i32>} : memref<128x128xf32, #tpu.memory_space<vmem>>, vector<1x16xf32>,
      %broadcast_in_dim3A_210 = arith.constant 0.000000e+00 : f32
      %broadcast_in_dim3A_211 = vector.broadcast %broadcast_in_dim3A_210 : f32 to vector<16xf32>
      %swap3A_212 = arith.index_cast %add3A_162 : i32 to index
      %swap3A_213 = arith.constant 112 : index
      %swap3A_214 = tpu.vector_load %arg8[%swap3A_212, %swap3A_213] {strides = array<i32>} : memref<128x128xf32, #tpu.memory_space<vmem>>, vector<1x16xf32>,
      %swap3A_215 = vector.shape_cast %swap3A_214 : vector<1x16xf32> to vector<16xf32>
      %swap3A_216 = vector.shape_cast %broadcast_in_dim3A_211 : vector<16xf32> to vector<1x16xf32>
      tpu.vector_store %arg8[%swap3A_212, %swap3A_213], %swap3A_216 {strides = array<i32>} : memref<128x128xf32, #tpu.memory_space<vmem>>, vector<1x16xf32>,
    }
    %scan3A_108 = arith.constant 80 : i32
    %add3A_109 = arith.addi %add3A_4, %add3A_8 : i32
    %sub3A = arith.subi %add3A_109, %add3A_4 : i32
    %sub3A_110 = arith.constant 1 : i32
    %sub3A_111 = arith.constant 1 : i32
    %sub3A_112 = arith.subi %sub3A_110, %sub3A_111 : i32
    %add3A_113 = arith.addi %sub3A, %sub3A_112 : i32
    %div3A = arith.constant 1 : i32
    %div3A_114 = arith.divsi %add3A_113, %div3A : i32
    %while3A = arith.constant 1 : i32
    %while3A_115 = arith.constant 0 : i32
    %while3A_116 = arith.subi %div3A_114, %while3A_115 : i32
    %while3A_117 = arith.addi %while3A_115, %while3A_116 : i32
    %while3A_118 = arith.constant 1 : i32
    %while3A_119 = arith.divsi %while3A_116, %while3A_118 : i32
    %while3A_120 = arith.muli %while3A_119, %while3A_118 : i32
    %while3A_121 = arith.addi %while3A_115, %while3A_120 : i32
    %while3A_122 = arith.constant 1 : i32
    scf.for %while3A_158 = %while3A_115 to %while3A_121 step %while3A_122  : i32 {
      %mul3A_159 = arith.muli %while3A_158, %while3A : i32
      %add3A_160 = arith.addi %add3A_4, %mul3A_159 : i32
      %mul3A_161 = arith.constant 80 : i32
      %mul3A_162 = arith.muli %add3A_160, %mul3A_161 : i32
      %multiple_of3A = tpu.assume_multiple %mul3A_162, 8 : i32
      "tpu.region"() ({
        %run_scoped3A = tpu.sem_alloc : memref<!tpu.dma_semaphore, #tpu.memory_space<semaphore_mem>>
        %dma_start3A_163 = arith.constant 0 : i32
        %dma_start3A_164 = arith.constant 0 : i32
        %dma_start3A_165 = tpu.memref_slice %arg8[%dma_start3A_163, %dma_start3A_164] : memref<128x128xf32, #tpu.memory_space<vmem>> -> memref<80x128xf32, #tpu.memory_space<vmem>>
        %dma_start3A_166 = arith.constant 0 : i32
        %dma_start3A_167 = tpu.memref_slice %arg15[%multiple_of3A, %dma_start3A_166] : memref<10000x128xf32, #tpu.memory_space<vmem_shared>> -> memref<80x128xf32, #tpu.memory_space<vmem_shared>>
        %dma_start3A_168 = arith.constant 0 : i32
        %dma_start3A_169 = tpu.memref_slice %arg15[%multiple_of3A, %dma_start3A_168] : memref<10000x128xf32, #tpu.memory_space<vmem_shared>> -> memref<80x128xf32, #tpu.memory_space<vmem_shared>>
        %dma_start3A_170 = arith.constant 0 : i32
        %dma_start3A_171 = arith.constant 0 : i32
        %dma_start3A_172 = tpu.memref_slice %arg8[%dma_start3A_170, %dma_start3A_171] : memref<128x128xf32, #tpu.memory_space<vmem>> -> memref<80x128xf32, #tpu.memory_space<vmem>>
        tpu.enqueue_dma source(%dma_start3A_172 : memref<80x128xf32, #tpu.memory_space<vmem>>) target(%dma_start3A_169 : memref<80x128xf32, #tpu.memory_space<vmem_shared>>) target_semaphore(%run_scoped3A : memref<!tpu.dma_semaphore, #tpu.memory_space<semaphore_mem>>)
        %dma_wait3A_173 = arith.constant 0 : i32
        %dma_wait3A_174 = arith.constant 0 : i32
        %dma_wait3A_175 = tpu.memref_slice %arg8[%dma_wait3A_173, %dma_wait3A_174] : memref<128x128xf32, #tpu.memory_space<vmem>> -> memref<80x128xf32, #tpu.memory_space<vmem>>
        %dma_wait3A_176 = arith.constant 0 : i32
        %dma_wait3A_177 = tpu.memref_slice %arg15[%multiple_of3A, %dma_wait3A_176] : memref<10000x128xf32, #tpu.memory_space<vmem_shared>> -> memref<80x128xf32, #tpu.memory_space<vmem_shared>>
        %dma_wait3A_178 = arith.constant 0 : i32
        %dma_wait3A_179 = tpu.memref_slice %arg15[%multiple_of3A, %dma_wait3A_178] : memref<10000x128xf32, #tpu.memory_space<vmem_shared>> -> memref<80x128xf32, #tpu.memory_space<vmem_shared>>
        %dma_wait3A_180 = arith.constant 0 : i32
        %dma_wait3A_181 = arith.constant 0 : i32
        %dma_wait3A_182 = tpu.memref_slice %arg8[%dma_wait3A_180, %dma_wait3A_181] : memref<128x128xf32, #tpu.memory_space<vmem>> -> memref<80x128xf32, #tpu.memory_space<vmem>>
        tpu.wait_dma2 semaphore(%run_scoped3A : memref<!tpu.dma_semaphore, #tpu.memory_space<semaphore_mem>>) src(%dma_wait3A_182 : memref<80x128xf32, #tpu.memory_space<vmem>>) dst(%dma_wait3A_179 : memref<80x128xf32, #tpu.memory_space<vmem_shared>>)
        tpu.yield
      }) : () -> ()
    }
    %while3A_123 = arith.constant 1 : i32
    scf.for %while3A_158 = %while3A_121 to %while3A_117 step %while3A_123  : i32 {
      %mul3A_159 = arith.muli %while3A_158, %while3A : i32
      %add3A_160 = arith.addi %add3A_4, %mul3A_159 : i32
      %mul3A_161 = arith.constant 80 : i32
      %mul3A_162 = arith.muli %add3A_160, %mul3A_161 : i32
      %multiple_of3A = tpu.assume_multiple %mul3A_162, 8 : i32
      "tpu.region"() ({
        %run_scoped3A = tpu.sem_alloc : memref<!tpu.dma_semaphore, #tpu.memory_space<semaphore_mem>>
        %dma_start3A_163 = arith.constant 0 : i32
        %dma_start3A_164 = arith.constant 0 : i32
        %dma_start3A_165 = tpu.memref_slice %arg8[%dma_start3A_163, %dma_start3A_164] : memref<128x128xf32, #tpu.memory_space<vmem>> -> memref<80x128xf32, #tpu.memory_space<vmem>>
        %dma_start3A_166 = arith.constant 0 : i32
        %dma_start3A_167 = tpu.memref_slice %arg15[%multiple_of3A, %dma_start3A_166] : memref<10000x128xf32, #tpu.memory_space<vmem_shared>> -> memref<80x128xf32, #tpu.memory_space<vmem_shared>>
        %dma_start3A_168 = arith.constant 0 : i32
        %dma_start3A_169 = tpu.memref_slice %arg15[%multiple_of3A, %dma_start3A_168] : memref<10000x128xf32, #tpu.memory_space<vmem_shared>> -> memref<80x128xf32, #tpu.memory_space<vmem_shared>>
        %dma_start3A_170 = arith.constant 0 : i32
        %dma_start3A_171 = arith.constant 0 : i32
        %dma_start3A_172 = tpu.memref_slice %arg8[%dma_start3A_170, %dma_start3A_171] : memref<128x128xf32, #tpu.memory_space<vmem>> -> memref<80x128xf32, #tpu.memory_space<vmem>>
        tpu.enqueue_dma source(%dma_start3A_172 : memref<80x128xf32, #tpu.memory_space<vmem>>) target(%dma_start3A_169 : memref<80x128xf32, #tpu.memory_space<vmem_shared>>) target_semaphore(%run_scoped3A : memref<!tpu.dma_semaphore, #tpu.memory_space<semaphore_mem>>)
        %dma_wait3A_173 = arith.constant 0 : i32
        %dma_wait3A_174 = arith.constant 0 : i32
        %dma_wait3A_175 = tpu.memref_slice %arg8[%dma_wait3A_173, %dma_wait3A_174] : memref<128x128xf32, #tpu.memory_space<vmem>> -> memref<80x128xf32, #tpu.memory_space<vmem>>
        %dma_wait3A_176 = arith.constant 0 : i32
        %dma_wait3A_177 = tpu.memref_slice %arg15[%multiple_of3A, %dma_wait3A_176] : memref<10000x128xf32, #tpu.memory_space<vmem_shared>> -> memref<80x128xf32, #tpu.memory_space<vmem_shared>>
        %dma_wait3A_178 = arith.constant 0 : i32
        %dma_wait3A_179 = tpu.memref_slice %arg15[%multiple_of3A, %dma_wait3A_178] : memref<10000x128xf32, #tpu.memory_space<vmem_shared>> -> memref<80x128xf32, #tpu.memory_space<vmem_shared>>
        %dma_wait3A_180 = arith.constant 0 : i32
        %dma_wait3A_181 = arith.constant 0 : i32
        %dma_wait3A_182 = tpu.memref_slice %arg8[%dma_wait3A_180, %dma_wait3A_181] : memref<128x128xf32, #tpu.memory_space<vmem>> -> memref<80x128xf32, #tpu.memory_space<vmem>>
        tpu.wait_dma2 semaphore(%run_scoped3A : memref<!tpu.dma_semaphore, #tpu.memory_space<semaphore_mem>>) src(%dma_wait3A_182 : memref<80x128xf32, #tpu.memory_space<vmem>>) dst(%dma_wait3A_179 : memref<80x128xf32, #tpu.memory_space<vmem_shared>>)
        tpu.yield
      }) : () -> ()
    }
    %barrier3A = arith.constant 0 : index
    tpu.barrier barrier_id(%barrier3A)
    %scan3A_124 = arith.constant 0 : i32
    %scan3A_125 = arith.constant 26 : i32
    %scan3A_126 = arith.addi %scan3A_124, %scan3A_125 : i32
    %scan3A_127 = arith.constant 1 : i32
    scf.for %scan3A_158 = %scan3A_124 to %scan3A_126 step %scan3A_127  : i32 {
      %mul3A_159 = arith.constant 3 : i32
      %mul3A_160 = arith.muli %scan3A_158, %mul3A_159 : i32
      %add3A_161 = arith.constant 0 : i32
      %add3A_162 = arith.addi %add3A_161, %mul3A_160 : i32
      %add3A_163 = arith.constant 0 : i32
      %add3A_164 = arith.addi %add3A_162, %add3A_163 : i32
      %ge3A = arith.constant 1 : i32
      %ge3A_165 = arith.cmpi sge, %add3A_164, %ge3A : i32
      %convert_element_type3A_166 = arith.extui %ge3A_165 : i1 to i32
      %cond3A_167 = arith.constant 0 : i32
      %cond3A_168 = arith.cmpi ne, %convert_element_type3A_166, %cond3A_167 : i32
      scf.if %cond3A_168 {
        %dma_wait3A_315 = arith.constant 0 : i32
        %dma_wait3A_316 = arith.constant 0 : i32
        %dma_wait3A_317 = tpu.memref_slice %arg14[%dma_wait3A_315, %dma_wait3A_316] : memref<1x128xi32, #tpu.memory_space<vmem>> -> memref<1x128xi32, #tpu.memory_space<vmem>>
        %dma_wait3A_318 = tpu.memref_squeeze %dma_wait3A_317 : memref<1x128xi32, #tpu.memory_space<vmem>> -> memref<128xi32, #tpu.memory_space<vmem>>
        %dma_wait3A_319 = arith.constant 0 : i32
        %dma_wait3A_320 = arith.constant 0 : i32
        %dma_wait3A_321 = tpu.memref_slice %arg15[%dma_wait3A_319, %dma_wait3A_320] : memref<10000x128xf32, #tpu.memory_space<vmem_shared>> -> memref<10000x128xf32, #tpu.memory_space<vmem_shared>>
        tpu.wait_indirect_dma semaphore(%arg21 : memref<!tpu.dma_semaphore, #tpu.memory_space<semaphore_mem>>) src(%arg8 : memref<128x128xf32, #tpu.memory_space<vmem>>) dst(%dma_wait3A_321 : memref<10000x128xf32, #tpu.memory_space<vmem_shared>>)
      } else {
      }
      %add3A_169 = arith.constant 2 : i32
      %add3A_170 = arith.addi %add3A_164, %add3A_169 : i32
      %lt3A_171 = arith.constant 78 : i32
      %lt3A_172 = arith.cmpi slt, %add3A_170, %lt3A_171 : i32
      %convert_element_type3A_173 = arith.extui %lt3A_172 : i1 to i32
      %cond3A_174 = arith.constant 0 : i32
      %cond3A_175 = arith.cmpi ne, %convert_element_type3A_173, %cond3A_174 : i32
      scf.if %cond3A_175 {
        %add3A_315 = arith.constant 2 : i32
        %add3A_316 = arith.addi %add3A_164, %add3A_315 : i32
        %mul3A_317 = arith.constant 78 : i32
        %mul3A_318 = arith.muli %add3A, %mul3A_317 : i32
        %add3A_319 = arith.addi %mul3A_318, %add3A_316 : i32
        %dma_start3A_320 = arith.constant 0 : i32
        %dma_start3A_321 = arith.constant 0 : i32
        %dma_start3A_322 = tpu.memref_slice %arg4[%add3A_319, %dma_start3A_320, %dma_start3A_321] : memref<2500x1x128xi32, #tpu.memory_space<hbm>> -> memref<1x1x128xi32, #tpu.memory_space<hbm>>
        %dma_start3A_323 = tpu.memref_squeeze %dma_start3A_322 : memref<1x1x128xi32, #tpu.memory_space<hbm>> -> memref<1x128xi32, #tpu.memory_space<hbm>>
        %dma_start3A_324 = arith.constant 0 : i32
        %dma_start3A_325 = arith.constant 0 : i32
        %dma_start3A_326 = tpu.memref_slice %arg4[%add3A_319, %dma_start3A_324, %dma_start3A_325] : memref<2500x1x128xi32, #tpu.memory_space<hbm>> -> memref<1x1x128xi32, #tpu.memory_space<hbm>>
        %dma_start3A_327 = tpu.memref_squeeze %dma_start3A_326 : memref<1x1x128xi32, #tpu.memory_space<hbm>> -> memref<1x128xi32, #tpu.memory_space<hbm>>
        tpu.enqueue_dma source(%dma_start3A_327 : memref<1x128xi32, #tpu.memory_space<hbm>>) target(%arg14 : memref<1x128xi32, #tpu.memory_space<vmem>>) target_semaphore(%arg27 : memref<!tpu.dma_semaphore, #tpu.memory_space<semaphore_mem>>)
        %add3A_328 = arith.constant 2 : i32
        %add3A_329 = arith.addi %add3A_164, %add3A_328 : i32
        %mul3A_330 = arith.constant 78 : i32
        %mul3A_331 = arith.muli %add3A, %mul3A_330 : i32
        %add3A_332 = arith.addi %mul3A_331, %add3A_329 : i32
        %dma_wait3A_333 = arith.constant 0 : i32
        %dma_wait3A_334 = arith.constant 0 : i32
        %dma_wait3A_335 = tpu.memref_slice %arg3[%add3A_332, %dma_wait3A_333, %dma_wait3A_334] : memref<2500x1x256xi32, #tpu.memory_space<hbm>> -> memref<1x1x256xi32, #tpu.memory_space<hbm>>
        %dma_wait3A_336 = tpu.memref_squeeze %dma_wait3A_335 : memref<1x1x256xi32, #tpu.memory_space<hbm>> -> memref<1x256xi32, #tpu.memory_space<hbm>>
        %dma_wait3A_337 = arith.constant 0 : i32
        %dma_wait3A_338 = arith.constant 0 : i32
        %dma_wait3A_339 = tpu.memref_slice %arg3[%add3A_332, %dma_wait3A_337, %dma_wait3A_338] : memref<2500x1x256xi32, #tpu.memory_space<hbm>> -> memref<1x1x256xi32, #tpu.memory_space<hbm>>
        %dma_wait3A_340 = tpu.memref_squeeze %dma_wait3A_339 : memref<1x1x256xi32, #tpu.memory_space<hbm>> -> memref<1x256xi32, #tpu.memory_space<hbm>>
        tpu.wait_dma2 semaphore(%arg24 : memref<!tpu.dma_semaphore, #tpu.memory_space<semaphore_mem>>) src(%dma_wait3A_340 : memref<1x256xi32, #tpu.memory_space<hbm>>) dst(%arg11 : memref<1x256xi32, #tpu.memory_space<vmem>>)
        %dma_start3A_341 = arith.constant 0 : i32
        %dma_start3A_342 = arith.constant 0 : i32
        %dma_start3A_343 = tpu.memref_slice %arg11[%dma_start3A_341, %dma_start3A_342] : memref<1x256xi32, #tpu.memory_space<vmem>> -> memref<1x128xi32, #tpu.memory_space<vmem>>
        %dma_start3A_344 = tpu.memref_squeeze %dma_start3A_343 : memref<1x128xi32, #tpu.memory_space<vmem>> -> memref<128xi32, #tpu.memory_space<vmem>>
        %dma_start3A_345 = arith.constant 0 : i32
        %dma_start3A_346 = arith.constant 0 : i32
        %dma_start3A_347 = tpu.memref_slice %arg2[%dma_start3A_345, %dma_start3A_346] : memref<10000x128xf32, #tpu.memory_space<hbm>> -> memref<10000x128xf32, #tpu.memory_space<hbm>>
        tpu.enqueue_indirect_dma source(%dma_start3A_347 : memref<10000x128xf32, #tpu.memory_space<hbm>>) target(%arg8 : memref<128x128xf32, #tpu.memory_space<vmem>>) offsets(%dma_start3A_344 : memref<128xi32, #tpu.memory_space<vmem>>) semaphore(%arg18 : memref<!tpu.dma_semaphore, #tpu.memory_space<semaphore_mem>>)
      } else {
      }
      %dma_wait3A_176 = arith.constant 0 : i32
      %dma_wait3A_177 = arith.constant 0 : i32
      %dma_wait3A_178 = tpu.memref_slice %arg9[%dma_wait3A_176, %dma_wait3A_177] : memref<1x256xi32, #tpu.memory_space<vmem>> -> memref<1x128xi32, #tpu.memory_space<vmem>>
      %dma_wait3A_179 = tpu.memref_squeeze %dma_wait3A_178 : memref<1x128xi32, #tpu.memory_space<vmem>> -> memref<128xi32, #tpu.memory_space<vmem>>
      %dma_wait3A_180 = arith.constant 0 : i32
      %dma_wait3A_181 = arith.constant 0 : i32
      %dma_wait3A_182 = tpu.memref_slice %arg2[%dma_wait3A_180, %dma_wait3A_181] : memref<10000x128xf32, #tpu.memory_space<hbm>> -> memref<10000x128xf32, #tpu.memory_space<hbm>>
      tpu.wait_indirect_dma semaphore(%arg16 : memref<!tpu.dma_semaphore, #tpu.memory_space<semaphore_mem>>) src(%dma_wait3A_182 : memref<10000x128xf32, #tpu.memory_space<hbm>>) dst(%arg6 : memref<128x128xf32, #tpu.memory_space<vmem>>)
      %scan3A_183 = arith.constant 0 : i32
      %scan3A_184 = arith.constant 8 : i32
      %scan3A_185 = arith.addi %scan3A_183, %scan3A_184 : i32
      %scan3A_186 = arith.constant 1 : i32
      scf.for %scan3A_315 = %scan3A_183 to %scan3A_185 step %scan3A_186  : i32 {
        %mul3A_316 = arith.constant 1 : i32
        %mul3A_317 = arith.muli %scan3A_315, %mul3A_316 : i32
        %add3A_318 = arith.constant 0 : i32
        %add3A_319 = arith.addi %add3A_318, %mul3A_317 : i32
        %mul3A_320 = arith.constant 16 : i32
        %mul3A_321 = arith.muli %add3A_319, %mul3A_320 : i32
        %add3A_322 = arith.constant 128 : i32
        %add3A_323 = arith.addi %add3A_322, %mul3A_321 : i32
        %get3A = arith.constant 0 : i32
        %get3A_324 = arith.index_cast %get3A : i32 to index
        %get3A_325 = arith.index_cast %add3A_323 : i32 to index
        %get3A_326 = tpu.vector_load %arg9[%get3A_324, %get3A_325] {strides = array<i32>} : memref<1x256xi32, #tpu.memory_space<vmem>>, vector<1x16xi32>,
        %get3A_327 = vector.shape_cast %get3A_326 : vector<1x16xi32> to vector<16xi32>
        %bitcast_convert_type3A = tpu.bitcast %get3A_327 : vector<16xi32> -> vector<16xf32>
        %scan3A_328 = arith.constant 0 : i32
        %scan3A_329 = arith.constant 16 : i32
        %scan3A_330 = arith.addi %scan3A_328, %scan3A_329 : i32
        %scan3A_331 = arith.constant 4 : i32
        scf.for %scan3A_333 = %scan3A_328 to %scan3A_330 step %scan3A_331  : i32 {
          %mul3A_334 = arith.constant 1 : i32
          %mul3A_335 = arith.muli %scan3A_333, %mul3A_334 : i32
          %add3A_336 = arith.constant 0 : i32
          %add3A_337 = arith.addi %add3A_336, %mul3A_335 : i32
          %broadcast_in_dim3A = vector.broadcast %add3A_337 : i32 to vector<16xi32>
          %lt3A_338 = arith.constant 0 : i32
          %lt3A_339 = vector.broadcast %lt3A_338 : i32 to vector<16xi32>
          %lt3A_340 = arith.cmpi slt, %broadcast_in_dim3A, %lt3A_339 : vector<16xi32>
          %add3A_341 = arith.constant 16 : i32
          %add3A_342 = vector.broadcast %add3A_341 : i32 to vector<16xi32>
          %add3A_343 = arith.addi %broadcast_in_dim3A, %add3A_342 : vector<16xi32>
          %select_n3A_344 = arith.select %lt3A_340, %add3A_343, %broadcast_in_dim3A : vector<16xi1>, vector<16xi32>
          %broadcast_in_dim3A_345 = vector.shape_cast %select_n3A_344 : vector<16xi32> to vector<16x1xi32>
          %gather3A = vector.shape_cast %broadcast_in_dim3A_345 : vector<16x1xi32> to vector<16xi32>
          %gather3A_346 = tpu.dynamic_gather %bitcast_convert_type3A[%gather3A] in [0] : vector<16xf32>, vector<16xi32> -> vector<16xf32>
          %mul3A_347 = arith.constant 16 : i32
          %mul3A_348 = arith.muli %add3A_319, %mul3A_347 : i32
          %add3A_349 = arith.addi %mul3A_348, %add3A_337 : i32
          %get3A_350 = arith.index_cast %add3A_349 : i32 to index
          %get3A_351 = arith.constant 0 : index
          %get3A_352 = tpu.vector_load %arg6[%get3A_350, %get3A_351] {strides = array<i32>} : memref<128x128xf32, #tpu.memory_space<vmem>>, vector<1x16xf32>,
          %get3A_353 = vector.shape_cast %get3A_352 : vector<1x16xf32> to vector<16xf32>
          %mul3A_354 = arith.mulf %get3A_353, %gather3A_346 : vector<16xf32>
          %swap3A = arith.index_cast %add3A_349 : i32 to index
          %swap3A_355 = arith.constant 0 : index
          %swap3A_356 = tpu.vector_load %arg6[%swap3A, %swap3A_355] {strides = array<i32>} : memref<128x128xf32, #tpu.memory_space<vmem>>, vector<1x16xf32>,
          %swap3A_357 = vector.shape_cast %swap3A_356 : vector<1x16xf32> to vector<16xf32>
          %swap3A_358 = vector.shape_cast %mul3A_354 : vector<16xf32> to vector<1x16xf32>
          tpu.vector_store %arg6[%swap3A, %swap3A_355], %swap3A_358 {strides = array<i32>} : memref<128x128xf32, #tpu.memory_space<vmem>>, vector<1x16xf32>,
          %get3A_359 = arith.index_cast %add3A_349 : i32 to index
          %get3A_360 = arith.constant 16 : index
          %get3A_361 = tpu.vector_load %arg6[%get3A_359, %get3A_360] {strides = array<i32>} : memref<128x128xf32, #tpu.memory_space<vmem>>, vector<1x16xf32>,
          %get3A_362 = vector.shape_cast %get3A_361 : vector<1x16xf32> to vector<16xf32>
          %mul3A_363 = arith.mulf %get3A_362, %gather3A_346 : vector<16xf32>
          %swap3A_364 = arith.index_cast %add3A_349 : i32 to index
          %swap3A_365 = arith.constant 16 : index
          %swap3A_366 = tpu.vector_load %arg6[%swap3A_364, %swap3A_365] {strides = array<i32>} : memref<128x128xf32, #tpu.memory_space<vmem>>, vector<1x16xf32>,
          %swap3A_367 = vector.shape_cast %swap3A_366 : vector<1x16xf32> to vector<16xf32>
          %swap3A_368 = vector.shape_cast %mul3A_363 : vector<16xf32> to vector<1x16xf32>
          tpu.vector_store %arg6[%swap3A_364, %swap3A_365], %swap3A_368 {strides = array<i32>} : memref<128x128xf32, #tpu.memory_space<vmem>>, vector<1x16xf32>,
          %get3A_369 = arith.index_cast %add3A_349 : i32 to index
          %get3A_370 = arith.constant 32 : index
          %get3A_371 = tpu.vector_load %arg6[%get3A_369, %get3A_370] {strides = array<i32>} : memref<128x128xf32, #tpu.memory_space<vmem>>, vector<1x16xf32>,
          %get3A_372 = vector.shape_cast %get3A_371 : vector<1x16xf32> to vector<16xf32>
          %mul3A_373 = arith.mulf %get3A_372, %gather3A_346 : vector<16xf32>
          %swap3A_374 = arith.index_cast %add3A_349 : i32 to index
          %swap3A_375 = arith.constant 32 : index
          %swap3A_376 = tpu.vector_load %arg6[%swap3A_374, %swap3A_375] {strides = array<i32>} : memref<128x128xf32, #tpu.memory_space<vmem>>, vector<1x16xf32>,
          %swap3A_377 = vector.shape_cast %swap3A_376 : vector<1x16xf32> to vector<16xf32>
          %swap3A_378 = vector.shape_cast %mul3A_373 : vector<16xf32> to vector<1x16xf32>
          tpu.vector_store %arg6[%swap3A_374, %swap3A_375], %swap3A_378 {strides = array<i32>} : memref<128x128xf32, #tpu.memory_space<vmem>>, vector<1x16xf32>,
          %get3A_379 = arith.index_cast %add3A_349 : i32 to index
          %get3A_380 = arith.constant 48 : index
          %get3A_381 = tpu.vector_load %arg6[%get3A_379, %get3A_380] {strides = array<i32>} : memref<128x128xf32, #tpu.memory_space<vmem>>, vector<1x16xf32>,
          %get3A_382 = vector.shape_cast %get3A_381 : vector<1x16xf32> to vector<16xf32>
          %mul3A_383 = arith.mulf %get3A_382, %gather3A_346 : vector<16xf32>
          %swap3A_384 = arith.index_cast %add3A_349 : i32 to index
          %swap3A_385 = arith.constant 48 : index
          %swap3A_386 = tpu.vector_load %arg6[%swap3A_384, %swap3A_385] {strides = array<i32>} : memref<128x128xf32, #tpu.memory_space<vmem>>, vector<1x16xf32>,
          %swap3A_387 = vector.shape_cast %swap3A_386 : vector<1x16xf32> to vector<16xf32>
          %swap3A_388 = vector.shape_cast %mul3A_383 : vector<16xf32> to vector<1x16xf32>
          tpu.vector_store %arg6[%swap3A_384, %swap3A_385], %swap3A_388 {strides = array<i32>} : memref<128x128xf32, #tpu.memory_space<vmem>>, vector<1x16xf32>,
          %get3A_389 = arith.index_cast %add3A_349 : i32 to index
          %get3A_390 = arith.constant 64 : index
          %get3A_391 = tpu.vector_load %arg6[%get3A_389, %get3A_390] {strides = array<i32>} : memref<128x128xf32, #tpu.memory_space<vmem>>, vector<1x16xf32>,
          %get3A_392 = vector.shape_cast %get3A_391 : vector<1x16xf32> to vector<16xf32>
          %mul3A_393 = arith.mulf %get3A_392, %gather3A_346 : vector<16xf32>
          %swap3A_394 = arith.index_cast %add3A_349 : i32 to index
          %swap3A_395 = arith.constant 64 : index
          %swap3A_396 = tpu.vector_load %arg6[%swap3A_394, %swap3A_395] {strides = array<i32>} : memref<128x128xf32, #tpu.memory_space<vmem>>, vector<1x16xf32>,
          %swap3A_397 = vector.shape_cast %swap3A_396 : vector<1x16xf32> to vector<16xf32>
          %swap3A_398 = vector.shape_cast %mul3A_393 : vector<16xf32> to vector<1x16xf32>
          tpu.vector_store %arg6[%swap3A_394, %swap3A_395], %swap3A_398 {strides = array<i32>} : memref<128x128xf32, #tpu.memory_space<vmem>>, vector<1x16xf32>,
          %get3A_399 = arith.index_cast %add3A_349 : i32 to index
          %get3A_400 = arith.constant 80 : index
          %get3A_401 = tpu.vector_load %arg6[%get3A_399, %get3A_400] {strides = array<i32>} : memref<128x128xf32, #tpu.memory_space<vmem>>, vector<1x16xf32>,
          %get3A_402 = vector.shape_cast %get3A_401 : vector<1x16xf32> to vector<16xf32>
          %mul3A_403 = arith.mulf %get3A_402, %gather3A_346 : vector<16xf32>
          %swap3A_404 = arith.index_cast %add3A_349 : i32 to index
          %swap3A_405 = arith.constant 80 : index
          %swap3A_406 = tpu.vector_load %arg6[%swap3A_404, %swap3A_405] {strides = array<i32>} : memref<128x128xf32, #tpu.memory_space<vmem>>, vector<1x16xf32>,
          %swap3A_407 = vector.shape_cast %swap3A_406 : vector<1x16xf32> to vector<16xf32>
          %swap3A_408 = vector.shape_cast %mul3A_403 : vector<16xf32> to vector<1x16xf32>
          tpu.vector_store %arg6[%swap3A_404, %swap3A_405], %swap3A_408 {strides = array<i32>} : memref<128x128xf32, #tpu.memory_space<vmem>>, vector<1x16xf32>,
          %get3A_409 = arith.index_cast %add3A_349 : i32 to index
          %get3A_410 = arith.constant 96 : index
          %get3A_411 = tpu.vector_load %arg6[%get3A_409, %get3A_410] {strides = array<i32>} : memref<128x128xf32, #tpu.memory_space<vmem>>, vector<1x16xf32>,
          %get3A_412 = vector.shape_cast %get3A_411 : vector<1x16xf32> to vector<16xf32>
          %mul3A_413 = arith.mulf %get3A_412, %gather3A_346 : vector<16xf32>
          %swap3A_414 = arith.index_cast %add3A_349 : i32 to index
          %swap3A_415 = arith.constant 96 : index
          %swap3A_416 = tpu.vector_load %arg6[%swap3A_414, %swap3A_415] {strides = array<i32>} : memref<128x128xf32, #tpu.memory_space<vmem>>, vector<1x16xf32>,
          %swap3A_417 = vector.shape_cast %swap3A_416 : vector<1x16xf32> to vector<16xf32>
          %swap3A_418 = vector.shape_cast %mul3A_413 : vector<16xf32> to vector<1x16xf32>
          tpu.vector_store %arg6[%swap3A_414, %swap3A_415], %swap3A_418 {strides = array<i32>} : memref<128x128xf32, #tpu.memory_space<vmem>>, vector<1x16xf32>,
          %get3A_419 = arith.index_cast %add3A_349 : i32 to index
          %get3A_420 = arith.constant 112 : index
          %get3A_421 = tpu.vector_load %arg6[%get3A_419, %get3A_420] {strides = array<i32>} : memref<128x128xf32, #tpu.memory_space<vmem>>, vector<1x16xf32>,
          %get3A_422 = vector.shape_cast %get3A_421 : vector<1x16xf32> to vector<16xf32>
          %mul3A_423 = arith.mulf %get3A_422, %gather3A_346 : vector<16xf32>
          %swap3A_424 = arith.index_cast %add3A_349 : i32 to index
          %swap3A_425 = arith.constant 112 : index
          %swap3A_426 = tpu.vector_load %arg6[%swap3A_424, %swap3A_425] {strides = array<i32>} : memref<128x128xf32, #tpu.memory_space<vmem>>, vector<1x16xf32>,
          %swap3A_427 = vector.shape_cast %swap3A_426 : vector<1x16xf32> to vector<16xf32>
          %swap3A_428 = vector.shape_cast %mul3A_423 : vector<16xf32> to vector<1x16xf32>
          tpu.vector_store %arg6[%swap3A_424, %swap3A_425], %swap3A_428 {strides = array<i32>} : memref<128x128xf32, #tpu.memory_space<vmem>>, vector<1x16xf32>,
          %scan3A_429 = arith.constant 1 : i32
          %scan3A_430 = arith.addi %scan3A_333, %scan3A_429 : i32
          %mul3A_431 = arith.constant 1 : i32
          %mul3A_432 = arith.muli %scan3A_430, %mul3A_431 : i32
          %add3A_433 = arith.constant 0 : i32
          %add3A_434 = arith.addi %add3A_433, %mul3A_432 : i32
          %broadcast_in_dim3A_435 = vector.broadcast %add3A_434 : i32 to vector<16xi32>
          %lt3A_436 = arith.constant 0 : i32
          %lt3A_437 = vector.broadcast %lt3A_436 : i32 to vector<16xi32>
          %lt3A_438 = arith.cmpi slt, %broadcast_in_dim3A_435, %lt3A_437 : vector<16xi32>
          %add3A_439 = arith.constant 16 : i32
          %add3A_440 = vector.broadcast %add3A_439 : i32 to vector<16xi32>
          %add3A_441 = arith.addi %broadcast_in_dim3A_435, %add3A_440 : vector<16xi32>
          %select_n3A_442 = arith.select %lt3A_438, %add3A_441, %broadcast_in_dim3A_435 : vector<16xi1>, vector<16xi32>
          %broadcast_in_dim3A_443 = vector.shape_cast %select_n3A_442 : vector<16xi32> to vector<16x1xi32>
          %gather3A_444 = vector.shape_cast %broadcast_in_dim3A_443 : vector<16x1xi32> to vector<16xi32>
          %gather3A_445 = tpu.dynamic_gather %bitcast_convert_type3A[%gather3A_444] in [0] : vector<16xf32>, vector<16xi32> -> vector<16xf32>
          %mul3A_446 = arith.constant 16 : i32
          %mul3A_447 = arith.muli %add3A_319, %mul3A_446 : i32
          %add3A_448 = arith.addi %mul3A_447, %add3A_434 : i32
          %get3A_449 = arith.index_cast %add3A_448 : i32 to index
          %get3A_450 = arith.constant 0 : index
          %get3A_451 = tpu.vector_load %arg6[%get3A_449, %get3A_450] {strides = array<i32>} : memref<128x128xf32, #tpu.memory_space<vmem>>, vector<1x16xf32>,
          %get3A_452 = vector.shape_cast %get3A_451 : vector<1x16xf32> to vector<16xf32>
          %mul3A_453 = arith.mulf %get3A_452, %gather3A_445 : vector<16xf32>
          %swap3A_454 = arith.index_cast %add3A_448 : i32 to index
          %swap3A_455 = arith.constant 0 : index
          %swap3A_456 = tpu.vector_load %arg6[%swap3A_454, %swap3A_455] {strides = array<i32>} : memref<128x128xf32, #tpu.memory_space<vmem>>, vector<1x16xf32>,
          %swap3A_457 = vector.shape_cast %swap3A_456 : vector<1x16xf32> to vector<16xf32>
          %swap3A_458 = vector.shape_cast %mul3A_453 : vector<16xf32> to vector<1x16xf32>
          tpu.vector_store %arg6[%swap3A_454, %swap3A_455], %swap3A_458 {strides = array<i32>} : memref<128x128xf32, #tpu.memory_space<vmem>>, vector<1x16xf32>,
          %get3A_459 = arith.index_cast %add3A_448 : i32 to index
          %get3A_460 = arith.constant 16 : index
          %get3A_461 = tpu.vector_load %arg6[%get3A_459, %get3A_460] {strides = array<i32>} : memref<128x128xf32, #tpu.memory_space<vmem>>, vector<1x16xf32>,
          %get3A_462 = vector.shape_cast %get3A_461 : vector<1x16xf32> to vector<16xf32>
          %mul3A_463 = arith.mulf %get3A_462, %gather3A_445 : vector<16xf32>
          %swap3A_464 = arith.index_cast %add3A_448 : i32 to index
          %swap3A_465 = arith.constant 16 : index
          %swap3A_466 = tpu.vector_load %arg6[%swap3A_464, %swap3A_465] {strides = array<i32>} : memref<128x128xf32, #tpu.memory_space<vmem>>, vector<1x16xf32>,
          %swap3A_467 = vector.shape_cast %swap3A_466 : vector<1x16xf32> to vector<16xf32>
          %swap3A_468 = vector.shape_cast %mul3A_463 : vector<16xf32> to vector<1x16xf32>
          tpu.vector_store %arg6[%swap3A_464, %swap3A_465], %swap3A_468 {strides = array<i32>} : memref<128x128xf32, #tpu.memory_space<vmem>>, vector<1x16xf32>,
          %get3A_469 = arith.index_cast %add3A_448 : i32 to index
          %get3A_470 = arith.constant 32 : index
          %get3A_471 = tpu.vector_load %arg6[%get3A_469, %get3A_470] {strides = array<i32>} : memref<128x128xf32, #tpu.memory_space<vmem>>, vector<1x16xf32>,
          %get3A_472 = vector.shape_cast %get3A_471 : vector<1x16xf32> to vector<16xf32>
          %mul3A_473 = arith.mulf %get3A_472, %gather3A_445 : vector<16xf32>
          %swap3A_474 = arith.index_cast %add3A_448 : i32 to index
          %swap3A_475 = arith.constant 32 : index
          %swap3A_476 = tpu.vector_load %arg6[%swap3A_474, %swap3A_475] {strides = array<i32>} : memref<128x128xf32, #tpu.memory_space<vmem>>, vector<1x16xf32>,
          %swap3A_477 = vector.shape_cast %swap3A_476 : vector<1x16xf32> to vector<16xf32>
          %swap3A_478 = vector.shape_cast %mul3A_473 : vector<16xf32> to vector<1x16xf32>
          tpu.vector_store %arg6[%swap3A_474, %swap3A_475], %swap3A_478 {strides = array<i32>} : memref<128x128xf32, #tpu.memory_space<vmem>>, vector<1x16xf32>,
          %get3A_479 = arith.index_cast %add3A_448 : i32 to index
          %get3A_480 = arith.constant 48 : index
          %get3A_481 = tpu.vector_load %arg6[%get3A_479, %get3A_480] {strides = array<i32>} : memref<128x128xf32, #tpu.memory_space<vmem>>, vector<1x16xf32>,
          %get3A_482 = vector.shape_cast %get3A_481 : vector<1x16xf32> to vector<16xf32>
          %mul3A_483 = arith.mulf %get3A_482, %gather3A_445 : vector<16xf32>
          %swap3A_484 = arith.index_cast %add3A_448 : i32 to index
          %swap3A_485 = arith.constant 48 : index
          %swap3A_486 = tpu.vector_load %arg6[%swap3A_484, %swap3A_485] {strides = array<i32>} : memref<128x128xf32, #tpu.memory_space<vmem>>, vector<1x16xf32>,
          %swap3A_487 = vector.shape_cast %swap3A_486 : vector<1x16xf32> to vector<16xf32>
          %swap3A_488 = vector.shape_cast %mul3A_483 : vector<16xf32> to vector<1x16xf32>
          tpu.vector_store %arg6[%swap3A_484, %swap3A_485], %swap3A_488 {strides = array<i32>} : memref<128x128xf32, #tpu.memory_space<vmem>>, vector<1x16xf32>,
          %get3A_489 = arith.index_cast %add3A_448 : i32 to index
          %get3A_490 = arith.constant 64 : index
          %get3A_491 = tpu.vector_load %arg6[%get3A_489, %get3A_490] {strides = array<i32>} : memref<128x128xf32, #tpu.memory_space<vmem>>, vector<1x16xf32>,
          %get3A_492 = vector.shape_cast %get3A_491 : vector<1x16xf32> to vector<16xf32>
          %mul3A_493 = arith.mulf %get3A_492, %gather3A_445 : vector<16xf32>
          %swap3A_494 = arith.index_cast %add3A_448 : i32 to index
          %swap3A_495 = arith.constant 64 : index
          %swap3A_496 = tpu.vector_load %arg6[%swap3A_494, %swap3A_495] {strides = array<i32>} : memref<128x128xf32, #tpu.memory_space<vmem>>, vector<1x16xf32>,
          %swap3A_497 = vector.shape_cast %swap3A_496 : vector<1x16xf32> to vector<16xf32>
          %swap3A_498 = vector.shape_cast %mul3A_493 : vector<16xf32> to vector<1x16xf32>
          tpu.vector_store %arg6[%swap3A_494, %swap3A_495], %swap3A_498 {strides = array<i32>} : memref<128x128xf32, #tpu.memory_space<vmem>>, vector<1x16xf32>,
          %get3A_499 = arith.index_cast %add3A_448 : i32 to index
          %get3A_500 = arith.constant 80 : index
          %get3A_501 = tpu.vector_load %arg6[%get3A_499, %get3A_500] {strides = array<i32>} : memref<128x128xf32, #tpu.memory_space<vmem>>, vector<1x16xf32>,
          %get3A_502 = vector.shape_cast %get3A_501 : vector<1x16xf32> to vector<16xf32>
          %mul3A_503 = arith.mulf %get3A_502, %gather3A_445 : vector<16xf32>
          %swap3A_504 = arith.index_cast %add3A_448 : i32 to index
          %swap3A_505 = arith.constant 80 : index
          %swap3A_506 = tpu.vector_load %arg6[%swap3A_504, %swap3A_505] {strides = array<i32>} : memref<128x128xf32, #tpu.memory_space<vmem>>, vector<1x16xf32>,
          %swap3A_507 = vector.shape_cast %swap3A_506 : vector<1x16xf32> to vector<16xf32>
          %swap3A_508 = vector.shape_cast %mul3A_503 : vector<16xf32> to vector<1x16xf32>
          tpu.vector_store %arg6[%swap3A_504, %swap3A_505], %swap3A_508 {strides = array<i32>} : memref<128x128xf32, #tpu.memory_space<vmem>>, vector<1x16xf32>,
          %get3A_509 = arith.index_cast %add3A_448 : i32 to index
          %get3A_510 = arith.constant 96 : index
          %get3A_511 = tpu.vector_load %arg6[%get3A_509, %get3A_510] {strides = array<i32>} : memref<128x128xf32, #tpu.memory_space<vmem>>, vector<1x16xf32>,
          %get3A_512 = vector.shape_cast %get3A_511 : vector<1x16xf32> to vector<16xf32>
          %mul3A_513 = arith.mulf %get3A_512, %gather3A_445 : vector<16xf32>
          %swap3A_514 = arith.index_cast %add3A_448 : i32 to index
          %swap3A_515 = arith.constant 96 : index
          %swap3A_516 = tpu.vector_load %arg6[%swap3A_514, %swap3A_515] {strides = array<i32>} : memref<128x128xf32, #tpu.memory_space<vmem>>, vector<1x16xf32>,
          %swap3A_517 = vector.shape_cast %swap3A_516 : vector<1x16xf32> to vector<16xf32>
          %swap3A_518 = vector.shape_cast %mul3A_513 : vector<16xf32> to vector<1x16xf32>
          tpu.vector_store %arg6[%swap3A_514, %swap3A_515], %swap3A_518 {strides = array<i32>} : memref<128x128xf32, #tpu.memory_space<vmem>>, vector<1x16xf32>,
          %get3A_519 = arith.index_cast %add3A_448 : i32 to index
          %get3A_520 = arith.constant 112 : index
          %get3A_521 = tpu.vector_load %arg6[%get3A_519, %get3A_520] {strides = array<i32>} : memref<128x128xf32, #tpu.memory_space<vmem>>, vector<1x16xf32>,
          %get3A_522 = vector.shape_cast %get3A_521 : vector<1x16xf32> to vector<16xf32>
          %mul3A_523 = arith.mulf %get3A_522, %gather3A_445 : vector<16xf32>
          %swap3A_524 = arith.index_cast %add3A_448 : i32 to index
          %swap3A_525 = arith.constant 112 : index
          %swap3A_526 = tpu.vector_load %arg6[%swap3A_524, %swap3A_525] {strides = array<i32>} : memref<128x128xf32, #tpu.memory_space<vmem>>, vector<1x16xf32>,
          %swap3A_527 = vector.shape_cast %swap3A_526 : vector<1x16xf32> to vector<16xf32>
          %swap3A_528 = vector.shape_cast %mul3A_523 : vector<16xf32> to vector<1x16xf32>
          tpu.vector_store %arg6[%swap3A_524, %swap3A_525], %swap3A_528 {strides = array<i32>} : memref<128x128xf32, #tpu.memory_space<vmem>>, vector<1x16xf32>,
          %scan3A_529 = arith.constant 2 : i32
          %scan3A_530 = arith.addi %scan3A_333, %scan3A_529 : i32
          %mul3A_531 = arith.constant 1 : i32
          %mul3A_532 = arith.muli %scan3A_530, %mul3A_531 : i32
          %add3A_533 = arith.constant 0 : i32
          %add3A_534 = arith.addi %add3A_533, %mul3A_532 : i32
          %broadcast_in_dim3A_535 = vector.broadcast %add3A_534 : i32 to vector<16xi32>
          %lt3A_536 = arith.constant 0 : i32
          %lt3A_537 = vector.broadcast %lt3A_536 : i32 to vector<16xi32>
          %lt3A_538 = arith.cmpi slt, %broadcast_in_dim3A_535, %lt3A_537 : vector<16xi32>
          %add3A_539 = arith.constant 16 : i32
          %add3A_540 = vector.broadcast %add3A_539 : i32 to vector<16xi32>
          %add3A_541 = arith.addi %broadcast_in_dim3A_535, %add3A_540 : vector<16xi32>
          %select_n3A_542 = arith.select %lt3A_538, %add3A_541, %broadcast_in_dim3A_535 : vector<16xi1>, vector<16xi32>
          %broadcast_in_dim3A_543 = vector.shape_cast %select_n3A_542 : vector<16xi32> to vector<16x1xi32>
          %gather3A_544 = vector.shape_cast %broadcast_in_dim3A_543 : vector<16x1xi32> to vector<16xi32>
          %gather3A_545 = tpu.dynamic_gather %bitcast_convert_type3A[%gather3A_544] in [0] : vector<16xf32>, vector<16xi32> -> vector<16xf32>
          %mul3A_546 = arith.constant 16 : i32
          %mul3A_547 = arith.muli %add3A_319, %mul3A_546 : i32
          %add3A_548 = arith.addi %mul3A_547, %add3A_534 : i32
          %get3A_549 = arith.index_cast %add3A_548 : i32 to index
          %get3A_550 = arith.constant 0 : index
          %get3A_551 = tpu.vector_load %arg6[%get3A_549, %get3A_550] {strides = array<i32>} : memref<128x128xf32, #tpu.memory_space<vmem>>, vector<1x16xf32>,
          %get3A_552 = vector.shape_cast %get3A_551 : vector<1x16xf32> to vector<16xf32>
          %mul3A_553 = arith.mulf %get3A_552, %gather3A_545 : vector<16xf32>
          %swap3A_554 = arith.index_cast %add3A_548 : i32 to index
          %swap3A_555 = arith.constant 0 : index
          %swap3A_556 = tpu.vector_load %arg6[%swap3A_554, %swap3A_555] {strides = array<i32>} : memref<128x128xf32, #tpu.memory_space<vmem>>, vector<1x16xf32>,
          %swap3A_557 = vector.shape_cast %swap3A_556 : vector<1x16xf32> to vector<16xf32>
          %swap3A_558 = vector.shape_cast %mul3A_553 : vector<16xf32> to vector<1x16xf32>
          tpu.vector_store %arg6[%swap3A_554, %swap3A_555], %swap3A_558 {strides = array<i32>} : memref<128x128xf32, #tpu.memory_space<vmem>>, vector<1x16xf32>,
          %get3A_559 = arith.index_cast %add3A_548 : i32 to index
          %get3A_560 = arith.constant 16 : index
          %get3A_561 = tpu.vector_load %arg6[%get3A_559, %get3A_560] {strides = array<i32>} : memref<128x128xf32, #tpu.memory_space<vmem>>, vector<1x16xf32>,
          %get3A_562 = vector.shape_cast %get3A_561 : vector<1x16xf32> to vector<16xf32>
          %mul3A_563 = arith.mulf %get3A_562, %gather3A_545 : vector<16xf32>
          %swap3A_564 = arith.index_cast %add3A_548 : i32 to index
          %swap3A_565 = arith.constant 16 : index
          %swap3A_566 = tpu.vector_load %arg6[%swap3A_564, %swap3A_565] {strides = array<i32>} : memref<128x128xf32, #tpu.memory_space<vmem>>, vector<1x16xf32>,
          %swap3A_567 = vector.shape_cast %swap3A_566 : vector<1x16xf32> to vector<16xf32>
          %swap3A_568 = vector.shape_cast %mul3A_563 : vector<16xf32> to vector<1x16xf32>
          tpu.vector_store %arg6[%swap3A_564, %swap3A_565], %swap3A_568 {strides = array<i32>} : memref<128x128xf32, #tpu.memory_space<vmem>>, vector<1x16xf32>,
          %get3A_569 = arith.index_cast %add3A_548 : i32 to index
          %get3A_570 = arith.constant 32 : index
          %get3A_571 = tpu.vector_load %arg6[%get3A_569, %get3A_570] {strides = array<i32>} : memref<128x128xf32, #tpu.memory_space<vmem>>, vector<1x16xf32>,
          %get3A_572 = vector.shape_cast %get3A_571 : vector<1x16xf32> to vector<16xf32>
          %mul3A_573 = arith.mulf %get3A_572, %gather3A_545 : vector<16xf32>
          %swap3A_574 = arith.index_cast %add3A_548 : i32 to index
          %swap3A_575 = arith.constant 32 : index
          %swap3A_576 = tpu.vector_load %arg6[%swap3A_574, %swap3A_575] {strides = array<i32>} : memref<128x128xf32, #tpu.memory_space<vmem>>, vector<1x16xf32>,
          %swap3A_577 = vector.shape_cast %swap3A_576 : vector<1x16xf32> to vector<16xf32>
          %swap3A_578 = vector.shape_cast %mul3A_573 : vector<16xf32> to vector<1x16xf32>
          tpu.vector_store %arg6[%swap3A_574, %swap3A_575], %swap3A_578 {strides = array<i32>} : memref<128x128xf32, #tpu.memory_space<vmem>>, vector<1x16xf32>,
          %get3A_579 = arith.index_cast %add3A_548 : i32 to index
          %get3A_580 = arith.constant 48 : index
          %get3A_581 = tpu.vector_load %arg6[%get3A_579, %get3A_580] {strides = array<i32>} : memref<128x128xf32, #tpu.memory_space<vmem>>, vector<1x16xf32>,
          %get3A_582 = vector.shape_cast %get3A_581 : vector<1x16xf32> to vector<16xf32>
          %mul3A_583 = arith.mulf %get3A_582, %gather3A_545 : vector<16xf32>
          %swap3A_584 = arith.index_cast %add3A_548 : i32 to index
          %swap3A_585 = arith.constant 48 : index
          %swap3A_586 = tpu.vector_load %arg6[%swap3A_584, %swap3A_585] {strides = array<i32>} : memref<128x128xf32, #tpu.memory_space<vmem>>, vector<1x16xf32>,
          %swap3A_587 = vector.shape_cast %swap3A_586 : vector<1x16xf32> to vector<16xf32>
          %swap3A_588 = vector.shape_cast %mul3A_583 : vector<16xf32> to vector<1x16xf32>
          tpu.vector_store %arg6[%swap3A_584, %swap3A_585], %swap3A_588 {strides = array<i32>} : memref<128x128xf32, #tpu.memory_space<vmem>>, vector<1x16xf32>,
          %get3A_589 = arith.index_cast %add3A_548 : i32 to index
          %get3A_590 = arith.constant 64 : index
          %get3A_591 = tpu.vector_load %arg6[%get3A_589, %get3A_590] {strides = array<i32>} : memref<128x128xf32, #tpu.memory_space<vmem>>, vector<1x16xf32>,
          %get3A_592 = vector.shape_cast %get3A_591 : vector<1x16xf32> to vector<16xf32>
          %mul3A_593 = arith.mulf %get3A_592, %gather3A_545 : vector<16xf32>
          %swap3A_594 = arith.index_cast %add3A_548 : i32 to index
          %swap3A_595 = arith.constant 64 : index
          %swap3A_596 = tpu.vector_load %arg6[%swap3A_594, %swap3A_595] {strides = array<i32>} : memref<128x128xf32, #tpu.memory_space<vmem>>, vector<1x16xf32>,
          %swap3A_597 = vector.shape_cast %swap3A_596 : vector<1x16xf32> to vector<16xf32>
          %swap3A_598 = vector.shape_cast %mul3A_593 : vector<16xf32> to vector<1x16xf32>
          tpu.vector_store %arg6[%swap3A_594, %swap3A_595], %swap3A_598 {strides = array<i32>} : memref<128x128xf32, #tpu.memory_space<vmem>>, vector<1x16xf32>,
          %get3A_599 = arith.index_cast %add3A_548 : i32 to index
          %get3A_600 = arith.constant 80 : index
          %get3A_601 = tpu.vector_load %arg6[%get3A_599, %get3A_600] {strides = array<i32>} : memref<128x128xf32, #tpu.memory_space<vmem>>, vector<1x16xf32>,
          %get3A_602 = vector.shape_cast %get3A_601 : vector<1x16xf32> to vector<16xf32>
          %mul3A_603 = arith.mulf %get3A_602, %gather3A_545 : vector<16xf32>
          %swap3A_604 = arith.index_cast %add3A_548 : i32 to index
          %swap3A_605 = arith.constant 80 : index
          %swap3A_606 = tpu.vector_load %arg6[%swap3A_604, %swap3A_605] {strides = array<i32>} : memref<128x128xf32, #tpu.memory_space<vmem>>, vector<1x16xf32>,
          %swap3A_607 = vector.shape_cast %swap3A_606 : vector<1x16xf32> to vector<16xf32>
          %swap3A_608 = vector.shape_cast %mul3A_603 : vector<16xf32> to vector<1x16xf32>
          tpu.vector_store %arg6[%swap3A_604, %swap3A_605], %swap3A_608 {strides = array<i32>} : memref<128x128xf32, #tpu.memory_space<vmem>>, vector<1x16xf32>,
          %get3A_609 = arith.index_cast %add3A_548 : i32 to index
          %get3A_610 = arith.constant 96 : index
          %get3A_611 = tpu.vector_load %arg6[%get3A_609, %get3A_610] {strides = array<i32>} : memref<128x128xf32, #tpu.memory_space<vmem>>, vector<1x16xf32>,
          %get3A_612 = vector.shape_cast %get3A_611 : vector<1x16xf32> to vector<16xf32>
          %mul3A_613 = arith.mulf %get3A_612, %gather3A_545 : vector<16xf32>
          %swap3A_614 = arith.index_cast %add3A_548 : i32 to index
          %swap3A_615 = arith.constant 96 : index
          %swap3A_616 = tpu.vector_load %arg6[%swap3A_614, %swap3A_615] {strides = array<i32>} : memref<128x128xf32, #tpu.memory_space<vmem>>, vector<1x16xf32>,
          %swap3A_617 = vector.shape_cast %swap3A_616 : vector<1x16xf32> to vector<16xf32>
          %swap3A_618 = vector.shape_cast %mul3A_613 : vector<16xf32> to vector<1x16xf32>
          tpu.vector_store %arg6[%swap3A_614, %swap3A_615], %swap3A_618 {strides = array<i32>} : memref<128x128xf32, #tpu.memory_space<vmem>>, vector<1x16xf32>,
          %get3A_619 = arith.index_cast %add3A_548 : i32 to index
          %get3A_620 = arith.constant 112 : index
          %get3A_621 = tpu.vector_load %arg6[%get3A_619, %get3A_620] {strides = array<i32>} : memref<128x128xf32, #tpu.memory_space<vmem>>, vector<1x16xf32>,
          %get3A_622 = vector.shape_cast %get3A_621 : vector<1x16xf32> to vector<16xf32>
          %mul3A_623 = arith.mulf %get3A_622, %gather3A_545 : vector<16xf32>
          %swap3A_624 = arith.index_cast %add3A_548 : i32 to index
          %swap3A_625 = arith.constant 112 : index
          %swap3A_626 = tpu.vector_load %arg6[%swap3A_624, %swap3A_625] {strides = array<i32>} : memref<128x128xf32, #tpu.memory_space<vmem>>, vector<1x16xf32>,
          %swap3A_627 = vector.shape_cast %swap3A_626 : vector<1x16xf32> to vector<16xf32>
          %swap3A_628 = vector.shape_cast %mul3A_623 : vector<16xf32> to vector<1x16xf32>
          tpu.vector_store %arg6[%swap3A_624, %swap3A_625], %swap3A_628 {strides = array<i32>} : memref<128x128xf32, #tpu.memory_space<vmem>>, vector<1x16xf32>,
          %scan3A_629 = arith.constant 3 : i32
          %scan3A_630 = arith.addi %scan3A_333, %scan3A_629 : i32
          %mul3A_631 = arith.constant 1 : i32
          %mul3A_632 = arith.muli %scan3A_630, %mul3A_631 : i32
          %add3A_633 = arith.constant 0 : i32
          %add3A_634 = arith.addi %add3A_633, %mul3A_632 : i32
          %broadcast_in_dim3A_635 = vector.broadcast %add3A_634 : i32 to vector<16xi32>
          %lt3A_636 = arith.constant 0 : i32
          %lt3A_637 = vector.broadcast %lt3A_636 : i32 to vector<16xi32>
          %lt3A_638 = arith.cmpi slt, %broadcast_in_dim3A_635, %lt3A_637 : vector<16xi32>
          %add3A_639 = arith.constant 16 : i32
          %add3A_640 = vector.broadcast %add3A_639 : i32 to vector<16xi32>
          %add3A_641 = arith.addi %broadcast_in_dim3A_635, %add3A_640 : vector<16xi32>
          %select_n3A_642 = arith.select %lt3A_638, %add3A_641, %broadcast_in_dim3A_635 : vector<16xi1>, vector<16xi32>
          %broadcast_in_dim3A_643 = vector.shape_cast %select_n3A_642 : vector<16xi32> to vector<16x1xi32>
          %gather3A_644 = vector.shape_cast %broadcast_in_dim3A_643 : vector<16x1xi32> to vector<16xi32>
          %gather3A_645 = tpu.dynamic_gather %bitcast_convert_type3A[%gather3A_644] in [0] : vector<16xf32>, vector<16xi32> -> vector<16xf32>
          %mul3A_646 = arith.constant 16 : i32
          %mul3A_647 = arith.muli %add3A_319, %mul3A_646 : i32
          %add3A_648 = arith.addi %mul3A_647, %add3A_634 : i32
          %get3A_649 = arith.index_cast %add3A_648 : i32 to index
          %get3A_650 = arith.constant 0 : index
          %get3A_651 = tpu.vector_load %arg6[%get3A_649, %get3A_650] {strides = array<i32>} : memref<128x128xf32, #tpu.memory_space<vmem>>, vector<1x16xf32>,
          %get3A_652 = vector.shape_cast %get3A_651 : vector<1x16xf32> to vector<16xf32>
          %mul3A_653 = arith.mulf %get3A_652, %gather3A_645 : vector<16xf32>
          %swap3A_654 = arith.index_cast %add3A_648 : i32 to index
          %swap3A_655 = arith.constant 0 : index
          %swap3A_656 = tpu.vector_load %arg6[%swap3A_654, %swap3A_655] {strides = array<i32>} : memref<128x128xf32, #tpu.memory_space<vmem>>, vector<1x16xf32>,
          %swap3A_657 = vector.shape_cast %swap3A_656 : vector<1x16xf32> to vector<16xf32>
          %swap3A_658 = vector.shape_cast %mul3A_653 : vector<16xf32> to vector<1x16xf32>
          tpu.vector_store %arg6[%swap3A_654, %swap3A_655], %swap3A_658 {strides = array<i32>} : memref<128x128xf32, #tpu.memory_space<vmem>>, vector<1x16xf32>,
          %get3A_659 = arith.index_cast %add3A_648 : i32 to index
          %get3A_660 = arith.constant 16 : index
          %get3A_661 = tpu.vector_load %arg6[%get3A_659, %get3A_660] {strides = array<i32>} : memref<128x128xf32, #tpu.memory_space<vmem>>, vector<1x16xf32>,
          %get3A_662 = vector.shape_cast %get3A_661 : vector<1x16xf32> to vector<16xf32>
          %mul3A_663 = arith.mulf %get3A_662, %gather3A_645 : vector<16xf32>
          %swap3A_664 = arith.index_cast %add3A_648 : i32 to index
          %swap3A_665 = arith.constant 16 : index
          %swap3A_666 = tpu.vector_load %arg6[%swap3A_664, %swap3A_665] {strides = array<i32>} : memref<128x128xf32, #tpu.memory_space<vmem>>, vector<1x16xf32>,
          %swap3A_667 = vector.shape_cast %swap3A_666 : vector<1x16xf32> to vector<16xf32>
          %swap3A_668 = vector.shape_cast %mul3A_663 : vector<16xf32> to vector<1x16xf32>
          tpu.vector_store %arg6[%swap3A_664, %swap3A_665], %swap3A_668 {strides = array<i32>} : memref<128x128xf32, #tpu.memory_space<vmem>>, vector<1x16xf32>,
          %get3A_669 = arith.index_cast %add3A_648 : i32 to index
          %get3A_670 = arith.constant 32 : index
          %get3A_671 = tpu.vector_load %arg6[%get3A_669, %get3A_670] {strides = array<i32>} : memref<128x128xf32, #tpu.memory_space<vmem>>, vector<1x16xf32>,
          %get3A_672 = vector.shape_cast %get3A_671 : vector<1x16xf32> to vector<16xf32>
          %mul3A_673 = arith.mulf %get3A_672, %gather3A_645 : vector<16xf32>
          %swap3A_674 = arith.index_cast %add3A_648 : i32 to index
          %swap3A_675 = arith.constant 32 : index
          %swap3A_676 = tpu.vector_load %arg6[%swap3A_674, %swap3A_675] {strides = array<i32>} : memref<128x128xf32, #tpu.memory_space<vmem>>, vector<1x16xf32>,
          %swap3A_677 = vector.shape_cast %swap3A_676 : vector<1x16xf32> to vector<16xf32>
          %swap3A_678 = vector.shape_cast %mul3A_673 : vector<16xf32> to vector<1x16xf32>
          tpu.vector_store %arg6[%swap3A_674, %swap3A_675], %swap3A_678 {strides = array<i32>} : memref<128x128xf32, #tpu.memory_space<vmem>>, vector<1x16xf32>,
          %get3A_679 = arith.index_cast %add3A_648 : i32 to index
          %get3A_680 = arith.constant 48 : index
          %get3A_681 = tpu.vector_load %arg6[%get3A_679, %get3A_680] {strides = array<i32>} : memref<128x128xf32, #tpu.memory_space<vmem>>, vector<1x16xf32>,
          %get3A_682 = vector.shape_cast %get3A_681 : vector<1x16xf32> to vector<16xf32>
          %mul3A_683 = arith.mulf %get3A_682, %gather3A_645 : vector<16xf32>
          %swap3A_684 = arith.index_cast %add3A_648 : i32 to index
          %swap3A_685 = arith.constant 48 : index
          %swap3A_686 = tpu.vector_load %arg6[%swap3A_684, %swap3A_685] {strides = array<i32>} : memref<128x128xf32, #tpu.memory_space<vmem>>, vector<1x16xf32>,
          %swap3A_687 = vector.shape_cast %swap3A_686 : vector<1x16xf32> to vector<16xf32>
          %swap3A_688 = vector.shape_cast %mul3A_683 : vector<16xf32> to vector<1x16xf32>
          tpu.vector_store %arg6[%swap3A_684, %swap3A_685], %swap3A_688 {strides = array<i32>} : memref<128x128xf32, #tpu.memory_space<vmem>>, vector<1x16xf32>,
          %get3A_689 = arith.index_cast %add3A_648 : i32 to index
          %get3A_690 = arith.constant 64 : index
          %get3A_691 = tpu.vector_load %arg6[%get3A_689, %get3A_690] {strides = array<i32>} : memref<128x128xf32, #tpu.memory_space<vmem>>, vector<1x16xf32>,
          %get3A_692 = vector.shape_cast %get3A_691 : vector<1x16xf32> to vector<16xf32>
          %mul3A_693 = arith.mulf %get3A_692, %gather3A_645 : vector<16xf32>
          %swap3A_694 = arith.index_cast %add3A_648 : i32 to index
          %swap3A_695 = arith.constant 64 : index
          %swap3A_696 = tpu.vector_load %arg6[%swap3A_694, %swap3A_695] {strides = array<i32>} : memref<128x128xf32, #tpu.memory_space<vmem>>, vector<1x16xf32>,
          %swap3A_697 = vector.shape_cast %swap3A_696 : vector<1x16xf32> to vector<16xf32>
          %swap3A_698 = vector.shape_cast %mul3A_693 : vector<16xf32> to vector<1x16xf32>
          tpu.vector_store %arg6[%swap3A_694, %swap3A_695], %swap3A_698 {strides = array<i32>} : memref<128x128xf32, #tpu.memory_space<vmem>>, vector<1x16xf32>,
          %get3A_699 = arith.index_cast %add3A_648 : i32 to index
          %get3A_700 = arith.constant 80 : index
          %get3A_701 = tpu.vector_load %arg6[%get3A_699, %get3A_700] {strides = array<i32>} : memref<128x128xf32, #tpu.memory_space<vmem>>, vector<1x16xf32>,
          %get3A_702 = vector.shape_cast %get3A_701 : vector<1x16xf32> to vector<16xf32>
          %mul3A_703 = arith.mulf %get3A_702, %gather3A_645 : vector<16xf32>
          %swap3A_704 = arith.index_cast %add3A_648 : i32 to index
          %swap3A_705 = arith.constant 80 : index
          %swap3A_706 = tpu.vector_load %arg6[%swap3A_704, %swap3A_705] {strides = array<i32>} : memref<128x128xf32, #tpu.memory_space<vmem>>, vector<1x16xf32>,
          %swap3A_707 = vector.shape_cast %swap3A_706 : vector<1x16xf32> to vector<16xf32>
          %swap3A_708 = vector.shape_cast %mul3A_703 : vector<16xf32> to vector<1x16xf32>
          tpu.vector_store %arg6[%swap3A_704, %swap3A_705], %swap3A_708 {strides = array<i32>} : memref<128x128xf32, #tpu.memory_space<vmem>>, vector<1x16xf32>,
          %get3A_709 = arith.index_cast %add3A_648 : i32 to index
          %get3A_710 = arith.constant 96 : index
          %get3A_711 = tpu.vector_load %arg6[%get3A_709, %get3A_710] {strides = array<i32>} : memref<128x128xf32, #tpu.memory_space<vmem>>, vector<1x16xf32>,
          %get3A_712 = vector.shape_cast %get3A_711 : vector<1x16xf32> to vector<16xf32>
          %mul3A_713 = arith.mulf %get3A_712, %gather3A_645 : vector<16xf32>
          %swap3A_714 = arith.index_cast %add3A_648 : i32 to index
          %swap3A_715 = arith.constant 96 : index
          %swap3A_716 = tpu.vector_load %arg6[%swap3A_714, %swap3A_715] {strides = array<i32>} : memref<128x128xf32, #tpu.memory_space<vmem>>, vector<1x16xf32>,
          %swap3A_717 = vector.shape_cast %swap3A_716 : vector<1x16xf32> to vector<16xf32>
          %swap3A_718 = vector.shape_cast %mul3A_713 : vector<16xf32> to vector<1x16xf32>
          tpu.vector_store %arg6[%swap3A_714, %swap3A_715], %swap3A_718 {strides = array<i32>} : memref<128x128xf32, #tpu.memory_space<vmem>>, vector<1x16xf32>,
          %get3A_719 = arith.index_cast %add3A_648 : i32 to index
          %get3A_720 = arith.constant 112 : index
          %get3A_721 = tpu.vector_load %arg6[%get3A_719, %get3A_720] {strides = array<i32>} : memref<128x128xf32, #tpu.memory_space<vmem>>, vector<1x16xf32>,
          %get3A_722 = vector.shape_cast %get3A_721 : vector<1x16xf32> to vector<16xf32>
          %mul3A_723 = arith.mulf %get3A_722, %gather3A_645 : vector<16xf32>
          %swap3A_724 = arith.index_cast %add3A_648 : i32 to index
          %swap3A_725 = arith.constant 112 : index
          %swap3A_726 = tpu.vector_load %arg6[%swap3A_724, %swap3A_725] {strides = array<i32>} : memref<128x128xf32, #tpu.memory_space<vmem>>, vector<1x16xf32>,
          %swap3A_727 = vector.shape_cast %swap3A_726 : vector<1x16xf32> to vector<16xf32>
          %swap3A_728 = vector.shape_cast %mul3A_723 : vector<16xf32> to vector<1x16xf32>
          tpu.vector_store %arg6[%swap3A_724, %swap3A_725], %swap3A_728 {strides = array<i32>} : memref<128x128xf32, #tpu.memory_space<vmem>>, vector<1x16xf32>,
        }
        %scan3A_332 = arith.constant 16 : i32
      }
      %scan3A_187 = arith.constant 8 : i32
      %add3A_188 = arith.constant 3 : i32
      %add3A_189 = arith.addi %add3A_164, %add3A_188 : i32
      %lt3A_190 = arith.constant 78 : i32
      %lt3A_191 = arith.cmpi slt, %add3A_189, %lt3A_190 : i32
      %convert_element_type3A_192 = arith.extui %lt3A_191 : i1 to i32
      %cond3A_193 = arith.constant 0 : i32
      %cond3A_194 = arith.cmpi ne, %convert_element_type3A_192, %cond3A_193 : i32
      scf.if %cond3A_194 {
        %add3A_315 = arith.constant 3 : i32
        %add3A_316 = arith.addi %add3A_164, %add3A_315 : i32
        %mul3A_317 = arith.constant 78 : i32
        %mul3A_318 = arith.muli %add3A, %mul3A_317 : i32
        %add3A_319 = arith.addi %mul3A_318, %add3A_316 : i32
        %dma_start3A_320 = arith.constant 0 : i32
        %dma_start3A_321 = arith.constant 0 : i32
        %dma_start3A_322 = tpu.memref_slice %arg3[%add3A_319, %dma_start3A_320, %dma_start3A_321] : memref<2500x1x256xi32, #tpu.memory_space<hbm>> -> memref<1x1x256xi32, #tpu.memory_space<hbm>>
        %dma_start3A_323 = tpu.memref_squeeze %dma_start3A_322 : memref<1x1x256xi32, #tpu.memory_space<hbm>> -> memref<1x256xi32, #tpu.memory_space<hbm>>
        %dma_start3A_324 = arith.constant 0 : i32
        %dma_start3A_325 = arith.constant 0 : i32
        %dma_start3A_326 = tpu.memref_slice %arg3[%add3A_319, %dma_start3A_324, %dma_start3A_325] : memref<2500x1x256xi32, #tpu.memory_space<hbm>> -> memref<1x1x256xi32, #tpu.memory_space<hbm>>
        %dma_start3A_327 = tpu.memref_squeeze %dma_start3A_326 : memref<1x1x256xi32, #tpu.memory_space<hbm>> -> memref<1x256xi32, #tpu.memory_space<hbm>>
        tpu.enqueue_dma source(%dma_start3A_327 : memref<1x256xi32, #tpu.memory_space<hbm>>) target(%arg9 : memref<1x256xi32, #tpu.memory_space<vmem>>) target_semaphore(%arg22 : memref<!tpu.dma_semaphore, #tpu.memory_space<semaphore_mem>>)
      } else {
      }
      %mul3A_195 = arith.constant 78 : i32
      %mul3A_196 = arith.muli %add3A, %mul3A_195 : i32
      %add3A_197 = arith.addi %mul3A_196, %add3A_164 : i32
      %dma_wait3A_198 = arith.constant 0 : i32
      %dma_wait3A_199 = arith.constant 0 : i32
      %dma_wait3A_200 = tpu.memref_slice %arg4[%add3A_197, %dma_wait3A_198, %dma_wait3A_199] : memref<2500x1x128xi32, #tpu.memory_space<hbm>> -> memref<1x1x128xi32, #tpu.memory_space<hbm>>
      %dma_wait3A_201 = tpu.memref_squeeze %dma_wait3A_200 : memref<1x1x128xi32, #tpu.memory_space<hbm>> -> memref<1x128xi32, #tpu.memory_space<hbm>>
      %dma_wait3A_202 = arith.constant 0 : i32
      %dma_wait3A_203 = arith.constant 0 : i32
      %dma_wait3A_204 = tpu.memref_slice %arg4[%add3A_197, %dma_wait3A_202, %dma_wait3A_203] : memref<2500x1x128xi32, #tpu.memory_space<hbm>> -> memref<1x1x128xi32, #tpu.memory_space<hbm>>
      %dma_wait3A_205 = tpu.memref_squeeze %dma_wait3A_204 : memref<1x1x128xi32, #tpu.memory_space<hbm>> -> memref<1x128xi32, #tpu.memory_space<hbm>>
      tpu.wait_dma2 semaphore(%arg25 : memref<!tpu.dma_semaphore, #tpu.memory_space<semaphore_mem>>) src(%dma_wait3A_205 : memref<1x128xi32, #tpu.memory_space<hbm>>) dst(%arg12 : memref<1x128xi32, #tpu.memory_space<vmem>>)
      %dma_start3A_206 = arith.constant 0 : i32
      %dma_start3A_207 = arith.constant 0 : i32
      %dma_start3A_208 = tpu.memref_slice %arg12[%dma_start3A_206, %dma_start3A_207] : memref<1x128xi32, #tpu.memory_space<vmem>> -> memref<1x128xi32, #tpu.memory_space<vmem>>
      %dma_start3A_209 = tpu.memref_squeeze %dma_start3A_208 : memref<1x128xi32, #tpu.memory_space<vmem>> -> memref<128xi32, #tpu.memory_space<vmem>>
      %dma_start3A_210 = arith.constant 0 : i32
      %dma_start3A_211 = arith.constant 0 : i32
      %dma_start3A_212 = tpu.memref_slice %arg15[%dma_start3A_210, %dma_start3A_211] : memref<10000x128xf32, #tpu.memory_space<vmem_shared>> -> memref<10000x128xf32, #tpu.memory_space<vmem_shared>>
      tpu.enqueue_indirect_dma source(%arg6 : memref<128x128xf32, #tpu.memory_space<vmem>>) target(%dma_start3A_212 : memref<10000x128xf32, #tpu.memory_space<vmem_shared>>) offsets(%dma_start3A_209 : memref<128xi32, #tpu.memory_space<vmem>>) semaphore(%arg19 : memref<!tpu.dma_semaphore, #tpu.memory_space<semaphore_mem>>) {add = true}
      %add3A_213 = arith.constant 1 : i32
      %add3A_214 = arith.addi %add3A_162, %add3A_213 : i32
      %ge3A_215 = arith.constant 1 : i32
      %ge3A_216 = arith.cmpi sge, %add3A_214, %ge3A_215 : i32
      %convert_element_type3A_217 = arith.extui %ge3A_216 : i1 to i32
      %cond3A_218 = arith.constant 0 : i32
      %cond3A_219 = arith.cmpi ne, %convert_element_type3A_217, %cond3A_218 : i32
      scf.if %cond3A_219 {
        %dma_wait3A_315 = arith.constant 0 : i32
        %dma_wait3A_316 = arith.constant 0 : i32
        %dma_wait3A_317 = tpu.memref_slice %arg12[%dma_wait3A_315, %dma_wait3A_316] : memref<1x128xi32, #tpu.memory_space<vmem>> -> memref<1x128xi32, #tpu.memory_space<vmem>>
        %dma_wait3A_318 = tpu.memref_squeeze %dma_wait3A_317 : memref<1x128xi32, #tpu.memory_space<vmem>> -> memref<128xi32, #tpu.memory_space<vmem>>
        %dma_wait3A_319 = arith.constant 0 : i32
        %dma_wait3A_320 = arith.constant 0 : i32
        %dma_wait3A_321 = tpu.memref_slice %arg15[%dma_wait3A_319, %dma_wait3A_320] : memref<10000x128xf32, #tpu.memory_space<vmem_shared>> -> memref<10000x128xf32, #tpu.memory_space<vmem_shared>>
        tpu.wait_indirect_dma semaphore(%arg19 : memref<!tpu.dma_semaphore, #tpu.memory_space<semaphore_mem>>) src(%arg6 : memref<128x128xf32, #tpu.memory_space<vmem>>) dst(%dma_wait3A_321 : memref<10000x128xf32, #tpu.memory_space<vmem_shared>>)
      } else {
      }
      %add3A_220 = arith.constant 2 : i32
      %add3A_221 = arith.addi %add3A_214, %add3A_220 : i32
      %lt3A_222 = arith.constant 78 : i32
      %lt3A_223 = arith.cmpi slt, %add3A_221, %lt3A_222 : i32
      %convert_element_type3A_224 = arith.extui %lt3A_223 : i1 to i32
      %cond3A_225 = arith.constant 0 : i32
      %cond3A_226 = arith.cmpi ne, %convert_element_type3A_224, %cond3A_225 : i32
      scf.if %cond3A_226 {
        %add3A_315 = arith.constant 2 : i32
        %add3A_316 = arith.addi %add3A_214, %add3A_315 : i32
        %mul3A_317 = arith.constant 78 : i32
        %mul3A_318 = arith.muli %add3A, %mul3A_317 : i32
        %add3A_319 = arith.addi %mul3A_318, %add3A_316 : i32
        %dma_start3A_320 = arith.constant 0 : i32
        %dma_start3A_321 = arith.constant 0 : i32
        %dma_start3A_322 = tpu.memref_slice %arg4[%add3A_319, %dma_start3A_320, %dma_start3A_321] : memref<2500x1x128xi32, #tpu.memory_space<hbm>> -> memref<1x1x128xi32, #tpu.memory_space<hbm>>
        %dma_start3A_323 = tpu.memref_squeeze %dma_start3A_322 : memref<1x1x128xi32, #tpu.memory_space<hbm>> -> memref<1x128xi32, #tpu.memory_space<hbm>>
        %dma_start3A_324 = arith.constant 0 : i32
        %dma_start3A_325 = arith.constant 0 : i32
        %dma_start3A_326 = tpu.memref_slice %arg4[%add3A_319, %dma_start3A_324, %dma_start3A_325] : memref<2500x1x128xi32, #tpu.memory_space<hbm>> -> memref<1x1x128xi32, #tpu.memory_space<hbm>>
        %dma_start3A_327 = tpu.memref_squeeze %dma_start3A_326 : memref<1x1x128xi32, #tpu.memory_space<hbm>> -> memref<1x128xi32, #tpu.memory_space<hbm>>
        tpu.enqueue_dma source(%dma_start3A_327 : memref<1x128xi32, #tpu.memory_space<hbm>>) target(%arg12 : memref<1x128xi32, #tpu.memory_space<vmem>>) target_semaphore(%arg25 : memref<!tpu.dma_semaphore, #tpu.memory_space<semaphore_mem>>)
        %add3A_328 = arith.constant 2 : i32
        %add3A_329 = arith.addi %add3A_214, %add3A_328 : i32
        %mul3A_330 = arith.constant 78 : i32
        %mul3A_331 = arith.muli %add3A, %mul3A_330 : i32
        %add3A_332 = arith.addi %mul3A_331, %add3A_329 : i32
        %dma_wait3A_333 = arith.constant 0 : i32
        %dma_wait3A_334 = arith.constant 0 : i32
        %dma_wait3A_335 = tpu.memref_slice %arg3[%add3A_332, %dma_wait3A_333, %dma_wait3A_334] : memref<2500x1x256xi32, #tpu.memory_space<hbm>> -> memref<1x1x256xi32, #tpu.memory_space<hbm>>
        %dma_wait3A_336 = tpu.memref_squeeze %dma_wait3A_335 : memref<1x1x256xi32, #tpu.memory_space<hbm>> -> memref<1x256xi32, #tpu.memory_space<hbm>>
        %dma_wait3A_337 = arith.constant 0 : i32
        %dma_wait3A_338 = arith.constant 0 : i32
        %dma_wait3A_339 = tpu.memref_slice %arg3[%add3A_332, %dma_wait3A_337, %dma_wait3A_338] : memref<2500x1x256xi32, #tpu.memory_space<hbm>> -> memref<1x1x256xi32, #tpu.memory_space<hbm>>
        %dma_wait3A_340 = tpu.memref_squeeze %dma_wait3A_339 : memref<1x1x256xi32, #tpu.memory_space<hbm>> -> memref<1x256xi32, #tpu.memory_space<hbm>>
        tpu.wait_dma2 semaphore(%arg22 : memref<!tpu.dma_semaphore, #tpu.memory_space<semaphore_mem>>) src(%dma_wait3A_340 : memref<1x256xi32, #tpu.memory_space<hbm>>) dst(%arg9 : memref<1x256xi32, #tpu.memory_space<vmem>>)
        %dma_start3A_341 = arith.constant 0 : i32
        %dma_start3A_342 = arith.constant 0 : i32
        %dma_start3A_343 = tpu.memref_slice %arg9[%dma_start3A_341, %dma_start3A_342] : memref<1x256xi32, #tpu.memory_space<vmem>> -> memref<1x128xi32, #tpu.memory_space<vmem>>
        %dma_start3A_344 = tpu.memref_squeeze %dma_start3A_343 : memref<1x128xi32, #tpu.memory_space<vmem>> -> memref<128xi32, #tpu.memory_space<vmem>>
        %dma_start3A_345 = arith.constant 0 : i32
        %dma_start3A_346 = arith.constant 0 : i32
        %dma_start3A_347 = tpu.memref_slice %arg2[%dma_start3A_345, %dma_start3A_346] : memref<10000x128xf32, #tpu.memory_space<hbm>> -> memref<10000x128xf32, #tpu.memory_space<hbm>>
        tpu.enqueue_indirect_dma source(%dma_start3A_347 : memref<10000x128xf32, #tpu.memory_space<hbm>>) target(%arg6 : memref<128x128xf32, #tpu.memory_space<vmem>>) offsets(%dma_start3A_344 : memref<128xi32, #tpu.memory_space<vmem>>) semaphore(%arg16 : memref<!tpu.dma_semaphore, #tpu.memory_space<semaphore_mem>>)
      } else {
      }
      %dma_wait3A_227 = arith.constant 0 : i32
      %dma_wait3A_228 = arith.constant 0 : i32
      %dma_wait3A_229 = tpu.memref_slice %arg10[%dma_wait3A_227, %dma_wait3A_228] : memref<1x256xi32, #tpu.memory_space<vmem>> -> memref<1x128xi32, #tpu.memory_space<vmem>>
      %dma_wait3A_230 = tpu.memref_squeeze %dma_wait3A_229 : memref<1x128xi32, #tpu.memory_space<vmem>> -> memref<128xi32, #tpu.memory_space<vmem>>
      %dma_wait3A_231 = arith.constant 0 : i32
      %dma_wait3A_232 = arith.constant 0 : i32
      %dma_wait3A_233 = tpu.memref_slice %arg2[%dma_wait3A_231, %dma_wait3A_232] : memref<10000x128xf32, #tpu.memory_space<hbm>> -> memref<10000x128xf32, #tpu.memory_space<hbm>>
      tpu.wait_indirect_dma semaphore(%arg17 : memref<!tpu.dma_semaphore, #tpu.memory_space<semaphore_mem>>) src(%dma_wait3A_233 : memref<10000x128xf32, #tpu.memory_space<hbm>>) dst(%arg7 : memref<128x128xf32, #tpu.memory_space<vmem>>)
      %scan3A_234 = arith.constant 0 : i32
      %scan3A_235 = arith.constant 8 : i32
      %scan3A_236 = arith.addi %scan3A_234, %scan3A_235 : i32
      %scan3A_237 = arith.constant 1 : i32
      scf.for %scan3A_315 = %scan3A_234 to %scan3A_236 step %scan3A_237  : i32 {
        %mul3A_316 = arith.constant 1 : i32
        %mul3A_317 = arith.muli %scan3A_315, %mul3A_316 : i32
        %add3A_318 = arith.constant 0 : i32
        %add3A_319 = arith.addi %add3A_318, %mul3A_317 : i32
        %mul3A_320 = arith.constant 16 : i32
        %mul3A_321 = arith.muli %add3A_319, %mul3A_320 : i32
        %add3A_322 = arith.constant 128 : i32
        %add3A_323 = arith.addi %add3A_322, %mul3A_321 : i32
        %get3A = arith.constant 0 : i32
        %get3A_324 = arith.index_cast %get3A : i32 to index
        %get3A_325 = arith.index_cast %add3A_323 : i32 to index
        %get3A_326 = tpu.vector_load %arg10[%get3A_324, %get3A_325] {strides = array<i32>} : memref<1x256xi32, #tpu.memory_space<vmem>>, vector<1x16xi32>,
        %get3A_327 = vector.shape_cast %get3A_326 : vector<1x16xi32> to vector<16xi32>
        %bitcast_convert_type3A = tpu.bitcast %get3A_327 : vector<16xi32> -> vector<16xf32>
        %scan3A_328 = arith.constant 0 : i32
        %scan3A_329 = arith.constant 16 : i32
        %scan3A_330 = arith.addi %scan3A_328, %scan3A_329 : i32
        %scan3A_331 = arith.constant 4 : i32
        scf.for %scan3A_333 = %scan3A_328 to %scan3A_330 step %scan3A_331  : i32 {
          %mul3A_334 = arith.constant 1 : i32
          %mul3A_335 = arith.muli %scan3A_333, %mul3A_334 : i32
          %add3A_336 = arith.constant 0 : i32
          %add3A_337 = arith.addi %add3A_336, %mul3A_335 : i32
          %broadcast_in_dim3A = vector.broadcast %add3A_337 : i32 to vector<16xi32>
          %lt3A_338 = arith.constant 0 : i32
          %lt3A_339 = vector.broadcast %lt3A_338 : i32 to vector<16xi32>
          %lt3A_340 = arith.cmpi slt, %broadcast_in_dim3A, %lt3A_339 : vector<16xi32>
          %add3A_341 = arith.constant 16 : i32
          %add3A_342 = vector.broadcast %add3A_341 : i32 to vector<16xi32>
          %add3A_343 = arith.addi %broadcast_in_dim3A, %add3A_342 : vector<16xi32>
          %select_n3A_344 = arith.select %lt3A_340, %add3A_343, %broadcast_in_dim3A : vector<16xi1>, vector<16xi32>
          %broadcast_in_dim3A_345 = vector.shape_cast %select_n3A_344 : vector<16xi32> to vector<16x1xi32>
          %gather3A = vector.shape_cast %broadcast_in_dim3A_345 : vector<16x1xi32> to vector<16xi32>
          %gather3A_346 = tpu.dynamic_gather %bitcast_convert_type3A[%gather3A] in [0] : vector<16xf32>, vector<16xi32> -> vector<16xf32>
          %mul3A_347 = arith.constant 16 : i32
          %mul3A_348 = arith.muli %add3A_319, %mul3A_347 : i32
          %add3A_349 = arith.addi %mul3A_348, %add3A_337 : i32
          %get3A_350 = arith.index_cast %add3A_349 : i32 to index
          %get3A_351 = arith.constant 0 : index
          %get3A_352 = tpu.vector_load %arg7[%get3A_350, %get3A_351] {strides = array<i32>} : memref<128x128xf32, #tpu.memory_space<vmem>>, vector<1x16xf32>,
          %get3A_353 = vector.shape_cast %get3A_352 : vector<1x16xf32> to vector<16xf32>
          %mul3A_354 = arith.mulf %get3A_353, %gather3A_346 : vector<16xf32>
          %swap3A = arith.index_cast %add3A_349 : i32 to index
          %swap3A_355 = arith.constant 0 : index
          %swap3A_356 = tpu.vector_load %arg7[%swap3A, %swap3A_355] {strides = array<i32>} : memref<128x128xf32, #tpu.memory_space<vmem>>, vector<1x16xf32>,
          %swap3A_357 = vector.shape_cast %swap3A_356 : vector<1x16xf32> to vector<16xf32>
          %swap3A_358 = vector.shape_cast %mul3A_354 : vector<16xf32> to vector<1x16xf32>
          tpu.vector_store %arg7[%swap3A, %swap3A_355], %swap3A_358 {strides = array<i32>} : memref<128x128xf32, #tpu.memory_space<vmem>>, vector<1x16xf32>,
          %get3A_359 = arith.index_cast %add3A_349 : i32 to index
          %get3A_360 = arith.constant 16 : index
          %get3A_361 = tpu.vector_load %arg7[%get3A_359, %get3A_360] {strides = array<i32>} : memref<128x128xf32, #tpu.memory_space<vmem>>, vector<1x16xf32>,
          %get3A_362 = vector.shape_cast %get3A_361 : vector<1x16xf32> to vector<16xf32>
          %mul3A_363 = arith.mulf %get3A_362, %gather3A_346 : vector<16xf32>
          %swap3A_364 = arith.index_cast %add3A_349 : i32 to index
          %swap3A_365 = arith.constant 16 : index
          %swap3A_366 = tpu.vector_load %arg7[%swap3A_364, %swap3A_365] {strides = array<i32>} : memref<128x128xf32, #tpu.memory_space<vmem>>, vector<1x16xf32>,
          %swap3A_367 = vector.shape_cast %swap3A_366 : vector<1x16xf32> to vector<16xf32>
          %swap3A_368 = vector.shape_cast %mul3A_363 : vector<16xf32> to vector<1x16xf32>
          tpu.vector_store %arg7[%swap3A_364, %swap3A_365], %swap3A_368 {strides = array<i32>} : memref<128x128xf32, #tpu.memory_space<vmem>>, vector<1x16xf32>,
          %get3A_369 = arith.index_cast %add3A_349 : i32 to index
          %get3A_370 = arith.constant 32 : index
          %get3A_371 = tpu.vector_load %arg7[%get3A_369, %get3A_370] {strides = array<i32>} : memref<128x128xf32, #tpu.memory_space<vmem>>, vector<1x16xf32>,
          %get3A_372 = vector.shape_cast %get3A_371 : vector<1x16xf32> to vector<16xf32>
          %mul3A_373 = arith.mulf %get3A_372, %gather3A_346 : vector<16xf32>
          %swap3A_374 = arith.index_cast %add3A_349 : i32 to index
          %swap3A_375 = arith.constant 32 : index
          %swap3A_376 = tpu.vector_load %arg7[%swap3A_374, %swap3A_375] {strides = array<i32>} : memref<128x128xf32, #tpu.memory_space<vmem>>, vector<1x16xf32>,
          %swap3A_377 = vector.shape_cast %swap3A_376 : vector<1x16xf32> to vector<16xf32>
          %swap3A_378 = vector.shape_cast %mul3A_373 : vector<16xf32> to vector<1x16xf32>
          tpu.vector_store %arg7[%swap3A_374, %swap3A_375], %swap3A_378 {strides = array<i32>} : memref<128x128xf32, #tpu.memory_space<vmem>>, vector<1x16xf32>,
          %get3A_379 = arith.index_cast %add3A_349 : i32 to index
          %get3A_380 = arith.constant 48 : index
          %get3A_381 = tpu.vector_load %arg7[%get3A_379, %get3A_380] {strides = array<i32>} : memref<128x128xf32, #tpu.memory_space<vmem>>, vector<1x16xf32>,
          %get3A_382 = vector.shape_cast %get3A_381 : vector<1x16xf32> to vector<16xf32>
          %mul3A_383 = arith.mulf %get3A_382, %gather3A_346 : vector<16xf32>
          %swap3A_384 = arith.index_cast %add3A_349 : i32 to index
          %swap3A_385 = arith.constant 48 : index
          %swap3A_386 = tpu.vector_load %arg7[%swap3A_384, %swap3A_385] {strides = array<i32>} : memref<128x128xf32, #tpu.memory_space<vmem>>, vector<1x16xf32>,
          %swap3A_387 = vector.shape_cast %swap3A_386 : vector<1x16xf32> to vector<16xf32>
          %swap3A_388 = vector.shape_cast %mul3A_383 : vector<16xf32> to vector<1x16xf32>
          tpu.vector_store %arg7[%swap3A_384, %swap3A_385], %swap3A_388 {strides = array<i32>} : memref<128x128xf32, #tpu.memory_space<vmem>>, vector<1x16xf32>,
          %get3A_389 = arith.index_cast %add3A_349 : i32 to index
          %get3A_390 = arith.constant 64 : index
          %get3A_391 = tpu.vector_load %arg7[%get3A_389, %get3A_390] {strides = array<i32>} : memref<128x128xf32, #tpu.memory_space<vmem>>, vector<1x16xf32>,
          %get3A_392 = vector.shape_cast %get3A_391 : vector<1x16xf32> to vector<16xf32>
          %mul3A_393 = arith.mulf %get3A_392, %gather3A_346 : vector<16xf32>
          %swap3A_394 = arith.index_cast %add3A_349 : i32 to index
          %swap3A_395 = arith.constant 64 : index
          %swap3A_396 = tpu.vector_load %arg7[%swap3A_394, %swap3A_395] {strides = array<i32>} : memref<128x128xf32, #tpu.memory_space<vmem>>, vector<1x16xf32>,
          %swap3A_397 = vector.shape_cast %swap3A_396 : vector<1x16xf32> to vector<16xf32>
          %swap3A_398 = vector.shape_cast %mul3A_393 : vector<16xf32> to vector<1x16xf32>
          tpu.vector_store %arg7[%swap3A_394, %swap3A_395], %swap3A_398 {strides = array<i32>} : memref<128x128xf32, #tpu.memory_space<vmem>>, vector<1x16xf32>,
          %get3A_399 = arith.index_cast %add3A_349 : i32 to index
          %get3A_400 = arith.constant 80 : index
          %get3A_401 = tpu.vector_load %arg7[%get3A_399, %get3A_400] {strides = array<i32>} : memref<128x128xf32, #tpu.memory_space<vmem>>, vector<1x16xf32>,
          %get3A_402 = vector.shape_cast %get3A_401 : vector<1x16xf32> to vector<16xf32>
          %mul3A_403 = arith.mulf %get3A_402, %gather3A_346 : vector<16xf32>
          %swap3A_404 = arith.index_cast %add3A_349 : i32 to index
          %swap3A_405 = arith.constant 80 : index
          %swap3A_406 = tpu.vector_load %arg7[%swap3A_404, %swap3A_405] {strides = array<i32>} : memref<128x128xf32, #tpu.memory_space<vmem>>, vector<1x16xf32>,
          %swap3A_407 = vector.shape_cast %swap3A_406 : vector<1x16xf32> to vector<16xf32>
          %swap3A_408 = vector.shape_cast %mul3A_403 : vector<16xf32> to vector<1x16xf32>
          tpu.vector_store %arg7[%swap3A_404, %swap3A_405], %swap3A_408 {strides = array<i32>} : memref<128x128xf32, #tpu.memory_space<vmem>>, vector<1x16xf32>,
          %get3A_409 = arith.index_cast %add3A_349 : i32 to index
          %get3A_410 = arith.constant 96 : index
          %get3A_411 = tpu.vector_load %arg7[%get3A_409, %get3A_410] {strides = array<i32>} : memref<128x128xf32, #tpu.memory_space<vmem>>, vector<1x16xf32>,
          %get3A_412 = vector.shape_cast %get3A_411 : vector<1x16xf32> to vector<16xf32>
          %mul3A_413 = arith.mulf %get3A_412, %gather3A_346 : vector<16xf32>
          %swap3A_414 = arith.index_cast %add3A_349 : i32 to index
          %swap3A_415 = arith.constant 96 : index
          %swap3A_416 = tpu.vector_load %arg7[%swap3A_414, %swap3A_415] {strides = array<i32>} : memref<128x128xf32, #tpu.memory_space<vmem>>, vector<1x16xf32>,
          %swap3A_417 = vector.shape_cast %swap3A_416 : vector<1x16xf32> to vector<16xf32>
          %swap3A_418 = vector.shape_cast %mul3A_413 : vector<16xf32> to vector<1x16xf32>
          tpu.vector_store %arg7[%swap3A_414, %swap3A_415], %swap3A_418 {strides = array<i32>} : memref<128x128xf32, #tpu.memory_space<vmem>>, vector<1x16xf32>,
          %get3A_419 = arith.index_cast %add3A_349 : i32 to index
          %get3A_420 = arith.constant 112 : index
          %get3A_421 = tpu.vector_load %arg7[%get3A_419, %get3A_420] {strides = array<i32>} : memref<128x128xf32, #tpu.memory_space<vmem>>, vector<1x16xf32>,
          %get3A_422 = vector.shape_cast %get3A_421 : vector<1x16xf32> to vector<16xf32>
          %mul3A_423 = arith.mulf %get3A_422, %gather3A_346 : vector<16xf32>
          %swap3A_424 = arith.index_cast %add3A_349 : i32 to index
          %swap3A_425 = arith.constant 112 : index
          %swap3A_426 = tpu.vector_load %arg7[%swap3A_424, %swap3A_425] {strides = array<i32>} : memref<128x128xf32, #tpu.memory_space<vmem>>, vector<1x16xf32>,
          %swap3A_427 = vector.shape_cast %swap3A_426 : vector<1x16xf32> to vector<16xf32>
          %swap3A_428 = vector.shape_cast %mul3A_423 : vector<16xf32> to vector<1x16xf32>
          tpu.vector_store %arg7[%swap3A_424, %swap3A_425], %swap3A_428 {strides = array<i32>} : memref<128x128xf32, #tpu.memory_space<vmem>>, vector<1x16xf32>,
          %scan3A_429 = arith.constant 1 : i32
          %scan3A_430 = arith.addi %scan3A_333, %scan3A_429 : i32
          %mul3A_431 = arith.constant 1 : i32
          %mul3A_432 = arith.muli %scan3A_430, %mul3A_431 : i32
          %add3A_433 = arith.constant 0 : i32
          %add3A_434 = arith.addi %add3A_433, %mul3A_432 : i32
          %broadcast_in_dim3A_435 = vector.broadcast %add3A_434 : i32 to vector<16xi32>
          %lt3A_436 = arith.constant 0 : i32
          %lt3A_437 = vector.broadcast %lt3A_436 : i32 to vector<16xi32>
          %lt3A_438 = arith.cmpi slt, %broadcast_in_dim3A_435, %lt3A_437 : vector<16xi32>
          %add3A_439 = arith.constant 16 : i32
          %add3A_440 = vector.broadcast %add3A_439 : i32 to vector<16xi32>
          %add3A_441 = arith.addi %broadcast_in_dim3A_435, %add3A_440 : vector<16xi32>
          %select_n3A_442 = arith.select %lt3A_438, %add3A_441, %broadcast_in_dim3A_435 : vector<16xi1>, vector<16xi32>
          %broadcast_in_dim3A_443 = vector.shape_cast %select_n3A_442 : vector<16xi32> to vector<16x1xi32>
          %gather3A_444 = vector.shape_cast %broadcast_in_dim3A_443 : vector<16x1xi32> to vector<16xi32>
          %gather3A_445 = tpu.dynamic_gather %bitcast_convert_type3A[%gather3A_444] in [0] : vector<16xf32>, vector<16xi32> -> vector<16xf32>
          %mul3A_446 = arith.constant 16 : i32
          %mul3A_447 = arith.muli %add3A_319, %mul3A_446 : i32
          %add3A_448 = arith.addi %mul3A_447, %add3A_434 : i32
          %get3A_449 = arith.index_cast %add3A_448 : i32 to index
          %get3A_450 = arith.constant 0 : index
          %get3A_451 = tpu.vector_load %arg7[%get3A_449, %get3A_450] {strides = array<i32>} : memref<128x128xf32, #tpu.memory_space<vmem>>, vector<1x16xf32>,
          %get3A_452 = vector.shape_cast %get3A_451 : vector<1x16xf32> to vector<16xf32>
          %mul3A_453 = arith.mulf %get3A_452, %gather3A_445 : vector<16xf32>
          %swap3A_454 = arith.index_cast %add3A_448 : i32 to index
          %swap3A_455 = arith.constant 0 : index
          %swap3A_456 = tpu.vector_load %arg7[%swap3A_454, %swap3A_455] {strides = array<i32>} : memref<128x128xf32, #tpu.memory_space<vmem>>, vector<1x16xf32>,
          %swap3A_457 = vector.shape_cast %swap3A_456 : vector<1x16xf32> to vector<16xf32>
          %swap3A_458 = vector.shape_cast %mul3A_453 : vector<16xf32> to vector<1x16xf32>
          tpu.vector_store %arg7[%swap3A_454, %swap3A_455], %swap3A_458 {strides = array<i32>} : memref<128x128xf32, #tpu.memory_space<vmem>>, vector<1x16xf32>,
          %get3A_459 = arith.index_cast %add3A_448 : i32 to index
          %get3A_460 = arith.constant 16 : index
          %get3A_461 = tpu.vector_load %arg7[%get3A_459, %get3A_460] {strides = array<i32>} : memref<128x128xf32, #tpu.memory_space<vmem>>, vector<1x16xf32>,
          %get3A_462 = vector.shape_cast %get3A_461 : vector<1x16xf32> to vector<16xf32>
          %mul3A_463 = arith.mulf %get3A_462, %gather3A_445 : vector<16xf32>
          %swap3A_464 = arith.index_cast %add3A_448 : i32 to index
          %swap3A_465 = arith.constant 16 : index
          %swap3A_466 = tpu.vector_load %arg7[%swap3A_464, %swap3A_465] {strides = array<i32>} : memref<128x128xf32, #tpu.memory_space<vmem>>, vector<1x16xf32>,
          %swap3A_467 = vector.shape_cast %swap3A_466 : vector<1x16xf32> to vector<16xf32>
          %swap3A_468 = vector.shape_cast %mul3A_463 : vector<16xf32> to vector<1x16xf32>
          tpu.vector_store %arg7[%swap3A_464, %swap3A_465], %swap3A_468 {strides = array<i32>} : memref<128x128xf32, #tpu.memory_space<vmem>>, vector<1x16xf32>,
          %get3A_469 = arith.index_cast %add3A_448 : i32 to index
          %get3A_470 = arith.constant 32 : index
          %get3A_471 = tpu.vector_load %arg7[%get3A_469, %get3A_470] {strides = array<i32>} : memref<128x128xf32, #tpu.memory_space<vmem>>, vector<1x16xf32>,
          %get3A_472 = vector.shape_cast %get3A_471 : vector<1x16xf32> to vector<16xf32>
          %mul3A_473 = arith.mulf %get3A_472, %gather3A_445 : vector<16xf32>
          %swap3A_474 = arith.index_cast %add3A_448 : i32 to index
          %swap3A_475 = arith.constant 32 : index
          %swap3A_476 = tpu.vector_load %arg7[%swap3A_474, %swap3A_475] {strides = array<i32>} : memref<128x128xf32, #tpu.memory_space<vmem>>, vector<1x16xf32>,
          %swap3A_477 = vector.shape_cast %swap3A_476 : vector<1x16xf32> to vector<16xf32>
          %swap3A_478 = vector.shape_cast %mul3A_473 : vector<16xf32> to vector<1x16xf32>
          tpu.vector_store %arg7[%swap3A_474, %swap3A_475], %swap3A_478 {strides = array<i32>} : memref<128x128xf32, #tpu.memory_space<vmem>>, vector<1x16xf32>,
          %get3A_479 = arith.index_cast %add3A_448 : i32 to index
          %get3A_480 = arith.constant 48 : index
          %get3A_481 = tpu.vector_load %arg7[%get3A_479, %get3A_480] {strides = array<i32>} : memref<128x128xf32, #tpu.memory_space<vmem>>, vector<1x16xf32>,
          %get3A_482 = vector.shape_cast %get3A_481 : vector<1x16xf32> to vector<16xf32>
          %mul3A_483 = arith.mulf %get3A_482, %gather3A_445 : vector<16xf32>
          %swap3A_484 = arith.index_cast %add3A_448 : i32 to index
          %swap3A_485 = arith.constant 48 : index
          %swap3A_486 = tpu.vector_load %arg7[%swap3A_484, %swap3A_485] {strides = array<i32>} : memref<128x128xf32, #tpu.memory_space<vmem>>, vector<1x16xf32>,
          %swap3A_487 = vector.shape_cast %swap3A_486 : vector<1x16xf32> to vector<16xf32>
          %swap3A_488 = vector.shape_cast %mul3A_483 : vector<16xf32> to vector<1x16xf32>
          tpu.vector_store %arg7[%swap3A_484, %swap3A_485], %swap3A_488 {strides = array<i32>} : memref<128x128xf32, #tpu.memory_space<vmem>>, vector<1x16xf32>,
          %get3A_489 = arith.index_cast %add3A_448 : i32 to index
          %get3A_490 = arith.constant 64 : index
          %get3A_491 = tpu.vector_load %arg7[%get3A_489, %get3A_490] {strides = array<i32>} : memref<128x128xf32, #tpu.memory_space<vmem>>, vector<1x16xf32>,
          %get3A_492 = vector.shape_cast %get3A_491 : vector<1x16xf32> to vector<16xf32>
          %mul3A_493 = arith.mulf %get3A_492, %gather3A_445 : vector<16xf32>
          %swap3A_494 = arith.index_cast %add3A_448 : i32 to index
          %swap3A_495 = arith.constant 64 : index
          %swap3A_496 = tpu.vector_load %arg7[%swap3A_494, %swap3A_495] {strides = array<i32>} : memref<128x128xf32, #tpu.memory_space<vmem>>, vector<1x16xf32>,
          %swap3A_497 = vector.shape_cast %swap3A_496 : vector<1x16xf32> to vector<16xf32>
          %swap3A_498 = vector.shape_cast %mul3A_493 : vector<16xf32> to vector<1x16xf32>
          tpu.vector_store %arg7[%swap3A_494, %swap3A_495], %swap3A_498 {strides = array<i32>} : memref<128x128xf32, #tpu.memory_space<vmem>>, vector<1x16xf32>,
          %get3A_499 = arith.index_cast %add3A_448 : i32 to index
          %get3A_500 = arith.constant 80 : index
          %get3A_501 = tpu.vector_load %arg7[%get3A_499, %get3A_500] {strides = array<i32>} : memref<128x128xf32, #tpu.memory_space<vmem>>, vector<1x16xf32>,
          %get3A_502 = vector.shape_cast %get3A_501 : vector<1x16xf32> to vector<16xf32>
          %mul3A_503 = arith.mulf %get3A_502, %gather3A_445 : vector<16xf32>
          %swap3A_504 = arith.index_cast %add3A_448 : i32 to index
          %swap3A_505 = arith.constant 80 : index
          %swap3A_506 = tpu.vector_load %arg7[%swap3A_504, %swap3A_505] {strides = array<i32>} : memref<128x128xf32, #tpu.memory_space<vmem>>, vector<1x16xf32>,
          %swap3A_507 = vector.shape_cast %swap3A_506 : vector<1x16xf32> to vector<16xf32>
          %swap3A_508 = vector.shape_cast %mul3A_503 : vector<16xf32> to vector<1x16xf32>
          tpu.vector_store %arg7[%swap3A_504, %swap3A_505], %swap3A_508 {strides = array<i32>} : memref<128x128xf32, #tpu.memory_space<vmem>>, vector<1x16xf32>,
          %get3A_509 = arith.index_cast %add3A_448 : i32 to index
          %get3A_510 = arith.constant 96 : index
          %get3A_511 = tpu.vector_load %arg7[%get3A_509, %get3A_510] {strides = array<i32>} : memref<128x128xf32, #tpu.memory_space<vmem>>, vector<1x16xf32>,
          %get3A_512 = vector.shape_cast %get3A_511 : vector<1x16xf32> to vector<16xf32>
          %mul3A_513 = arith.mulf %get3A_512, %gather3A_445 : vector<16xf32>
          %swap3A_514 = arith.index_cast %add3A_448 : i32 to index
          %swap3A_515 = arith.constant 96 : index
          %swap3A_516 = tpu.vector_load %arg7[%swap3A_514, %swap3A_515] {strides = array<i32>} : memref<128x128xf32, #tpu.memory_space<vmem>>, vector<1x16xf32>,
          %swap3A_517 = vector.shape_cast %swap3A_516 : vector<1x16xf32> to vector<16xf32>
          %swap3A_518 = vector.shape_cast %mul3A_513 : vector<16xf32> to vector<1x16xf32>
          tpu.vector_store %arg7[%swap3A_514, %swap3A_515], %swap3A_518 {strides = array<i32>} : memref<128x128xf32, #tpu.memory_space<vmem>>, vector<1x16xf32>,
          %get3A_519 = arith.index_cast %add3A_448 : i32 to index
          %get3A_520 = arith.constant 112 : index
          %get3A_521 = tpu.vector_load %arg7[%get3A_519, %get3A_520] {strides = array<i32>} : memref<128x128xf32, #tpu.memory_space<vmem>>, vector<1x16xf32>,
          %get3A_522 = vector.shape_cast %get3A_521 : vector<1x16xf32> to vector<16xf32>
          %mul3A_523 = arith.mulf %get3A_522, %gather3A_445 : vector<16xf32>
          %swap3A_524 = arith.index_cast %add3A_448 : i32 to index
          %swap3A_525 = arith.constant 112 : index
          %swap3A_526 = tpu.vector_load %arg7[%swap3A_524, %swap3A_525] {strides = array<i32>} : memref<128x128xf32, #tpu.memory_space<vmem>>, vector<1x16xf32>,
          %swap3A_527 = vector.shape_cast %swap3A_526 : vector<1x16xf32> to vector<16xf32>
          %swap3A_528 = vector.shape_cast %mul3A_523 : vector<16xf32> to vector<1x16xf32>
          tpu.vector_store %arg7[%swap3A_524, %swap3A_525], %swap3A_528 {strides = array<i32>} : memref<128x128xf32, #tpu.memory_space<vmem>>, vector<1x16xf32>,
          %scan3A_529 = arith.constant 2 : i32
          %scan3A_530 = arith.addi %scan3A_333, %scan3A_529 : i32
          %mul3A_531 = arith.constant 1 : i32
          %mul3A_532 = arith.muli %scan3A_530, %mul3A_531 : i32
          %add3A_533 = arith.constant 0 : i32
          %add3A_534 = arith.addi %add3A_533, %mul3A_532 : i32
          %broadcast_in_dim3A_535 = vector.broadcast %add3A_534 : i32 to vector<16xi32>
          %lt3A_536 = arith.constant 0 : i32
          %lt3A_537 = vector.broadcast %lt3A_536 : i32 to vector<16xi32>
          %lt3A_538 = arith.cmpi slt, %broadcast_in_dim3A_535, %lt3A_537 : vector<16xi32>
          %add3A_539 = arith.constant 16 : i32
          %add3A_540 = vector.broadcast %add3A_539 : i32 to vector<16xi32>
          %add3A_541 = arith.addi %broadcast_in_dim3A_535, %add3A_540 : vector<16xi32>
          %select_n3A_542 = arith.select %lt3A_538, %add3A_541, %broadcast_in_dim3A_535 : vector<16xi1>, vector<16xi32>
          %broadcast_in_dim3A_543 = vector.shape_cast %select_n3A_542 : vector<16xi32> to vector<16x1xi32>
          %gather3A_544 = vector.shape_cast %broadcast_in_dim3A_543 : vector<16x1xi32> to vector<16xi32>
          %gather3A_545 = tpu.dynamic_gather %bitcast_convert_type3A[%gather3A_544] in [0] : vector<16xf32>, vector<16xi32> -> vector<16xf32>
          %mul3A_546 = arith.constant 16 : i32
          %mul3A_547 = arith.muli %add3A_319, %mul3A_546 : i32
          %add3A_548 = arith.addi %mul3A_547, %add3A_534 : i32
          %get3A_549 = arith.index_cast %add3A_548 : i32 to index
          %get3A_550 = arith.constant 0 : index
          %get3A_551 = tpu.vector_load %arg7[%get3A_549, %get3A_550] {strides = array<i32>} : memref<128x128xf32, #tpu.memory_space<vmem>>, vector<1x16xf32>,
          %get3A_552 = vector.shape_cast %get3A_551 : vector<1x16xf32> to vector<16xf32>
          %mul3A_553 = arith.mulf %get3A_552, %gather3A_545 : vector<16xf32>
          %swap3A_554 = arith.index_cast %add3A_548 : i32 to index
          %swap3A_555 = arith.constant 0 : index
          %swap3A_556 = tpu.vector_load %arg7[%swap3A_554, %swap3A_555] {strides = array<i32>} : memref<128x128xf32, #tpu.memory_space<vmem>>, vector<1x16xf32>,
          %swap3A_557 = vector.shape_cast %swap3A_556 : vector<1x16xf32> to vector<16xf32>
          %swap3A_558 = vector.shape_cast %mul3A_553 : vector<16xf32> to vector<1x16xf32>
          tpu.vector_store %arg7[%swap3A_554, %swap3A_555], %swap3A_558 {strides = array<i32>} : memref<128x128xf32, #tpu.memory_space<vmem>>, vector<1x16xf32>,
          %get3A_559 = arith.index_cast %add3A_548 : i32 to index
          %get3A_560 = arith.constant 16 : index
          %get3A_561 = tpu.vector_load %arg7[%get3A_559, %get3A_560] {strides = array<i32>} : memref<128x128xf32, #tpu.memory_space<vmem>>, vector<1x16xf32>,
          %get3A_562 = vector.shape_cast %get3A_561 : vector<1x16xf32> to vector<16xf32>
          %mul3A_563 = arith.mulf %get3A_562, %gather3A_545 : vector<16xf32>
          %swap3A_564 = arith.index_cast %add3A_548 : i32 to index
          %swap3A_565 = arith.constant 16 : index
          %swap3A_566 = tpu.vector_load %arg7[%swap3A_564, %swap3A_565] {strides = array<i32>} : memref<128x128xf32, #tpu.memory_space<vmem>>, vector<1x16xf32>,
          %swap3A_567 = vector.shape_cast %swap3A_566 : vector<1x16xf32> to vector<16xf32>
          %swap3A_568 = vector.shape_cast %mul3A_563 : vector<16xf32> to vector<1x16xf32>
          tpu.vector_store %arg7[%swap3A_564, %swap3A_565], %swap3A_568 {strides = array<i32>} : memref<128x128xf32, #tpu.memory_space<vmem>>, vector<1x16xf32>,
          %get3A_569 = arith.index_cast %add3A_548 : i32 to index
          %get3A_570 = arith.constant 32 : index
          %get3A_571 = tpu.vector_load %arg7[%get3A_569, %get3A_570] {strides = array<i32>} : memref<128x128xf32, #tpu.memory_space<vmem>>, vector<1x16xf32>,
          %get3A_572 = vector.shape_cast %get3A_571 : vector<1x16xf32> to vector<16xf32>
          %mul3A_573 = arith.mulf %get3A_572, %gather3A_545 : vector<16xf32>
          %swap3A_574 = arith.index_cast %add3A_548 : i32 to index
          %swap3A_575 = arith.constant 32 : index
          %swap3A_576 = tpu.vector_load %arg7[%swap3A_574, %swap3A_575] {strides = array<i32>} : memref<128x128xf32, #tpu.memory_space<vmem>>, vector<1x16xf32>,
          %swap3A_577 = vector.shape_cast %swap3A_576 : vector<1x16xf32> to vector<16xf32>
          %swap3A_578 = vector.shape_cast %mul3A_573 : vector<16xf32> to vector<1x16xf32>
          tpu.vector_store %arg7[%swap3A_574, %swap3A_575], %swap3A_578 {strides = array<i32>} : memref<128x128xf32, #tpu.memory_space<vmem>>, vector<1x16xf32>,
          %get3A_579 = arith.index_cast %add3A_548 : i32 to index
          %get3A_580 = arith.constant 48 : index
          %get3A_581 = tpu.vector_load %arg7[%get3A_579, %get3A_580] {strides = array<i32>} : memref<128x128xf32, #tpu.memory_space<vmem>>, vector<1x16xf32>,
          %get3A_582 = vector.shape_cast %get3A_581 : vector<1x16xf32> to vector<16xf32>
          %mul3A_583 = arith.mulf %get3A_582, %gather3A_545 : vector<16xf32>
          %swap3A_584 = arith.index_cast %add3A_548 : i32 to index
          %swap3A_585 = arith.constant 48 : index
          %swap3A_586 = tpu.vector_load %arg7[%swap3A_584, %swap3A_585] {strides = array<i32>} : memref<128x128xf32, #tpu.memory_space<vmem>>, vector<1x16xf32>,
          %swap3A_587 = vector.shape_cast %swap3A_586 : vector<1x16xf32> to vector<16xf32>
          %swap3A_588 = vector.shape_cast %mul3A_583 : vector<16xf32> to vector<1x16xf32>
          tpu.vector_store %arg7[%swap3A_584, %swap3A_585], %swap3A_588 {strides = array<i32>} : memref<128x128xf32, #tpu.memory_space<vmem>>, vector<1x16xf32>,
          %get3A_589 = arith.index_cast %add3A_548 : i32 to index
          %get3A_590 = arith.constant 64 : index
          %get3A_591 = tpu.vector_load %arg7[%get3A_589, %get3A_590] {strides = array<i32>} : memref<128x128xf32, #tpu.memory_space<vmem>>, vector<1x16xf32>,
          %get3A_592 = vector.shape_cast %get3A_591 : vector<1x16xf32> to vector<16xf32>
          %mul3A_593 = arith.mulf %get3A_592, %gather3A_545 : vector<16xf32>
          %swap3A_594 = arith.index_cast %add3A_548 : i32 to index
          %swap3A_595 = arith.constant 64 : index
          %swap3A_596 = tpu.vector_load %arg7[%swap3A_594, %swap3A_595] {strides = array<i32>} : memref<128x128xf32, #tpu.memory_space<vmem>>, vector<1x16xf32>,
          %swap3A_597 = vector.shape_cast %swap3A_596 : vector<1x16xf32> to vector<16xf32>
          %swap3A_598 = vector.shape_cast %mul3A_593 : vector<16xf32> to vector<1x16xf32>
          tpu.vector_store %arg7[%swap3A_594, %swap3A_595], %swap3A_598 {strides = array<i32>} : memref<128x128xf32, #tpu.memory_space<vmem>>, vector<1x16xf32>,
          %get3A_599 = arith.index_cast %add3A_548 : i32 to index
          %get3A_600 = arith.constant 80 : index
          %get3A_601 = tpu.vector_load %arg7[%get3A_599, %get3A_600] {strides = array<i32>} : memref<128x128xf32, #tpu.memory_space<vmem>>, vector<1x16xf32>,
          %get3A_602 = vector.shape_cast %get3A_601 : vector<1x16xf32> to vector<16xf32>
          %mul3A_603 = arith.mulf %get3A_602, %gather3A_545 : vector<16xf32>
          %swap3A_604 = arith.index_cast %add3A_548 : i32 to index
          %swap3A_605 = arith.constant 80 : index
          %swap3A_606 = tpu.vector_load %arg7[%swap3A_604, %swap3A_605] {strides = array<i32>} : memref<128x128xf32, #tpu.memory_space<vmem>>, vector<1x16xf32>,
          %swap3A_607 = vector.shape_cast %swap3A_606 : vector<1x16xf32> to vector<16xf32>
          %swap3A_608 = vector.shape_cast %mul3A_603 : vector<16xf32> to vector<1x16xf32>
          tpu.vector_store %arg7[%swap3A_604, %swap3A_605], %swap3A_608 {strides = array<i32>} : memref<128x128xf32, #tpu.memory_space<vmem>>, vector<1x16xf32>,
          %get3A_609 = arith.index_cast %add3A_548 : i32 to index
          %get3A_610 = arith.constant 96 : index
          %get3A_611 = tpu.vector_load %arg7[%get3A_609, %get3A_610] {strides = array<i32>} : memref<128x128xf32, #tpu.memory_space<vmem>>, vector<1x16xf32>,
          %get3A_612 = vector.shape_cast %get3A_611 : vector<1x16xf32> to vector<16xf32>
          %mul3A_613 = arith.mulf %get3A_612, %gather3A_545 : vector<16xf32>
          %swap3A_614 = arith.index_cast %add3A_548 : i32 to index
          %swap3A_615 = arith.constant 96 : index
          %swap3A_616 = tpu.vector_load %arg7[%swap3A_614, %swap3A_615] {strides = array<i32>} : memref<128x128xf32, #tpu.memory_space<vmem>>, vector<1x16xf32>,
          %swap3A_617 = vector.shape_cast %swap3A_616 : vector<1x16xf32> to vector<16xf32>
          %swap3A_618 = vector.shape_cast %mul3A_613 : vector<16xf32> to vector<1x16xf32>
          tpu.vector_store %arg7[%swap3A_614, %swap3A_615], %swap3A_618 {strides = array<i32>} : memref<128x128xf32, #tpu.memory_space<vmem>>, vector<1x16xf32>,
          %get3A_619 = arith.index_cast %add3A_548 : i32 to index
          %get3A_620 = arith.constant 112 : index
          %get3A_621 = tpu.vector_load %arg7[%get3A_619, %get3A_620] {strides = array<i32>} : memref<128x128xf32, #tpu.memory_space<vmem>>, vector<1x16xf32>,
          %get3A_622 = vector.shape_cast %get3A_621 : vector<1x16xf32> to vector<16xf32>
          %mul3A_623 = arith.mulf %get3A_622, %gather3A_545 : vector<16xf32>
          %swap3A_624 = arith.index_cast %add3A_548 : i32 to index
          %swap3A_625 = arith.constant 112 : index
          %swap3A_626 = tpu.vector_load %arg7[%swap3A_624, %swap3A_625] {strides = array<i32>} : memref<128x128xf32, #tpu.memory_space<vmem>>, vector<1x16xf32>,
          %swap3A_627 = vector.shape_cast %swap3A_626 : vector<1x16xf32> to vector<16xf32>
          %swap3A_628 = vector.shape_cast %mul3A_623 : vector<16xf32> to vector<1x16xf32>
          tpu.vector_store %arg7[%swap3A_624, %swap3A_625], %swap3A_628 {strides = array<i32>} : memref<128x128xf32, #tpu.memory_space<vmem>>, vector<1x16xf32>,
          %scan3A_629 = arith.constant 3 : i32
          %scan3A_630 = arith.addi %scan3A_333, %scan3A_629 : i32
          %mul3A_631 = arith.constant 1 : i32
          %mul3A_632 = arith.muli %scan3A_630, %mul3A_631 : i32
          %add3A_633 = arith.constant 0 : i32
          %add3A_634 = arith.addi %add3A_633, %mul3A_632 : i32
          %broadcast_in_dim3A_635 = vector.broadcast %add3A_634 : i32 to vector<16xi32>
          %lt3A_636 = arith.constant 0 : i32
          %lt3A_637 = vector.broadcast %lt3A_636 : i32 to vector<16xi32>
          %lt3A_638 = arith.cmpi slt, %broadcast_in_dim3A_635, %lt3A_637 : vector<16xi32>
          %add3A_639 = arith.constant 16 : i32
          %add3A_640 = vector.broadcast %add3A_639 : i32 to vector<16xi32>
          %add3A_641 = arith.addi %broadcast_in_dim3A_635, %add3A_640 : vector<16xi32>
          %select_n3A_642 = arith.select %lt3A_638, %add3A_641, %broadcast_in_dim3A_635 : vector<16xi1>, vector<16xi32>
          %broadcast_in_dim3A_643 = vector.shape_cast %select_n3A_642 : vector<16xi32> to vector<16x1xi32>
          %gather3A_644 = vector.shape_cast %broadcast_in_dim3A_643 : vector<16x1xi32> to vector<16xi32>
          %gather3A_645 = tpu.dynamic_gather %bitcast_convert_type3A[%gather3A_644] in [0] : vector<16xf32>, vector<16xi32> -> vector<16xf32>
          %mul3A_646 = arith.constant 16 : i32
          %mul3A_647 = arith.muli %add3A_319, %mul3A_646 : i32
          %add3A_648 = arith.addi %mul3A_647, %add3A_634 : i32
          %get3A_649 = arith.index_cast %add3A_648 : i32 to index
          %get3A_650 = arith.constant 0 : index
          %get3A_651 = tpu.vector_load %arg7[%get3A_649, %get3A_650] {strides = array<i32>} : memref<128x128xf32, #tpu.memory_space<vmem>>, vector<1x16xf32>,
          %get3A_652 = vector.shape_cast %get3A_651 : vector<1x16xf32> to vector<16xf32>
          %mul3A_653 = arith.mulf %get3A_652, %gather3A_645 : vector<16xf32>
          %swap3A_654 = arith.index_cast %add3A_648 : i32 to index
          %swap3A_655 = arith.constant 0 : index
          %swap3A_656 = tpu.vector_load %arg7[%swap3A_654, %swap3A_655] {strides = array<i32>} : memref<128x128xf32, #tpu.memory_space<vmem>>, vector<1x16xf32>,
          %swap3A_657 = vector.shape_cast %swap3A_656 : vector<1x16xf32> to vector<16xf32>
          %swap3A_658 = vector.shape_cast %mul3A_653 : vector<16xf32> to vector<1x16xf32>
          tpu.vector_store %arg7[%swap3A_654, %swap3A_655], %swap3A_658 {strides = array<i32>} : memref<128x128xf32, #tpu.memory_space<vmem>>, vector<1x16xf32>,
          %get3A_659 = arith.index_cast %add3A_648 : i32 to index
          %get3A_660 = arith.constant 16 : index
          %get3A_661 = tpu.vector_load %arg7[%get3A_659, %get3A_660] {strides = array<i32>} : memref<128x128xf32, #tpu.memory_space<vmem>>, vector<1x16xf32>,
          %get3A_662 = vector.shape_cast %get3A_661 : vector<1x16xf32> to vector<16xf32>
          %mul3A_663 = arith.mulf %get3A_662, %gather3A_645 : vector<16xf32>
          %swap3A_664 = arith.index_cast %add3A_648 : i32 to index
          %swap3A_665 = arith.constant 16 : index
          %swap3A_666 = tpu.vector_load %arg7[%swap3A_664, %swap3A_665] {strides = array<i32>} : memref<128x128xf32, #tpu.memory_space<vmem>>, vector<1x16xf32>,
          %swap3A_667 = vector.shape_cast %swap3A_666 : vector<1x16xf32> to vector<16xf32>
          %swap3A_668 = vector.shape_cast %mul3A_663 : vector<16xf32> to vector<1x16xf32>
          tpu.vector_store %arg7[%swap3A_664, %swap3A_665], %swap3A_668 {strides = array<i32>} : memref<128x128xf32, #tpu.memory_space<vmem>>, vector<1x16xf32>,
          %get3A_669 = arith.index_cast %add3A_648 : i32 to index
          %get3A_670 = arith.constant 32 : index
          %get3A_671 = tpu.vector_load %arg7[%get3A_669, %get3A_670] {strides = array<i32>} : memref<128x128xf32, #tpu.memory_space<vmem>>, vector<1x16xf32>,
          %get3A_672 = vector.shape_cast %get3A_671 : vector<1x16xf32> to vector<16xf32>
          %mul3A_673 = arith.mulf %get3A_672, %gather3A_645 : vector<16xf32>
          %swap3A_674 = arith.index_cast %add3A_648 : i32 to index
          %swap3A_675 = arith.constant 32 : index
          %swap3A_676 = tpu.vector_load %arg7[%swap3A_674, %swap3A_675] {strides = array<i32>} : memref<128x128xf32, #tpu.memory_space<vmem>>, vector<1x16xf32>,
          %swap3A_677 = vector.shape_cast %swap3A_676 : vector<1x16xf32> to vector<16xf32>
          %swap3A_678 = vector.shape_cast %mul3A_673 : vector<16xf32> to vector<1x16xf32>
          tpu.vector_store %arg7[%swap3A_674, %swap3A_675], %swap3A_678 {strides = array<i32>} : memref<128x128xf32, #tpu.memory_space<vmem>>, vector<1x16xf32>,
          %get3A_679 = arith.index_cast %add3A_648 : i32 to index
          %get3A_680 = arith.constant 48 : index
          %get3A_681 = tpu.vector_load %arg7[%get3A_679, %get3A_680] {strides = array<i32>} : memref<128x128xf32, #tpu.memory_space<vmem>>, vector<1x16xf32>,
          %get3A_682 = vector.shape_cast %get3A_681 : vector<1x16xf32> to vector<16xf32>
          %mul3A_683 = arith.mulf %get3A_682, %gather3A_645 : vector<16xf32>
          %swap3A_684 = arith.index_cast %add3A_648 : i32 to index
          %swap3A_685 = arith.constant 48 : index
          %swap3A_686 = tpu.vector_load %arg7[%swap3A_684, %swap3A_685] {strides = array<i32>} : memref<128x128xf32, #tpu.memory_space<vmem>>, vector<1x16xf32>,
          %swap3A_687 = vector.shape_cast %swap3A_686 : vector<1x16xf32> to vector<16xf32>
          %swap3A_688 = vector.shape_cast %mul3A_683 : vector<16xf32> to vector<1x16xf32>
          tpu.vector_store %arg7[%swap3A_684, %swap3A_685], %swap3A_688 {strides = array<i32>} : memref<128x128xf32, #tpu.memory_space<vmem>>, vector<1x16xf32>,
          %get3A_689 = arith.index_cast %add3A_648 : i32 to index
          %get3A_690 = arith.constant 64 : index
          %get3A_691 = tpu.vector_load %arg7[%get3A_689, %get3A_690] {strides = array<i32>} : memref<128x128xf32, #tpu.memory_space<vmem>>, vector<1x16xf32>,
          %get3A_692 = vector.shape_cast %get3A_691 : vector<1x16xf32> to vector<16xf32>
          %mul3A_693 = arith.mulf %get3A_692, %gather3A_645 : vector<16xf32>
          %swap3A_694 = arith.index_cast %add3A_648 : i32 to index
          %swap3A_695 = arith.constant 64 : index
          %swap3A_696 = tpu.vector_load %arg7[%swap3A_694, %swap3A_695] {strides = array<i32>} : memref<128x128xf32, #tpu.memory_space<vmem>>, vector<1x16xf32>,
          %swap3A_697 = vector.shape_cast %swap3A_696 : vector<1x16xf32> to vector<16xf32>
          %swap3A_698 = vector.shape_cast %mul3A_693 : vector<16xf32> to vector<1x16xf32>
          tpu.vector_store %arg7[%swap3A_694, %swap3A_695], %swap3A_698 {strides = array<i32>} : memref<128x128xf32, #tpu.memory_space<vmem>>, vector<1x16xf32>,
          %get3A_699 = arith.index_cast %add3A_648 : i32 to index
          %get3A_700 = arith.constant 80 : index
          %get3A_701 = tpu.vector_load %arg7[%get3A_699, %get3A_700] {strides = array<i32>} : memref<128x128xf32, #tpu.memory_space<vmem>>, vector<1x16xf32>,
          %get3A_702 = vector.shape_cast %get3A_701 : vector<1x16xf32> to vector<16xf32>
          %mul3A_703 = arith.mulf %get3A_702, %gather3A_645 : vector<16xf32>
          %swap3A_704 = arith.index_cast %add3A_648 : i32 to index
          %swap3A_705 = arith.constant 80 : index
          %swap3A_706 = tpu.vector_load %arg7[%swap3A_704, %swap3A_705] {strides = array<i32>} : memref<128x128xf32, #tpu.memory_space<vmem>>, vector<1x16xf32>,
          %swap3A_707 = vector.shape_cast %swap3A_706 : vector<1x16xf32> to vector<16xf32>
          %swap3A_708 = vector.shape_cast %mul3A_703 : vector<16xf32> to vector<1x16xf32>
          tpu.vector_store %arg7[%swap3A_704, %swap3A_705], %swap3A_708 {strides = array<i32>} : memref<128x128xf32, #tpu.memory_space<vmem>>, vector<1x16xf32>,
          %get3A_709 = arith.index_cast %add3A_648 : i32 to index
          %get3A_710 = arith.constant 96 : index
          %get3A_711 = tpu.vector_load %arg7[%get3A_709, %get3A_710] {strides = array<i32>} : memref<128x128xf32, #tpu.memory_space<vmem>>, vector<1x16xf32>,
          %get3A_712 = vector.shape_cast %get3A_711 : vector<1x16xf32> to vector<16xf32>
          %mul3A_713 = arith.mulf %get3A_712, %gather3A_645 : vector<16xf32>
          %swap3A_714 = arith.index_cast %add3A_648 : i32 to index
          %swap3A_715 = arith.constant 96 : index
          %swap3A_716 = tpu.vector_load %arg7[%swap3A_714, %swap3A_715] {strides = array<i32>} : memref<128x128xf32, #tpu.memory_space<vmem>>, vector<1x16xf32>,
          %swap3A_717 = vector.shape_cast %swap3A_716 : vector<1x16xf32> to vector<16xf32>
          %swap3A_718 = vector.shape_cast %mul3A_713 : vector<16xf32> to vector<1x16xf32>
          tpu.vector_store %arg7[%swap3A_714, %swap3A_715], %swap3A_718 {strides = array<i32>} : memref<128x128xf32, #tpu.memory_space<vmem>>, vector<1x16xf32>,
          %get3A_719 = arith.index_cast %add3A_648 : i32 to index
          %get3A_720 = arith.constant 112 : index
          %get3A_721 = tpu.vector_load %arg7[%get3A_719, %get3A_720] {strides = array<i32>} : memref<128x128xf32, #tpu.memory_space<vmem>>, vector<1x16xf32>,
          %get3A_722 = vector.shape_cast %get3A_721 : vector<1x16xf32> to vector<16xf32>
          %mul3A_723 = arith.mulf %get3A_722, %gather3A_645 : vector<16xf32>
          %swap3A_724 = arith.index_cast %add3A_648 : i32 to index
          %swap3A_725 = arith.constant 112 : index
          %swap3A_726 = tpu.vector_load %arg7[%swap3A_724, %swap3A_725] {strides = array<i32>} : memref<128x128xf32, #tpu.memory_space<vmem>>, vector<1x16xf32>,
          %swap3A_727 = vector.shape_cast %swap3A_726 : vector<1x16xf32> to vector<16xf32>
          %swap3A_728 = vector.shape_cast %mul3A_723 : vector<16xf32> to vector<1x16xf32>
          tpu.vector_store %arg7[%swap3A_724, %swap3A_725], %swap3A_728 {strides = array<i32>} : memref<128x128xf32, #tpu.memory_space<vmem>>, vector<1x16xf32>,
        }
        %scan3A_332 = arith.constant 16 : i32
      }
      %scan3A_238 = arith.constant 8 : i32
      %add3A_239 = arith.constant 3 : i32
      %add3A_240 = arith.addi %add3A_214, %add3A_239 : i32
      %lt3A_241 = arith.constant 78 : i32
      %lt3A_242 = arith.cmpi slt, %add3A_240, %lt3A_241 : i32
      %convert_element_type3A_243 = arith.extui %lt3A_242 : i1 to i32
      %cond3A_244 = arith.constant 0 : i32
      %cond3A_245 = arith.cmpi ne, %convert_element_type3A_243, %cond3A_244 : i32
      scf.if %cond3A_245 {
        %add3A_315 = arith.constant 3 : i32
        %add3A_316 = arith.addi %add3A_214, %add3A_315 : i32
        %mul3A_317 = arith.constant 78 : i32
        %mul3A_318 = arith.muli %add3A, %mul3A_317 : i32
        %add3A_319 = arith.addi %mul3A_318, %add3A_316 : i32
        %dma_start3A_320 = arith.constant 0 : i32
        %dma_start3A_321 = arith.constant 0 : i32
        %dma_start3A_322 = tpu.memref_slice %arg3[%add3A_319, %dma_start3A_320, %dma_start3A_321] : memref<2500x1x256xi32, #tpu.memory_space<hbm>> -> memref<1x1x256xi32, #tpu.memory_space<hbm>>
        %dma_start3A_323 = tpu.memref_squeeze %dma_start3A_322 : memref<1x1x256xi32, #tpu.memory_space<hbm>> -> memref<1x256xi32, #tpu.memory_space<hbm>>
        %dma_start3A_324 = arith.constant 0 : i32
        %dma_start3A_325 = arith.constant 0 : i32
        %dma_start3A_326 = tpu.memref_slice %arg3[%add3A_319, %dma_start3A_324, %dma_start3A_325] : memref<2500x1x256xi32, #tpu.memory_space<hbm>> -> memref<1x1x256xi32, #tpu.memory_space<hbm>>
        %dma_start3A_327 = tpu.memref_squeeze %dma_start3A_326 : memref<1x1x256xi32, #tpu.memory_space<hbm>> -> memref<1x256xi32, #tpu.memory_space<hbm>>
        tpu.enqueue_dma source(%dma_start3A_327 : memref<1x256xi32, #tpu.memory_space<hbm>>) target(%arg10 : memref<1x256xi32, #tpu.memory_space<vmem>>) target_semaphore(%arg23 : memref<!tpu.dma_semaphore, #tpu.memory_space<semaphore_mem>>)
      } else {
      }
      %mul3A_246 = arith.constant 78 : i32
      %mul3A_247 = arith.muli %add3A, %mul3A_246 : i32
      %add3A_248 = arith.addi %mul3A_247, %add3A_214 : i32
      %dma_wait3A_249 = arith.constant 0 : i32
      %dma_wait3A_250 = arith.constant 0 : i32
      %dma_wait3A_251 = tpu.memref_slice %arg4[%add3A_248, %dma_wait3A_249, %dma_wait3A_250] : memref<2500x1x128xi32, #tpu.memory_space<hbm>> -> memref<1x1x128xi32, #tpu.memory_space<hbm>>
      %dma_wait3A_252 = tpu.memref_squeeze %dma_wait3A_251 : memref<1x1x128xi32, #tpu.memory_space<hbm>> -> memref<1x128xi32, #tpu.memory_space<hbm>>
      %dma_wait3A_253 = arith.constant 0 : i32
      %dma_wait3A_254 = arith.constant 0 : i32
      %dma_wait3A_255 = tpu.memref_slice %arg4[%add3A_248, %dma_wait3A_253, %dma_wait3A_254] : memref<2500x1x128xi32, #tpu.memory_space<hbm>> -> memref<1x1x128xi32, #tpu.memory_space<hbm>>
      %dma_wait3A_256 = tpu.memref_squeeze %dma_wait3A_255 : memref<1x1x128xi32, #tpu.memory_space<hbm>> -> memref<1x128xi32, #tpu.memory_space<hbm>>
      tpu.wait_dma2 semaphore(%arg26 : memref<!tpu.dma_semaphore, #tpu.memory_space<semaphore_mem>>) src(%dma_wait3A_256 : memref<1x128xi32, #tpu.memory_space<hbm>>) dst(%arg13 : memref<1x128xi32, #tpu.memory_space<vmem>>)
      %dma_start3A_257 = arith.constant 0 : i32
      %dma_start3A_258 = arith.constant 0 : i32
      %dma_start3A_259 = tpu.memref_slice %arg13[%dma_start3A_257, %dma_start3A_258] : memref<1x128xi32, #tpu.memory_space<vmem>> -> memref<1x128xi32, #tpu.memory_space<vmem>>
      %dma_start3A_260 = tpu.memref_squeeze %dma_start3A_259 : memref<1x128xi32, #tpu.memory_space<vmem>> -> memref<128xi32, #tpu.memory_space<vmem>>
      %dma_start3A_261 = arith.constant 0 : i32
      %dma_start3A_262 = arith.constant 0 : i32
      %dma_start3A_263 = tpu.memref_slice %arg15[%dma_start3A_261, %dma_start3A_262] : memref<10000x128xf32, #tpu.memory_space<vmem_shared>> -> memref<10000x128xf32, #tpu.memory_space<vmem_shared>>
      tpu.enqueue_indirect_dma source(%arg7 : memref<128x128xf32, #tpu.memory_space<vmem>>) target(%dma_start3A_263 : memref<10000x128xf32, #tpu.memory_space<vmem_shared>>) offsets(%dma_start3A_260 : memref<128xi32, #tpu.memory_space<vmem>>) semaphore(%arg20 : memref<!tpu.dma_semaphore, #tpu.memory_space<semaphore_mem>>) {add = true}
      %add3A_264 = arith.constant 2 : i32
      %add3A_265 = arith.addi %add3A_162, %add3A_264 : i32
      %ge3A_266 = arith.constant 1 : i32
      %ge3A_267 = arith.cmpi sge, %add3A_265, %ge3A_266 : i32
      %convert_element_type3A_268 = arith.extui %ge3A_267 : i1 to i32
      %cond3A_269 = arith.constant 0 : i32
      %cond3A_270 = arith.cmpi ne, %convert_element_type3A_268, %cond3A_269 : i32
      scf.if %cond3A_270 {
        %dma_wait3A_315 = arith.constant 0 : i32
        %dma_wait3A_316 = arith.constant 0 : i32
        %dma_wait3A_317 = tpu.memref_slice %arg13[%dma_wait3A_315, %dma_wait3A_316] : memref<1x128xi32, #tpu.memory_space<vmem>> -> memref<1x128xi32, #tpu.memory_space<vmem>>
        %dma_wait3A_318 = tpu.memref_squeeze %dma_wait3A_317 : memref<1x128xi32, #tpu.memory_space<vmem>> -> memref<128xi32, #tpu.memory_space<vmem>>
        %dma_wait3A_319 = arith.constant 0 : i32
        %dma_wait3A_320 = arith.constant 0 : i32
        %dma_wait3A_321 = tpu.memref_slice %arg15[%dma_wait3A_319, %dma_wait3A_320] : memref<10000x128xf32, #tpu.memory_space<vmem_shared>> -> memref<10000x128xf32, #tpu.memory_space<vmem_shared>>
        tpu.wait_indirect_dma semaphore(%arg20 : memref<!tpu.dma_semaphore, #tpu.memory_space<semaphore_mem>>) src(%arg7 : memref<128x128xf32, #tpu.memory_space<vmem>>) dst(%dma_wait3A_321 : memref<10000x128xf32, #tpu.memory_space<vmem_shared>>)
      } else {
      }
      %add3A_271 = arith.constant 2 : i32
      %add3A_272 = arith.addi %add3A_265, %add3A_271 : i32
      %lt3A_273 = arith.constant 78 : i32
      %lt3A_274 = arith.cmpi slt, %add3A_272, %lt3A_273 : i32
      %convert_element_type3A_275 = arith.extui %lt3A_274 : i1 to i32
      %cond3A_276 = arith.constant 0 : i32
      %cond3A_277 = arith.cmpi ne, %convert_element_type3A_275, %cond3A_276 : i32
      scf.if %cond3A_277 {
        %add3A_315 = arith.constant 2 : i32
        %add3A_316 = arith.addi %add3A_265, %add3A_315 : i32
        %mul3A_317 = arith.constant 78 : i32
        %mul3A_318 = arith.muli %add3A, %mul3A_317 : i32
        %add3A_319 = arith.addi %mul3A_318, %add3A_316 : i32
        %dma_start3A_320 = arith.constant 0 : i32
        %dma_start3A_321 = arith.constant 0 : i32
        %dma_start3A_322 = tpu.memref_slice %arg4[%add3A_319, %dma_start3A_320, %dma_start3A_321] : memref<2500x1x128xi32, #tpu.memory_space<hbm>> -> memref<1x1x128xi32, #tpu.memory_space<hbm>>
        %dma_start3A_323 = tpu.memref_squeeze %dma_start3A_322 : memref<1x1x128xi32, #tpu.memory_space<hbm>> -> memref<1x128xi32, #tpu.memory_space<hbm>>
        %dma_start3A_324 = arith.constant 0 : i32
        %dma_start3A_325 = arith.constant 0 : i32
        %dma_start3A_326 = tpu.memref_slice %arg4[%add3A_319, %dma_start3A_324, %dma_start3A_325] : memref<2500x1x128xi32, #tpu.memory_space<hbm>> -> memref<1x1x128xi32, #tpu.memory_space<hbm>>
        %dma_start3A_327 = tpu.memref_squeeze %dma_start3A_326 : memref<1x1x128xi32, #tpu.memory_space<hbm>> -> memref<1x128xi32, #tpu.memory_space<hbm>>
        tpu.enqueue_dma source(%dma_start3A_327 : memref<1x128xi32, #tpu.memory_space<hbm>>) target(%arg13 : memref<1x128xi32, #tpu.memory_space<vmem>>) target_semaphore(%arg26 : memref<!tpu.dma_semaphore, #tpu.memory_space<semaphore_mem>>)
        %add3A_328 = arith.constant 2 : i32
        %add3A_329 = arith.addi %add3A_265, %add3A_328 : i32
        %mul3A_330 = arith.constant 78 : i32
        %mul3A_331 = arith.muli %add3A, %mul3A_330 : i32
        %add3A_332 = arith.addi %mul3A_331, %add3A_329 : i32
        %dma_wait3A_333 = arith.constant 0 : i32
        %dma_wait3A_334 = arith.constant 0 : i32
        %dma_wait3A_335 = tpu.memref_slice %arg3[%add3A_332, %dma_wait3A_333, %dma_wait3A_334] : memref<2500x1x256xi32, #tpu.memory_space<hbm>> -> memref<1x1x256xi32, #tpu.memory_space<hbm>>
        %dma_wait3A_336 = tpu.memref_squeeze %dma_wait3A_335 : memref<1x1x256xi32, #tpu.memory_space<hbm>> -> memref<1x256xi32, #tpu.memory_space<hbm>>
        %dma_wait3A_337 = arith.constant 0 : i32
        %dma_wait3A_338 = arith.constant 0 : i32
        %dma_wait3A_339 = tpu.memref_slice %arg3[%add3A_332, %dma_wait3A_337, %dma_wait3A_338] : memref<2500x1x256xi32, #tpu.memory_space<hbm>> -> memref<1x1x256xi32, #tpu.memory_space<hbm>>
        %dma_wait3A_340 = tpu.memref_squeeze %dma_wait3A_339 : memref<1x1x256xi32, #tpu.memory_space<hbm>> -> memref<1x256xi32, #tpu.memory_space<hbm>>
        tpu.wait_dma2 semaphore(%arg23 : memref<!tpu.dma_semaphore, #tpu.memory_space<semaphore_mem>>) src(%dma_wait3A_340 : memref<1x256xi32, #tpu.memory_space<hbm>>) dst(%arg10 : memref<1x256xi32, #tpu.memory_space<vmem>>)
        %dma_start3A_341 = arith.constant 0 : i32
        %dma_start3A_342 = arith.constant 0 : i32
        %dma_start3A_343 = tpu.memref_slice %arg10[%dma_start3A_341, %dma_start3A_342] : memref<1x256xi32, #tpu.memory_space<vmem>> -> memref<1x128xi32, #tpu.memory_space<vmem>>
        %dma_start3A_344 = tpu.memref_squeeze %dma_start3A_343 : memref<1x128xi32, #tpu.memory_space<vmem>> -> memref<128xi32, #tpu.memory_space<vmem>>
        %dma_start3A_345 = arith.constant 0 : i32
        %dma_start3A_346 = arith.constant 0 : i32
        %dma_start3A_347 = tpu.memref_slice %arg2[%dma_start3A_345, %dma_start3A_346] : memref<10000x128xf32, #tpu.memory_space<hbm>> -> memref<10000x128xf32, #tpu.memory_space<hbm>>
        tpu.enqueue_indirect_dma source(%dma_start3A_347 : memref<10000x128xf32, #tpu.memory_space<hbm>>) target(%arg7 : memref<128x128xf32, #tpu.memory_space<vmem>>) offsets(%dma_start3A_344 : memref<128xi32, #tpu.memory_space<vmem>>) semaphore(%arg17 : memref<!tpu.dma_semaphore, #tpu.memory_space<semaphore_mem>>)
      } else {
      }
      %dma_wait3A_278 = arith.constant 0 : i32
      %dma_wait3A_279 = arith.constant 0 : i32
      %dma_wait3A_280 = tpu.memref_slice %arg11[%dma_wait3A_278, %dma_wait3A_279] : memref<1x256xi32, #tpu.memory_space<vmem>> -> memref<1x128xi32, #tpu.memory_space<vmem>>
      %dma_wait3A_281 = tpu.memref_squeeze %dma_wait3A_280 : memref<1x128xi32, #tpu.memory_space<vmem>> -> memref<128xi32, #tpu.memory_space<vmem>>
      %dma_wait3A_282 = arith.constant 0 : i32
      %dma_wait3A_283 = arith.constant 0 : i32
      %dma_wait3A_284 = tpu.memref_slice %arg2[%dma_wait3A_282, %dma_wait3A_283] : memref<10000x128xf32, #tpu.memory_space<hbm>> -> memref<10000x128xf32, #tpu.memory_space<hbm>>
      tpu.wait_indirect_dma semaphore(%arg18 : memref<!tpu.dma_semaphore, #tpu.memory_space<semaphore_mem>>) src(%dma_wait3A_284 : memref<10000x128xf32, #tpu.memory_space<hbm>>) dst(%arg8 : memref<128x128xf32, #tpu.memory_space<vmem>>)
      %scan3A_285 = arith.constant 0 : i32
      %scan3A_286 = arith.constant 8 : i32
      %scan3A_287 = arith.addi %scan3A_285, %scan3A_286 : i32
      %scan3A_288 = arith.constant 1 : i32
      scf.for %scan3A_315 = %scan3A_285 to %scan3A_287 step %scan3A_288  : i32 {
        %mul3A_316 = arith.constant 1 : i32
        %mul3A_317 = arith.muli %scan3A_315, %mul3A_316 : i32
        %add3A_318 = arith.constant 0 : i32
        %add3A_319 = arith.addi %add3A_318, %mul3A_317 : i32
        %mul3A_320 = arith.constant 16 : i32
        %mul3A_321 = arith.muli %add3A_319, %mul3A_320 : i32
        %add3A_322 = arith.constant 128 : i32
        %add3A_323 = arith.addi %add3A_322, %mul3A_321 : i32
        %get3A = arith.constant 0 : i32
        %get3A_324 = arith.index_cast %get3A : i32 to index
        %get3A_325 = arith.index_cast %add3A_323 : i32 to index
        %get3A_326 = tpu.vector_load %arg11[%get3A_324, %get3A_325] {strides = array<i32>} : memref<1x256xi32, #tpu.memory_space<vmem>>, vector<1x16xi32>,
        %get3A_327 = vector.shape_cast %get3A_326 : vector<1x16xi32> to vector<16xi32>
        %bitcast_convert_type3A = tpu.bitcast %get3A_327 : vector<16xi32> -> vector<16xf32>
        %scan3A_328 = arith.constant 0 : i32
        %scan3A_329 = arith.constant 16 : i32
        %scan3A_330 = arith.addi %scan3A_328, %scan3A_329 : i32
        %scan3A_331 = arith.constant 4 : i32
        scf.for %scan3A_333 = %scan3A_328 to %scan3A_330 step %scan3A_331  : i32 {
          %mul3A_334 = arith.constant 1 : i32
          %mul3A_335 = arith.muli %scan3A_333, %mul3A_334 : i32
          %add3A_336 = arith.constant 0 : i32
          %add3A_337 = arith.addi %add3A_336, %mul3A_335 : i32
          %broadcast_in_dim3A = vector.broadcast %add3A_337 : i32 to vector<16xi32>
          %lt3A_338 = arith.constant 0 : i32
          %lt3A_339 = vector.broadcast %lt3A_338 : i32 to vector<16xi32>
          %lt3A_340 = arith.cmpi slt, %broadcast_in_dim3A, %lt3A_339 : vector<16xi32>
          %add3A_341 = arith.constant 16 : i32
          %add3A_342 = vector.broadcast %add3A_341 : i32 to vector<16xi32>
          %add3A_343 = arith.addi %broadcast_in_dim3A, %add3A_342 : vector<16xi32>
          %select_n3A_344 = arith.select %lt3A_340, %add3A_343, %broadcast_in_dim3A : vector<16xi1>, vector<16xi32>
          %broadcast_in_dim3A_345 = vector.shape_cast %select_n3A_344 : vector<16xi32> to vector<16x1xi32>
          %gather3A = vector.shape_cast %broadcast_in_dim3A_345 : vector<16x1xi32> to vector<16xi32>
          %gather3A_346 = tpu.dynamic_gather %bitcast_convert_type3A[%gather3A] in [0] : vector<16xf32>, vector<16xi32> -> vector<16xf32>
          %mul3A_347 = arith.constant 16 : i32
          %mul3A_348 = arith.muli %add3A_319, %mul3A_347 : i32
          %add3A_349 = arith.addi %mul3A_348, %add3A_337 : i32
          %get3A_350 = arith.index_cast %add3A_349 : i32 to index
          %get3A_351 = arith.constant 0 : index
          %get3A_352 = tpu.vector_load %arg8[%get3A_350, %get3A_351] {strides = array<i32>} : memref<128x128xf32, #tpu.memory_space<vmem>>, vector<1x16xf32>,
          %get3A_353 = vector.shape_cast %get3A_352 : vector<1x16xf32> to vector<16xf32>
          %mul3A_354 = arith.mulf %get3A_353, %gather3A_346 : vector<16xf32>
          %swap3A = arith.index_cast %add3A_349 : i32 to index
          %swap3A_355 = arith.constant 0 : index
          %swap3A_356 = tpu.vector_load %arg8[%swap3A, %swap3A_355] {strides = array<i32>} : memref<128x128xf32, #tpu.memory_space<vmem>>, vector<1x16xf32>,
          %swap3A_357 = vector.shape_cast %swap3A_356 : vector<1x16xf32> to vector<16xf32>
          %swap3A_358 = vector.shape_cast %mul3A_354 : vector<16xf32> to vector<1x16xf32>
          tpu.vector_store %arg8[%swap3A, %swap3A_355], %swap3A_358 {strides = array<i32>} : memref<128x128xf32, #tpu.memory_space<vmem>>, vector<1x16xf32>,
          %get3A_359 = arith.index_cast %add3A_349 : i32 to index
          %get3A_360 = arith.constant 16 : index
          %get3A_361 = tpu.vector_load %arg8[%get3A_359, %get3A_360] {strides = array<i32>} : memref<128x128xf32, #tpu.memory_space<vmem>>, vector<1x16xf32>,
          %get3A_362 = vector.shape_cast %get3A_361 : vector<1x16xf32> to vector<16xf32>
          %mul3A_363 = arith.mulf %get3A_362, %gather3A_346 : vector<16xf32>
          %swap3A_364 = arith.index_cast %add3A_349 : i32 to index
          %swap3A_365 = arith.constant 16 : index
          %swap3A_366 = tpu.vector_load %arg8[%swap3A_364, %swap3A_365] {strides = array<i32>} : memref<128x128xf32, #tpu.memory_space<vmem>>, vector<1x16xf32>,
          %swap3A_367 = vector.shape_cast %swap3A_366 : vector<1x16xf32> to vector<16xf32>
          %swap3A_368 = vector.shape_cast %mul3A_363 : vector<16xf32> to vector<1x16xf32>
          tpu.vector_store %arg8[%swap3A_364, %swap3A_365], %swap3A_368 {strides = array<i32>} : memref<128x128xf32, #tpu.memory_space<vmem>>, vector<1x16xf32>,
          %get3A_369 = arith.index_cast %add3A_349 : i32 to index
          %get3A_370 = arith.constant 32 : index
          %get3A_371 = tpu.vector_load %arg8[%get3A_369, %get3A_370] {strides = array<i32>} : memref<128x128xf32, #tpu.memory_space<vmem>>, vector<1x16xf32>,
          %get3A_372 = vector.shape_cast %get3A_371 : vector<1x16xf32> to vector<16xf32>
          %mul3A_373 = arith.mulf %get3A_372, %gather3A_346 : vector<16xf32>
          %swap3A_374 = arith.index_cast %add3A_349 : i32 to index
          %swap3A_375 = arith.constant 32 : index
          %swap3A_376 = tpu.vector_load %arg8[%swap3A_374, %swap3A_375] {strides = array<i32>} : memref<128x128xf32, #tpu.memory_space<vmem>>, vector<1x16xf32>,
          %swap3A_377 = vector.shape_cast %swap3A_376 : vector<1x16xf32> to vector<16xf32>
          %swap3A_378 = vector.shape_cast %mul3A_373 : vector<16xf32> to vector<1x16xf32>
          tpu.vector_store %arg8[%swap3A_374, %swap3A_375], %swap3A_378 {strides = array<i32>} : memref<128x128xf32, #tpu.memory_space<vmem>>, vector<1x16xf32>,
          %get3A_379 = arith.index_cast %add3A_349 : i32 to index
          %get3A_380 = arith.constant 48 : index
          %get3A_381 = tpu.vector_load %arg8[%get3A_379, %get3A_380] {strides = array<i32>} : memref<128x128xf32, #tpu.memory_space<vmem>>, vector<1x16xf32>,
          %get3A_382 = vector.shape_cast %get3A_381 : vector<1x16xf32> to vector<16xf32>
          %mul3A_383 = arith.mulf %get3A_382, %gather3A_346 : vector<16xf32>
          %swap3A_384 = arith.index_cast %add3A_349 : i32 to index
          %swap3A_385 = arith.constant 48 : index
          %swap3A_386 = tpu.vector_load %arg8[%swap3A_384, %swap3A_385] {strides = array<i32>} : memref<128x128xf32, #tpu.memory_space<vmem>>, vector<1x16xf32>,
          %swap3A_387 = vector.shape_cast %swap3A_386 : vector<1x16xf32> to vector<16xf32>
          %swap3A_388 = vector.shape_cast %mul3A_383 : vector<16xf32> to vector<1x16xf32>
          tpu.vector_store %arg8[%swap3A_384, %swap3A_385], %swap3A_388 {strides = array<i32>} : memref<128x128xf32, #tpu.memory_space<vmem>>, vector<1x16xf32>,
          %get3A_389 = arith.index_cast %add3A_349 : i32 to index
          %get3A_390 = arith.constant 64 : index
          %get3A_391 = tpu.vector_load %arg8[%get3A_389, %get3A_390] {strides = array<i32>} : memref<128x128xf32, #tpu.memory_space<vmem>>, vector<1x16xf32>,
          %get3A_392 = vector.shape_cast %get3A_391 : vector<1x16xf32> to vector<16xf32>
          %mul3A_393 = arith.mulf %get3A_392, %gather3A_346 : vector<16xf32>
          %swap3A_394 = arith.index_cast %add3A_349 : i32 to index
          %swap3A_395 = arith.constant 64 : index
          %swap3A_396 = tpu.vector_load %arg8[%swap3A_394, %swap3A_395] {strides = array<i32>} : memref<128x128xf32, #tpu.memory_space<vmem>>, vector<1x16xf32>,
          %swap3A_397 = vector.shape_cast %swap3A_396 : vector<1x16xf32> to vector<16xf32>
          %swap3A_398 = vector.shape_cast %mul3A_393 : vector<16xf32> to vector<1x16xf32>
          tpu.vector_store %arg8[%swap3A_394, %swap3A_395], %swap3A_398 {strides = array<i32>} : memref<128x128xf32, #tpu.memory_space<vmem>>, vector<1x16xf32>,
          %get3A_399 = arith.index_cast %add3A_349 : i32 to index
          %get3A_400 = arith.constant 80 : index
          %get3A_401 = tpu.vector_load %arg8[%get3A_399, %get3A_400] {strides = array<i32>} : memref<128x128xf32, #tpu.memory_space<vmem>>, vector<1x16xf32>,
          %get3A_402 = vector.shape_cast %get3A_401 : vector<1x16xf32> to vector<16xf32>
          %mul3A_403 = arith.mulf %get3A_402, %gather3A_346 : vector<16xf32>
          %swap3A_404 = arith.index_cast %add3A_349 : i32 to index
          %swap3A_405 = arith.constant 80 : index
          %swap3A_406 = tpu.vector_load %arg8[%swap3A_404, %swap3A_405] {strides = array<i32>} : memref<128x128xf32, #tpu.memory_space<vmem>>, vector<1x16xf32>,
          %swap3A_407 = vector.shape_cast %swap3A_406 : vector<1x16xf32> to vector<16xf32>
          %swap3A_408 = vector.shape_cast %mul3A_403 : vector<16xf32> to vector<1x16xf32>
          tpu.vector_store %arg8[%swap3A_404, %swap3A_405], %swap3A_408 {strides = array<i32>} : memref<128x128xf32, #tpu.memory_space<vmem>>, vector<1x16xf32>,
          %get3A_409 = arith.index_cast %add3A_349 : i32 to index
          %get3A_410 = arith.constant 96 : index
          %get3A_411 = tpu.vector_load %arg8[%get3A_409, %get3A_410] {strides = array<i32>} : memref<128x128xf32, #tpu.memory_space<vmem>>, vector<1x16xf32>,
          %get3A_412 = vector.shape_cast %get3A_411 : vector<1x16xf32> to vector<16xf32>
          %mul3A_413 = arith.mulf %get3A_412, %gather3A_346 : vector<16xf32>
          %swap3A_414 = arith.index_cast %add3A_349 : i32 to index
          %swap3A_415 = arith.constant 96 : index
          %swap3A_416 = tpu.vector_load %arg8[%swap3A_414, %swap3A_415] {strides = array<i32>} : memref<128x128xf32, #tpu.memory_space<vmem>>, vector<1x16xf32>,
          %swap3A_417 = vector.shape_cast %swap3A_416 : vector<1x16xf32> to vector<16xf32>
          %swap3A_418 = vector.shape_cast %mul3A_413 : vector<16xf32> to vector<1x16xf32>
          tpu.vector_store %arg8[%swap3A_414, %swap3A_415], %swap3A_418 {strides = array<i32>} : memref<128x128xf32, #tpu.memory_space<vmem>>, vector<1x16xf32>,
          %get3A_419 = arith.index_cast %add3A_349 : i32 to index
          %get3A_420 = arith.constant 112 : index
          %get3A_421 = tpu.vector_load %arg8[%get3A_419, %get3A_420] {strides = array<i32>} : memref<128x128xf32, #tpu.memory_space<vmem>>, vector<1x16xf32>,
          %get3A_422 = vector.shape_cast %get3A_421 : vector<1x16xf32> to vector<16xf32>
          %mul3A_423 = arith.mulf %get3A_422, %gather3A_346 : vector<16xf32>
          %swap3A_424 = arith.index_cast %add3A_349 : i32 to index
          %swap3A_425 = arith.constant 112 : index
          %swap3A_426 = tpu.vector_load %arg8[%swap3A_424, %swap3A_425] {strides = array<i32>} : memref<128x128xf32, #tpu.memory_space<vmem>>, vector<1x16xf32>,
          %swap3A_427 = vector.shape_cast %swap3A_426 : vector<1x16xf32> to vector<16xf32>
          %swap3A_428 = vector.shape_cast %mul3A_423 : vector<16xf32> to vector<1x16xf32>
          tpu.vector_store %arg8[%swap3A_424, %swap3A_425], %swap3A_428 {strides = array<i32>} : memref<128x128xf32, #tpu.memory_space<vmem>>, vector<1x16xf32>,
          %scan3A_429 = arith.constant 1 : i32
          %scan3A_430 = arith.addi %scan3A_333, %scan3A_429 : i32
          %mul3A_431 = arith.constant 1 : i32
          %mul3A_432 = arith.muli %scan3A_430, %mul3A_431 : i32
          %add3A_433 = arith.constant 0 : i32
          %add3A_434 = arith.addi %add3A_433, %mul3A_432 : i32
          %broadcast_in_dim3A_435 = vector.broadcast %add3A_434 : i32 to vector<16xi32>
          %lt3A_436 = arith.constant 0 : i32
          %lt3A_437 = vector.broadcast %lt3A_436 : i32 to vector<16xi32>
          %lt3A_438 = arith.cmpi slt, %broadcast_in_dim3A_435, %lt3A_437 : vector<16xi32>
          %add3A_439 = arith.constant 16 : i32
          %add3A_440 = vector.broadcast %add3A_439 : i32 to vector<16xi32>
          %add3A_441 = arith.addi %broadcast_in_dim3A_435, %add3A_440 : vector<16xi32>
          %select_n3A_442 = arith.select %lt3A_438, %add3A_441, %broadcast_in_dim3A_435 : vector<16xi1>, vector<16xi32>
          %broadcast_in_dim3A_443 = vector.shape_cast %select_n3A_442 : vector<16xi32> to vector<16x1xi32>
          %gather3A_444 = vector.shape_cast %broadcast_in_dim3A_443 : vector<16x1xi32> to vector<16xi32>
          %gather3A_445 = tpu.dynamic_gather %bitcast_convert_type3A[%gather3A_444] in [0] : vector<16xf32>, vector<16xi32> -> vector<16xf32>
          %mul3A_446 = arith.constant 16 : i32
          %mul3A_447 = arith.muli %add3A_319, %mul3A_446 : i32
          %add3A_448 = arith.addi %mul3A_447, %add3A_434 : i32
          %get3A_449 = arith.index_cast %add3A_448 : i32 to index
          %get3A_450 = arith.constant 0 : index
          %get3A_451 = tpu.vector_load %arg8[%get3A_449, %get3A_450] {strides = array<i32>} : memref<128x128xf32, #tpu.memory_space<vmem>>, vector<1x16xf32>,
          %get3A_452 = vector.shape_cast %get3A_451 : vector<1x16xf32> to vector<16xf32>
          %mul3A_453 = arith.mulf %get3A_452, %gather3A_445 : vector<16xf32>
          %swap3A_454 = arith.index_cast %add3A_448 : i32 to index
          %swap3A_455 = arith.constant 0 : index
          %swap3A_456 = tpu.vector_load %arg8[%swap3A_454, %swap3A_455] {strides = array<i32>} : memref<128x128xf32, #tpu.memory_space<vmem>>, vector<1x16xf32>,
          %swap3A_457 = vector.shape_cast %swap3A_456 : vector<1x16xf32> to vector<16xf32>
          %swap3A_458 = vector.shape_cast %mul3A_453 : vector<16xf32> to vector<1x16xf32>
          tpu.vector_store %arg8[%swap3A_454, %swap3A_455], %swap3A_458 {strides = array<i32>} : memref<128x128xf32, #tpu.memory_space<vmem>>, vector<1x16xf32>,
          %get3A_459 = arith.index_cast %add3A_448 : i32 to index
          %get3A_460 = arith.constant 16 : index
          %get3A_461 = tpu.vector_load %arg8[%get3A_459, %get3A_460] {strides = array<i32>} : memref<128x128xf32, #tpu.memory_space<vmem>>, vector<1x16xf32>,
          %get3A_462 = vector.shape_cast %get3A_461 : vector<1x16xf32> to vector<16xf32>
          %mul3A_463 = arith.mulf %get3A_462, %gather3A_445 : vector<16xf32>
          %swap3A_464 = arith.index_cast %add3A_448 : i32 to index
          %swap3A_465 = arith.constant 16 : index
          %swap3A_466 = tpu.vector_load %arg8[%swap3A_464, %swap3A_465] {strides = array<i32>} : memref<128x128xf32, #tpu.memory_space<vmem>>, vector<1x16xf32>,
          %swap3A_467 = vector.shape_cast %swap3A_466 : vector<1x16xf32> to vector<16xf32>
          %swap3A_468 = vector.shape_cast %mul3A_463 : vector<16xf32> to vector<1x16xf32>
          tpu.vector_store %arg8[%swap3A_464, %swap3A_465], %swap3A_468 {strides = array<i32>} : memref<128x128xf32, #tpu.memory_space<vmem>>, vector<1x16xf32>,
          %get3A_469 = arith.index_cast %add3A_448 : i32 to index
          %get3A_470 = arith.constant 32 : index
          %get3A_471 = tpu.vector_load %arg8[%get3A_469, %get3A_470] {strides = array<i32>} : memref<128x128xf32, #tpu.memory_space<vmem>>, vector<1x16xf32>,
          %get3A_472 = vector.shape_cast %get3A_471 : vector<1x16xf32> to vector<16xf32>
          %mul3A_473 = arith.mulf %get3A_472, %gather3A_445 : vector<16xf32>
          %swap3A_474 = arith.index_cast %add3A_448 : i32 to index
          %swap3A_475 = arith.constant 32 : index
          %swap3A_476 = tpu.vector_load %arg8[%swap3A_474, %swap3A_475] {strides = array<i32>} : memref<128x128xf32, #tpu.memory_space<vmem>>, vector<1x16xf32>,
          %swap3A_477 = vector.shape_cast %swap3A_476 : vector<1x16xf32> to vector<16xf32>
          %swap3A_478 = vector.shape_cast %mul3A_473 : vector<16xf32> to vector<1x16xf32>
          tpu.vector_store %arg8[%swap3A_474, %swap3A_475], %swap3A_478 {strides = array<i32>} : memref<128x128xf32, #tpu.memory_space<vmem>>, vector<1x16xf32>,
          %get3A_479 = arith.index_cast %add3A_448 : i32 to index
          %get3A_480 = arith.constant 48 : index
          %get3A_481 = tpu.vector_load %arg8[%get3A_479, %get3A_480] {strides = array<i32>} : memref<128x128xf32, #tpu.memory_space<vmem>>, vector<1x16xf32>,
          %get3A_482 = vector.shape_cast %get3A_481 : vector<1x16xf32> to vector<16xf32>
          %mul3A_483 = arith.mulf %get3A_482, %gather3A_445 : vector<16xf32>
          %swap3A_484 = arith.index_cast %add3A_448 : i32 to index
          %swap3A_485 = arith.constant 48 : index
          %swap3A_486 = tpu.vector_load %arg8[%swap3A_484, %swap3A_485] {strides = array<i32>} : memref<128x128xf32, #tpu.memory_space<vmem>>, vector<1x16xf32>,
          %swap3A_487 = vector.shape_cast %swap3A_486 : vector<1x16xf32> to vector<16xf32>
          %swap3A_488 = vector.shape_cast %mul3A_483 : vector<16xf32> to vector<1x16xf32>
          tpu.vector_store %arg8[%swap3A_484, %swap3A_485], %swap3A_488 {strides = array<i32>} : memref<128x128xf32, #tpu.memory_space<vmem>>, vector<1x16xf32>,
          %get3A_489 = arith.index_cast %add3A_448 : i32 to index
          %get3A_490 = arith.constant 64 : index
          %get3A_491 = tpu.vector_load %arg8[%get3A_489, %get3A_490] {strides = array<i32>} : memref<128x128xf32, #tpu.memory_space<vmem>>, vector<1x16xf32>,
          %get3A_492 = vector.shape_cast %get3A_491 : vector<1x16xf32> to vector<16xf32>
          %mul3A_493 = arith.mulf %get3A_492, %gather3A_445 : vector<16xf32>
          %swap3A_494 = arith.index_cast %add3A_448 : i32 to index
          %swap3A_495 = arith.constant 64 : index
          %swap3A_496 = tpu.vector_load %arg8[%swap3A_494, %swap3A_495] {strides = array<i32>} : memref<128x128xf32, #tpu.memory_space<vmem>>, vector<1x16xf32>,
          %swap3A_497 = vector.shape_cast %swap3A_496 : vector<1x16xf32> to vector<16xf32>
          %swap3A_498 = vector.shape_cast %mul3A_493 : vector<16xf32> to vector<1x16xf32>
          tpu.vector_store %arg8[%swap3A_494, %swap3A_495], %swap3A_498 {strides = array<i32>} : memref<128x128xf32, #tpu.memory_space<vmem>>, vector<1x16xf32>,
          %get3A_499 = arith.index_cast %add3A_448 : i32 to index
          %get3A_500 = arith.constant 80 : index
          %get3A_501 = tpu.vector_load %arg8[%get3A_499, %get3A_500] {strides = array<i32>} : memref<128x128xf32, #tpu.memory_space<vmem>>, vector<1x16xf32>,
          %get3A_502 = vector.shape_cast %get3A_501 : vector<1x16xf32> to vector<16xf32>
          %mul3A_503 = arith.mulf %get3A_502, %gather3A_445 : vector<16xf32>
          %swap3A_504 = arith.index_cast %add3A_448 : i32 to index
          %swap3A_505 = arith.constant 80 : index
          %swap3A_506 = tpu.vector_load %arg8[%swap3A_504, %swap3A_505] {strides = array<i32>} : memref<128x128xf32, #tpu.memory_space<vmem>>, vector<1x16xf32>,
          %swap3A_507 = vector.shape_cast %swap3A_506 : vector<1x16xf32> to vector<16xf32>
          %swap3A_508 = vector.shape_cast %mul3A_503 : vector<16xf32> to vector<1x16xf32>
          tpu.vector_store %arg8[%swap3A_504, %swap3A_505], %swap3A_508 {strides = array<i32>} : memref<128x128xf32, #tpu.memory_space<vmem>>, vector<1x16xf32>,
          %get3A_509 = arith.index_cast %add3A_448 : i32 to index
          %get3A_510 = arith.constant 96 : index
          %get3A_511 = tpu.vector_load %arg8[%get3A_509, %get3A_510] {strides = array<i32>} : memref<128x128xf32, #tpu.memory_space<vmem>>, vector<1x16xf32>,
          %get3A_512 = vector.shape_cast %get3A_511 : vector<1x16xf32> to vector<16xf32>
          %mul3A_513 = arith.mulf %get3A_512, %gather3A_445 : vector<16xf32>
          %swap3A_514 = arith.index_cast %add3A_448 : i32 to index
          %swap3A_515 = arith.constant 96 : index
          %swap3A_516 = tpu.vector_load %arg8[%swap3A_514, %swap3A_515] {strides = array<i32>} : memref<128x128xf32, #tpu.memory_space<vmem>>, vector<1x16xf32>,
          %swap3A_517 = vector.shape_cast %swap3A_516 : vector<1x16xf32> to vector<16xf32>
          %swap3A_518 = vector.shape_cast %mul3A_513 : vector<16xf32> to vector<1x16xf32>
          tpu.vector_store %arg8[%swap3A_514, %swap3A_515], %swap3A_518 {strides = array<i32>} : memref<128x128xf32, #tpu.memory_space<vmem>>, vector<1x16xf32>,
          %get3A_519 = arith.index_cast %add3A_448 : i32 to index
          %get3A_520 = arith.constant 112 : index
          %get3A_521 = tpu.vector_load %arg8[%get3A_519, %get3A_520] {strides = array<i32>} : memref<128x128xf32, #tpu.memory_space<vmem>>, vector<1x16xf32>,
          %get3A_522 = vector.shape_cast %get3A_521 : vector<1x16xf32> to vector<16xf32>
          %mul3A_523 = arith.mulf %get3A_522, %gather3A_445 : vector<16xf32>
          %swap3A_524 = arith.index_cast %add3A_448 : i32 to index
          %swap3A_525 = arith.constant 112 : index
          %swap3A_526 = tpu.vector_load %arg8[%swap3A_524, %swap3A_525] {strides = array<i32>} : memref<128x128xf32, #tpu.memory_space<vmem>>, vector<1x16xf32>,
          %swap3A_527 = vector.shape_cast %swap3A_526 : vector<1x16xf32> to vector<16xf32>
          %swap3A_528 = vector.shape_cast %mul3A_523 : vector<16xf32> to vector<1x16xf32>
          tpu.vector_store %arg8[%swap3A_524, %swap3A_525], %swap3A_528 {strides = array<i32>} : memref<128x128xf32, #tpu.memory_space<vmem>>, vector<1x16xf32>,
          %scan3A_529 = arith.constant 2 : i32
          %scan3A_530 = arith.addi %scan3A_333, %scan3A_529 : i32
          %mul3A_531 = arith.constant 1 : i32
          %mul3A_532 = arith.muli %scan3A_530, %mul3A_531 : i32
          %add3A_533 = arith.constant 0 : i32
          %add3A_534 = arith.addi %add3A_533, %mul3A_532 : i32
          %broadcast_in_dim3A_535 = vector.broadcast %add3A_534 : i32 to vector<16xi32>
          %lt3A_536 = arith.constant 0 : i32
          %lt3A_537 = vector.broadcast %lt3A_536 : i32 to vector<16xi32>
          %lt3A_538 = arith.cmpi slt, %broadcast_in_dim3A_535, %lt3A_537 : vector<16xi32>
          %add3A_539 = arith.constant 16 : i32
          %add3A_540 = vector.broadcast %add3A_539 : i32 to vector<16xi32>
          %add3A_541 = arith.addi %broadcast_in_dim3A_535, %add3A_540 : vector<16xi32>
          %select_n3A_542 = arith.select %lt3A_538, %add3A_541, %broadcast_in_dim3A_535 : vector<16xi1>, vector<16xi32>
          %broadcast_in_dim3A_543 = vector.shape_cast %select_n3A_542 : vector<16xi32> to vector<16x1xi32>
          %gather3A_544 = vector.shape_cast %broadcast_in_dim3A_543 : vector<16x1xi32> to vector<16xi32>
          %gather3A_545 = tpu.dynamic_gather %bitcast_convert_type3A[%gather3A_544] in [0] : vector<16xf32>, vector<16xi32> -> vector<16xf32>
          %mul3A_546 = arith.constant 16 : i32
          %mul3A_547 = arith.muli %add3A_319, %mul3A_546 : i32
          %add3A_548 = arith.addi %mul3A_547, %add3A_534 : i32
          %get3A_549 = arith.index_cast %add3A_548 : i32 to index
          %get3A_550 = arith.constant 0 : index
          %get3A_551 = tpu.vector_load %arg8[%get3A_549, %get3A_550] {strides = array<i32>} : memref<128x128xf32, #tpu.memory_space<vmem>>, vector<1x16xf32>,
          %get3A_552 = vector.shape_cast %get3A_551 : vector<1x16xf32> to vector<16xf32>
          %mul3A_553 = arith.mulf %get3A_552, %gather3A_545 : vector<16xf32>
          %swap3A_554 = arith.index_cast %add3A_548 : i32 to index
          %swap3A_555 = arith.constant 0 : index
          %swap3A_556 = tpu.vector_load %arg8[%swap3A_554, %swap3A_555] {strides = array<i32>} : memref<128x128xf32, #tpu.memory_space<vmem>>, vector<1x16xf32>,
          %swap3A_557 = vector.shape_cast %swap3A_556 : vector<1x16xf32> to vector<16xf32>
          %swap3A_558 = vector.shape_cast %mul3A_553 : vector<16xf32> to vector<1x16xf32>
          tpu.vector_store %arg8[%swap3A_554, %swap3A_555], %swap3A_558 {strides = array<i32>} : memref<128x128xf32, #tpu.memory_space<vmem>>, vector<1x16xf32>,
          %get3A_559 = arith.index_cast %add3A_548 : i32 to index
          %get3A_560 = arith.constant 16 : index
          %get3A_561 = tpu.vector_load %arg8[%get3A_559, %get3A_560] {strides = array<i32>} : memref<128x128xf32, #tpu.memory_space<vmem>>, vector<1x16xf32>,
          %get3A_562 = vector.shape_cast %get3A_561 : vector<1x16xf32> to vector<16xf32>
          %mul3A_563 = arith.mulf %get3A_562, %gather3A_545 : vector<16xf32>
          %swap3A_564 = arith.index_cast %add3A_548 : i32 to index
          %swap3A_565 = arith.constant 16 : index
          %swap3A_566 = tpu.vector_load %arg8[%swap3A_564, %swap3A_565] {strides = array<i32>} : memref<128x128xf32, #tpu.memory_space<vmem>>, vector<1x16xf32>,
          %swap3A_567 = vector.shape_cast %swap3A_566 : vector<1x16xf32> to vector<16xf32>
          %swap3A_568 = vector.shape_cast %mul3A_563 : vector<16xf32> to vector<1x16xf32>
          tpu.vector_store %arg8[%swap3A_564, %swap3A_565], %swap3A_568 {strides = array<i32>} : memref<128x128xf32, #tpu.memory_space<vmem>>, vector<1x16xf32>,
          %get3A_569 = arith.index_cast %add3A_548 : i32 to index
          %get3A_570 = arith.constant 32 : index
          %get3A_571 = tpu.vector_load %arg8[%get3A_569, %get3A_570] {strides = array<i32>} : memref<128x128xf32, #tpu.memory_space<vmem>>, vector<1x16xf32>,
          %get3A_572 = vector.shape_cast %get3A_571 : vector<1x16xf32> to vector<16xf32>
          %mul3A_573 = arith.mulf %get3A_572, %gather3A_545 : vector<16xf32>
          %swap3A_574 = arith.index_cast %add3A_548 : i32 to index
          %swap3A_575 = arith.constant 32 : index
          %swap3A_576 = tpu.vector_load %arg8[%swap3A_574, %swap3A_575] {strides = array<i32>} : memref<128x128xf32, #tpu.memory_space<vmem>>, vector<1x16xf32>,
          %swap3A_577 = vector.shape_cast %swap3A_576 : vector<1x16xf32> to vector<16xf32>
          %swap3A_578 = vector.shape_cast %mul3A_573 : vector<16xf32> to vector<1x16xf32>
          tpu.vector_store %arg8[%swap3A_574, %swap3A_575], %swap3A_578 {strides = array<i32>} : memref<128x128xf32, #tpu.memory_space<vmem>>, vector<1x16xf32>,
          %get3A_579 = arith.index_cast %add3A_548 : i32 to index
          %get3A_580 = arith.constant 48 : index
          %get3A_581 = tpu.vector_load %arg8[%get3A_579, %get3A_580] {strides = array<i32>} : memref<128x128xf32, #tpu.memory_space<vmem>>, vector<1x16xf32>,
          %get3A_582 = vector.shape_cast %get3A_581 : vector<1x16xf32> to vector<16xf32>
          %mul3A_583 = arith.mulf %get3A_582, %gather3A_545 : vector<16xf32>
          %swap3A_584 = arith.index_cast %add3A_548 : i32 to index
          %swap3A_585 = arith.constant 48 : index
          %swap3A_586 = tpu.vector_load %arg8[%swap3A_584, %swap3A_585] {strides = array<i32>} : memref<128x128xf32, #tpu.memory_space<vmem>>, vector<1x16xf32>,
          %swap3A_587 = vector.shape_cast %swap3A_586 : vector<1x16xf32> to vector<16xf32>
          %swap3A_588 = vector.shape_cast %mul3A_583 : vector<16xf32> to vector<1x16xf32>
          tpu.vector_store %arg8[%swap3A_584, %swap3A_585], %swap3A_588 {strides = array<i32>} : memref<128x128xf32, #tpu.memory_space<vmem>>, vector<1x16xf32>,
          %get3A_589 = arith.index_cast %add3A_548 : i32 to index
          %get3A_590 = arith.constant 64 : index
          %get3A_591 = tpu.vector_load %arg8[%get3A_589, %get3A_590] {strides = array<i32>} : memref<128x128xf32, #tpu.memory_space<vmem>>, vector<1x16xf32>,
          %get3A_592 = vector.shape_cast %get3A_591 : vector<1x16xf32> to vector<16xf32>
          %mul3A_593 = arith.mulf %get3A_592, %gather3A_545 : vector<16xf32>
          %swap3A_594 = arith.index_cast %add3A_548 : i32 to index
          %swap3A_595 = arith.constant 64 : index
          %swap3A_596 = tpu.vector_load %arg8[%swap3A_594, %swap3A_595] {strides = array<i32>} : memref<128x128xf32, #tpu.memory_space<vmem>>, vector<1x16xf32>,
          %swap3A_597 = vector.shape_cast %swap3A_596 : vector<1x16xf32> to vector<16xf32>
          %swap3A_598 = vector.shape_cast %mul3A_593 : vector<16xf32> to vector<1x16xf32>
          tpu.vector_store %arg8[%swap3A_594, %swap3A_595], %swap3A_598 {strides = array<i32>} : memref<128x128xf32, #tpu.memory_space<vmem>>, vector<1x16xf32>,
          %get3A_599 = arith.index_cast %add3A_548 : i32 to index
          %get3A_600 = arith.constant 80 : index
          %get3A_601 = tpu.vector_load %arg8[%get3A_599, %get3A_600] {strides = array<i32>} : memref<128x128xf32, #tpu.memory_space<vmem>>, vector<1x16xf32>,
          %get3A_602 = vector.shape_cast %get3A_601 : vector<1x16xf32> to vector<16xf32>
          %mul3A_603 = arith.mulf %get3A_602, %gather3A_545 : vector<16xf32>
          %swap3A_604 = arith.index_cast %add3A_548 : i32 to index
          %swap3A_605 = arith.constant 80 : index
          %swap3A_606 = tpu.vector_load %arg8[%swap3A_604, %swap3A_605] {strides = array<i32>} : memref<128x128xf32, #tpu.memory_space<vmem>>, vector<1x16xf32>,
          %swap3A_607 = vector.shape_cast %swap3A_606 : vector<1x16xf32> to vector<16xf32>
          %swap3A_608 = vector.shape_cast %mul3A_603 : vector<16xf32> to vector<1x16xf32>
          tpu.vector_store %arg8[%swap3A_604, %swap3A_605], %swap3A_608 {strides = array<i32>} : memref<128x128xf32, #tpu.memory_space<vmem>>, vector<1x16xf32>,
          %get3A_609 = arith.index_cast %add3A_548 : i32 to index
          %get3A_610 = arith.constant 96 : index
          %get3A_611 = tpu.vector_load %arg8[%get3A_609, %get3A_610] {strides = array<i32>} : memref<128x128xf32, #tpu.memory_space<vmem>>, vector<1x16xf32>,
          %get3A_612 = vector.shape_cast %get3A_611 : vector<1x16xf32> to vector<16xf32>
          %mul3A_613 = arith.mulf %get3A_612, %gather3A_545 : vector<16xf32>
          %swap3A_614 = arith.index_cast %add3A_548 : i32 to index
          %swap3A_615 = arith.constant 96 : index
          %swap3A_616 = tpu.vector_load %arg8[%swap3A_614, %swap3A_615] {strides = array<i32>} : memref<128x128xf32, #tpu.memory_space<vmem>>, vector<1x16xf32>,
          %swap3A_617 = vector.shape_cast %swap3A_616 : vector<1x16xf32> to vector<16xf32>
          %swap3A_618 = vector.shape_cast %mul3A_613 : vector<16xf32> to vector<1x16xf32>
          tpu.vector_store %arg8[%swap3A_614, %swap3A_615], %swap3A_618 {strides = array<i32>} : memref<128x128xf32, #tpu.memory_space<vmem>>, vector<1x16xf32>,
          %get3A_619 = arith.index_cast %add3A_548 : i32 to index
          %get3A_620 = arith.constant 112 : index
          %get3A_621 = tpu.vector_load %arg8[%get3A_619, %get3A_620] {strides = array<i32>} : memref<128x128xf32, #tpu.memory_space<vmem>>, vector<1x16xf32>,
          %get3A_622 = vector.shape_cast %get3A_621 : vector<1x16xf32> to vector<16xf32>
          %mul3A_623 = arith.mulf %get3A_622, %gather3A_545 : vector<16xf32>
          %swap3A_624 = arith.index_cast %add3A_548 : i32 to index
          %swap3A_625 = arith.constant 112 : index
          %swap3A_626 = tpu.vector_load %arg8[%swap3A_624, %swap3A_625] {strides = array<i32>} : memref<128x128xf32, #tpu.memory_space<vmem>>, vector<1x16xf32>,
          %swap3A_627 = vector.shape_cast %swap3A_626 : vector<1x16xf32> to vector<16xf32>
          %swap3A_628 = vector.shape_cast %mul3A_623 : vector<16xf32> to vector<1x16xf32>
          tpu.vector_store %arg8[%swap3A_624, %swap3A_625], %swap3A_628 {strides = array<i32>} : memref<128x128xf32, #tpu.memory_space<vmem>>, vector<1x16xf32>,
          %scan3A_629 = arith.constant 3 : i32
          %scan3A_630 = arith.addi %scan3A_333, %scan3A_629 : i32
          %mul3A_631 = arith.constant 1 : i32
          %mul3A_632 = arith.muli %scan3A_630, %mul3A_631 : i32
          %add3A_633 = arith.constant 0 : i32
          %add3A_634 = arith.addi %add3A_633, %mul3A_632 : i32
          %broadcast_in_dim3A_635 = vector.broadcast %add3A_634 : i32 to vector<16xi32>
          %lt3A_636 = arith.constant 0 : i32
          %lt3A_637 = vector.broadcast %lt3A_636 : i32 to vector<16xi32>
          %lt3A_638 = arith.cmpi slt, %broadcast_in_dim3A_635, %lt3A_637 : vector<16xi32>
          %add3A_639 = arith.constant 16 : i32
          %add3A_640 = vector.broadcast %add3A_639 : i32 to vector<16xi32>
          %add3A_641 = arith.addi %broadcast_in_dim3A_635, %add3A_640 : vector<16xi32>
          %select_n3A_642 = arith.select %lt3A_638, %add3A_641, %broadcast_in_dim3A_635 : vector<16xi1>, vector<16xi32>
          %broadcast_in_dim3A_643 = vector.shape_cast %select_n3A_642 : vector<16xi32> to vector<16x1xi32>
          %gather3A_644 = vector.shape_cast %broadcast_in_dim3A_643 : vector<16x1xi32> to vector<16xi32>
          %gather3A_645 = tpu.dynamic_gather %bitcast_convert_type3A[%gather3A_644] in [0] : vector<16xf32>, vector<16xi32> -> vector<16xf32>
          %mul3A_646 = arith.constant 16 : i32
          %mul3A_647 = arith.muli %add3A_319, %mul3A_646 : i32
          %add3A_648 = arith.addi %mul3A_647, %add3A_634 : i32
          %get3A_649 = arith.index_cast %add3A_648 : i32 to index
          %get3A_650 = arith.constant 0 : index
          %get3A_651 = tpu.vector_load %arg8[%get3A_649, %get3A_650] {strides = array<i32>} : memref<128x128xf32, #tpu.memory_space<vmem>>, vector<1x16xf32>,
          %get3A_652 = vector.shape_cast %get3A_651 : vector<1x16xf32> to vector<16xf32>
          %mul3A_653 = arith.mulf %get3A_652, %gather3A_645 : vector<16xf32>
          %swap3A_654 = arith.index_cast %add3A_648 : i32 to index
          %swap3A_655 = arith.constant 0 : index
          %swap3A_656 = tpu.vector_load %arg8[%swap3A_654, %swap3A_655] {strides = array<i32>} : memref<128x128xf32, #tpu.memory_space<vmem>>, vector<1x16xf32>,
          %swap3A_657 = vector.shape_cast %swap3A_656 : vector<1x16xf32> to vector<16xf32>
          %swap3A_658 = vector.shape_cast %mul3A_653 : vector<16xf32> to vector<1x16xf32>
          tpu.vector_store %arg8[%swap3A_654, %swap3A_655], %swap3A_658 {strides = array<i32>} : memref<128x128xf32, #tpu.memory_space<vmem>>, vector<1x16xf32>,
          %get3A_659 = arith.index_cast %add3A_648 : i32 to index
          %get3A_660 = arith.constant 16 : index
          %get3A_661 = tpu.vector_load %arg8[%get3A_659, %get3A_660] {strides = array<i32>} : memref<128x128xf32, #tpu.memory_space<vmem>>, vector<1x16xf32>,
          %get3A_662 = vector.shape_cast %get3A_661 : vector<1x16xf32> to vector<16xf32>
          %mul3A_663 = arith.mulf %get3A_662, %gather3A_645 : vector<16xf32>
          %swap3A_664 = arith.index_cast %add3A_648 : i32 to index
          %swap3A_665 = arith.constant 16 : index
          %swap3A_666 = tpu.vector_load %arg8[%swap3A_664, %swap3A_665] {strides = array<i32>} : memref<128x128xf32, #tpu.memory_space<vmem>>, vector<1x16xf32>,
          %swap3A_667 = vector.shape_cast %swap3A_666 : vector<1x16xf32> to vector<16xf32>
          %swap3A_668 = vector.shape_cast %mul3A_663 : vector<16xf32> to vector<1x16xf32>
          tpu.vector_store %arg8[%swap3A_664, %swap3A_665], %swap3A_668 {strides = array<i32>} : memref<128x128xf32, #tpu.memory_space<vmem>>, vector<1x16xf32>,
          %get3A_669 = arith.index_cast %add3A_648 : i32 to index
          %get3A_670 = arith.constant 32 : index
          %get3A_671 = tpu.vector_load %arg8[%get3A_669, %get3A_670] {strides = array<i32>} : memref<128x128xf32, #tpu.memory_space<vmem>>, vector<1x16xf32>,
          %get3A_672 = vector.shape_cast %get3A_671 : vector<1x16xf32> to vector<16xf32>
          %mul3A_673 = arith.mulf %get3A_672, %gather3A_645 : vector<16xf32>
          %swap3A_674 = arith.index_cast %add3A_648 : i32 to index
          %swap3A_675 = arith.constant 32 : index
          %swap3A_676 = tpu.vector_load %arg8[%swap3A_674, %swap3A_675] {strides = array<i32>} : memref<128x128xf32, #tpu.memory_space<vmem>>, vector<1x16xf32>,
          %swap3A_677 = vector.shape_cast %swap3A_676 : vector<1x16xf32> to vector<16xf32>
          %swap3A_678 = vector.shape_cast %mul3A_673 : vector<16xf32> to vector<1x16xf32>
          tpu.vector_store %arg8[%swap3A_674, %swap3A_675], %swap3A_678 {strides = array<i32>} : memref<128x128xf32, #tpu.memory_space<vmem>>, vector<1x16xf32>,
          %get3A_679 = arith.index_cast %add3A_648 : i32 to index
          %get3A_680 = arith.constant 48 : index
          %get3A_681 = tpu.vector_load %arg8[%get3A_679, %get3A_680] {strides = array<i32>} : memref<128x128xf32, #tpu.memory_space<vmem>>, vector<1x16xf32>,
          %get3A_682 = vector.shape_cast %get3A_681 : vector<1x16xf32> to vector<16xf32>
          %mul3A_683 = arith.mulf %get3A_682, %gather3A_645 : vector<16xf32>
          %swap3A_684 = arith.index_cast %add3A_648 : i32 to index
          %swap3A_685 = arith.constant 48 : index
          %swap3A_686 = tpu.vector_load %arg8[%swap3A_684, %swap3A_685] {strides = array<i32>} : memref<128x128xf32, #tpu.memory_space<vmem>>, vector<1x16xf32>,
          %swap3A_687 = vector.shape_cast %swap3A_686 : vector<1x16xf32> to vector<16xf32>
          %swap3A_688 = vector.shape_cast %mul3A_683 : vector<16xf32> to vector<1x16xf32>
          tpu.vector_store %arg8[%swap3A_684, %swap3A_685], %swap3A_688 {strides = array<i32>} : memref<128x128xf32, #tpu.memory_space<vmem>>, vector<1x16xf32>,
          %get3A_689 = arith.index_cast %add3A_648 : i32 to index
          %get3A_690 = arith.constant 64 : index
          %get3A_691 = tpu.vector_load %arg8[%get3A_689, %get3A_690] {strides = array<i32>} : memref<128x128xf32, #tpu.memory_space<vmem>>, vector<1x16xf32>,
          %get3A_692 = vector.shape_cast %get3A_691 : vector<1x16xf32> to vector<16xf32>
          %mul3A_693 = arith.mulf %get3A_692, %gather3A_645 : vector<16xf32>
          %swap3A_694 = arith.index_cast %add3A_648 : i32 to index
          %swap3A_695 = arith.constant 64 : index
          %swap3A_696 = tpu.vector_load %arg8[%swap3A_694, %swap3A_695] {strides = array<i32>} : memref<128x128xf32, #tpu.memory_space<vmem>>, vector<1x16xf32>,
          %swap3A_697 = vector.shape_cast %swap3A_696 : vector<1x16xf32> to vector<16xf32>
          %swap3A_698 = vector.shape_cast %mul3A_693 : vector<16xf32> to vector<1x16xf32>
          tpu.vector_store %arg8[%swap3A_694, %swap3A_695], %swap3A_698 {strides = array<i32>} : memref<128x128xf32, #tpu.memory_space<vmem>>, vector<1x16xf32>,
          %get3A_699 = arith.index_cast %add3A_648 : i32 to index
          %get3A_700 = arith.constant 80 : index
          %get3A_701 = tpu.vector_load %arg8[%get3A_699, %get3A_700] {strides = array<i32>} : memref<128x128xf32, #tpu.memory_space<vmem>>, vector<1x16xf32>,
          %get3A_702 = vector.shape_cast %get3A_701 : vector<1x16xf32> to vector<16xf32>
          %mul3A_703 = arith.mulf %get3A_702, %gather3A_645 : vector<16xf32>
          %swap3A_704 = arith.index_cast %add3A_648 : i32 to index
          %swap3A_705 = arith.constant 80 : index
          %swap3A_706 = tpu.vector_load %arg8[%swap3A_704, %swap3A_705] {strides = array<i32>} : memref<128x128xf32, #tpu.memory_space<vmem>>, vector<1x16xf32>,
          %swap3A_707 = vector.shape_cast %swap3A_706 : vector<1x16xf32> to vector<16xf32>
          %swap3A_708 = vector.shape_cast %mul3A_703 : vector<16xf32> to vector<1x16xf32>
          tpu.vector_store %arg8[%swap3A_704, %swap3A_705], %swap3A_708 {strides = array<i32>} : memref<128x128xf32, #tpu.memory_space<vmem>>, vector<1x16xf32>,
          %get3A_709 = arith.index_cast %add3A_648 : i32 to index
          %get3A_710 = arith.constant 96 : index
          %get3A_711 = tpu.vector_load %arg8[%get3A_709, %get3A_710] {strides = array<i32>} : memref<128x128xf32, #tpu.memory_space<vmem>>, vector<1x16xf32>,
          %get3A_712 = vector.shape_cast %get3A_711 : vector<1x16xf32> to vector<16xf32>
          %mul3A_713 = arith.mulf %get3A_712, %gather3A_645 : vector<16xf32>
          %swap3A_714 = arith.index_cast %add3A_648 : i32 to index
          %swap3A_715 = arith.constant 96 : index
          %swap3A_716 = tpu.vector_load %arg8[%swap3A_714, %swap3A_715] {strides = array<i32>} : memref<128x128xf32, #tpu.memory_space<vmem>>, vector<1x16xf32>,
          %swap3A_717 = vector.shape_cast %swap3A_716 : vector<1x16xf32> to vector<16xf32>
          %swap3A_718 = vector.shape_cast %mul3A_713 : vector<16xf32> to vector<1x16xf32>
          tpu.vector_store %arg8[%swap3A_714, %swap3A_715], %swap3A_718 {strides = array<i32>} : memref<128x128xf32, #tpu.memory_space<vmem>>, vector<1x16xf32>,
          %get3A_719 = arith.index_cast %add3A_648 : i32 to index
          %get3A_720 = arith.constant 112 : index
          %get3A_721 = tpu.vector_load %arg8[%get3A_719, %get3A_720] {strides = array<i32>} : memref<128x128xf32, #tpu.memory_space<vmem>>, vector<1x16xf32>,
          %get3A_722 = vector.shape_cast %get3A_721 : vector<1x16xf32> to vector<16xf32>
          %mul3A_723 = arith.mulf %get3A_722, %gather3A_645 : vector<16xf32>
          %swap3A_724 = arith.index_cast %add3A_648 : i32 to index
          %swap3A_725 = arith.constant 112 : index
          %swap3A_726 = tpu.vector_load %arg8[%swap3A_724, %swap3A_725] {strides = array<i32>} : memref<128x128xf32, #tpu.memory_space<vmem>>, vector<1x16xf32>,
          %swap3A_727 = vector.shape_cast %swap3A_726 : vector<1x16xf32> to vector<16xf32>
          %swap3A_728 = vector.shape_cast %mul3A_723 : vector<16xf32> to vector<1x16xf32>
          tpu.vector_store %arg8[%swap3A_724, %swap3A_725], %swap3A_728 {strides = array<i32>} : memref<128x128xf32, #tpu.memory_space<vmem>>, vector<1x16xf32>,
        }
        %scan3A_332 = arith.constant 16 : i32
      }
      %scan3A_289 = arith.constant 8 : i32
      %add3A_290 = arith.constant 3 : i32
      %add3A_291 = arith.addi %add3A_265, %add3A_290 : i32
      %lt3A_292 = arith.constant 78 : i32
      %lt3A_293 = arith.cmpi slt, %add3A_291, %lt3A_292 : i32
      %convert_element_type3A_294 = arith.extui %lt3A_293 : i1 to i32
      %cond3A_295 = arith.constant 0 : i32
      %cond3A_296 = arith.cmpi ne, %convert_element_type3A_294, %cond3A_295 : i32
      scf.if %cond3A_296 {
        %add3A_315 = arith.constant 3 : i32
        %add3A_316 = arith.addi %add3A_265, %add3A_315 : i32
        %mul3A_317 = arith.constant 78 : i32
        %mul3A_318 = arith.muli %add3A, %mul3A_317 : i32
        %add3A_319 = arith.addi %mul3A_318, %add3A_316 : i32
        %dma_start3A_320 = arith.constant 0 : i32
        %dma_start3A_321 = arith.constant 0 : i32
        %dma_start3A_322 = tpu.memref_slice %arg3[%add3A_319, %dma_start3A_320, %dma_start3A_321] : memref<2500x1x256xi32, #tpu.memory_space<hbm>> -> memref<1x1x256xi32, #tpu.memory_space<hbm>>
        %dma_start3A_323 = tpu.memref_squeeze %dma_start3A_322 : memref<1x1x256xi32, #tpu.memory_space<hbm>> -> memref<1x256xi32, #tpu.memory_space<hbm>>
        %dma_start3A_324 = arith.constant 0 : i32
        %dma_start3A_325 = arith.constant 0 : i32
        %dma_start3A_326 = tpu.memref_slice %arg3[%add3A_319, %dma_start3A_324, %dma_start3A_325] : memref<2500x1x256xi32, #tpu.memory_space<hbm>> -> memref<1x1x256xi32, #tpu.memory_space<hbm>>
        %dma_start3A_327 = tpu.memref_squeeze %dma_start3A_326 : memref<1x1x256xi32, #tpu.memory_space<hbm>> -> memref<1x256xi32, #tpu.memory_space<hbm>>
        tpu.enqueue_dma source(%dma_start3A_327 : memref<1x256xi32, #tpu.memory_space<hbm>>) target(%arg11 : memref<1x256xi32, #tpu.memory_space<vmem>>) target_semaphore(%arg24 : memref<!tpu.dma_semaphore, #tpu.memory_space<semaphore_mem>>)
      } else {
      }
      %mul3A_297 = arith.constant 78 : i32
      %mul3A_298 = arith.muli %add3A, %mul3A_297 : i32
      %add3A_299 = arith.addi %mul3A_298, %add3A_265 : i32
      %dma_wait3A_300 = arith.constant 0 : i32
      %dma_wait3A_301 = arith.constant 0 : i32
      %dma_wait3A_302 = tpu.memref_slice %arg4[%add3A_299, %dma_wait3A_300, %dma_wait3A_301] : memref<2500x1x128xi32, #tpu.memory_space<hbm>> -> memref<1x1x128xi32, #tpu.memory_space<hbm>>
      %dma_wait3A_303 = tpu.memref_squeeze %dma_wait3A_302 : memref<1x1x128xi32, #tpu.memory_space<hbm>> -> memref<1x128xi32, #tpu.memory_space<hbm>>
      %dma_wait3A_304 = arith.constant 0 : i32
      %dma_wait3A_305 = arith.constant 0 : i32
      %dma_wait3A_306 = tpu.memref_slice %arg4[%add3A_299, %dma_wait3A_304, %dma_wait3A_305] : memref<2500x1x128xi32, #tpu.memory_space<hbm>> -> memref<1x1x128xi32, #tpu.memory_space<hbm>>
      %dma_wait3A_307 = tpu.memref_squeeze %dma_wait3A_306 : memref<1x1x128xi32, #tpu.memory_space<hbm>> -> memref<1x128xi32, #tpu.memory_space<hbm>>
      tpu.wait_dma2 semaphore(%arg27 : memref<!tpu.dma_semaphore, #tpu.memory_space<semaphore_mem>>) src(%dma_wait3A_307 : memref<1x128xi32, #tpu.memory_space<hbm>>) dst(%arg14 : memref<1x128xi32, #tpu.memory_space<vmem>>)
      %dma_start3A_308 = arith.constant 0 : i32
      %dma_start3A_309 = arith.constant 0 : i32
      %dma_start3A_310 = tpu.memref_slice %arg14[%dma_start3A_308, %dma_start3A_309] : memref<1x128xi32, #tpu.memory_space<vmem>> -> memref<1x128xi32, #tpu.memory_space<vmem>>
      %dma_start3A_311 = tpu.memref_squeeze %dma_start3A_310 : memref<1x128xi32, #tpu.memory_space<vmem>> -> memref<128xi32, #tpu.memory_space<vmem>>
      %dma_start3A_312 = arith.constant 0 : i32
      %dma_start3A_313 = arith.constant 0 : i32
      %dma_start3A_314 = tpu.memref_slice %arg15[%dma_start3A_312, %dma_start3A_313] : memref<10000x128xf32, #tpu.memory_space<vmem_shared>> -> memref<10000x128xf32, #tpu.memory_space<vmem_shared>>
      tpu.enqueue_indirect_dma source(%arg8 : memref<128x128xf32, #tpu.memory_space<vmem>>) target(%dma_start3A_314 : memref<10000x128xf32, #tpu.memory_space<vmem_shared>>) offsets(%dma_start3A_311 : memref<128xi32, #tpu.memory_space<vmem>>) semaphore(%arg21 : memref<!tpu.dma_semaphore, #tpu.memory_space<semaphore_mem>>) {add = true}
    }
    %scan3A_128 = arith.constant 26 : i32
    %dma_wait3A_129 = arith.constant 0 : i32
    %dma_wait3A_130 = arith.constant 0 : i32
    %dma_wait3A_131 = tpu.memref_slice %arg14[%dma_wait3A_129, %dma_wait3A_130] : memref<1x128xi32, #tpu.memory_space<vmem>> -> memref<1x128xi32, #tpu.memory_space<vmem>>
    %dma_wait3A_132 = tpu.memref_squeeze %dma_wait3A_131 : memref<1x128xi32, #tpu.memory_space<vmem>> -> memref<128xi32, #tpu.memory_space<vmem>>
    %dma_wait3A_133 = arith.constant 0 : i32
    %dma_wait3A_134 = arith.constant 0 : i32
    %dma_wait3A_135 = tpu.memref_slice %arg15[%dma_wait3A_133, %dma_wait3A_134] : memref<10000x128xf32, #tpu.memory_space<vmem_shared>> -> memref<10000x128xf32, #tpu.memory_space<vmem_shared>>
    tpu.wait_indirect_dma semaphore(%arg21 : memref<!tpu.dma_semaphore, #tpu.memory_space<semaphore_mem>>) src(%arg8 : memref<128x128xf32, #tpu.memory_space<vmem>>) dst(%dma_wait3A_135 : memref<10000x128xf32, #tpu.memory_space<vmem_shared>>)
    %lt3A_136 = arith.constant 4 : i32
    %lt3A_137 = arith.cmpi slt, %add3A, %lt3A_136 : i32
    %convert_element_type3A = arith.extui %lt3A_137 : i1 to i32
    %cond3A = arith.constant 0 : i32
    %cond3A_138 = arith.cmpi ne, %convert_element_type3A, %cond3A : i32
    scf.if %cond3A_138 {
      %add3A_158 = arith.constant 2496 : i32
      %add3A_159 = arith.addi %add3A_158, %add3A : i32
      %dma_start3A_160 = arith.constant 0 : i32
      %dma_start3A_161 = arith.constant 0 : i32
      %dma_start3A_162 = tpu.memref_slice %arg3[%add3A_159, %dma_start3A_160, %dma_start3A_161] : memref<2500x1x256xi32, #tpu.memory_space<hbm>> -> memref<1x1x256xi32, #tpu.memory_space<hbm>>
      %dma_start3A_163 = tpu.memref_squeeze %dma_start3A_162 : memref<1x1x256xi32, #tpu.memory_space<hbm>> -> memref<1x256xi32, #tpu.memory_space<hbm>>
      %dma_start3A_164 = arith.constant 0 : i32
      %dma_start3A_165 = arith.constant 0 : i32
      %dma_start3A_166 = tpu.memref_slice %arg3[%add3A_159, %dma_start3A_164, %dma_start3A_165] : memref<2500x1x256xi32, #tpu.memory_space<hbm>> -> memref<1x1x256xi32, #tpu.memory_space<hbm>>
      %dma_start3A_167 = tpu.memref_squeeze %dma_start3A_166 : memref<1x1x256xi32, #tpu.memory_space<hbm>> -> memref<1x256xi32, #tpu.memory_space<hbm>>
      tpu.enqueue_dma source(%dma_start3A_167 : memref<1x256xi32, #tpu.memory_space<hbm>>) target(%arg9 : memref<1x256xi32, #tpu.memory_space<vmem>>) target_semaphore(%arg22 : memref<!tpu.dma_semaphore, #tpu.memory_space<semaphore_mem>>)
      %dma_start3A_168 = arith.constant 0 : i32
      %dma_start3A_169 = arith.constant 0 : i32
      %dma_start3A_170 = tpu.memref_slice %arg4[%add3A_159, %dma_start3A_168, %dma_start3A_169] : memref<2500x1x128xi32, #tpu.memory_space<hbm>> -> memref<1x1x128xi32, #tpu.memory_space<hbm>>
      %dma_start3A_171 = tpu.memref_squeeze %dma_start3A_170 : memref<1x1x128xi32, #tpu.memory_space<hbm>> -> memref<1x128xi32, #tpu.memory_space<hbm>>
      %dma_start3A_172 = arith.constant 0 : i32
      %dma_start3A_173 = arith.constant 0 : i32
      %dma_start3A_174 = tpu.memref_slice %arg4[%add3A_159, %dma_start3A_172, %dma_start3A_173] : memref<2500x1x128xi32, #tpu.memory_space<hbm>> -> memref<1x1x128xi32, #tpu.memory_space<hbm>>
      %dma_start3A_175 = tpu.memref_squeeze %dma_start3A_174 : memref<1x1x128xi32, #tpu.memory_space<hbm>> -> memref<1x128xi32, #tpu.memory_space<hbm>>
      tpu.enqueue_dma source(%dma_start3A_175 : memref<1x128xi32, #tpu.memory_space<hbm>>) target(%arg12 : memref<1x128xi32, #tpu.memory_space<vmem>>) target_semaphore(%arg25 : memref<!tpu.dma_semaphore, #tpu.memory_space<semaphore_mem>>)
      %dma_wait3A_176 = arith.constant 0 : i32
      %dma_wait3A_177 = arith.constant 0 : i32
      %dma_wait3A_178 = tpu.memref_slice %arg3[%add3A_159, %dma_wait3A_176, %dma_wait3A_177] : memref<2500x1x256xi32, #tpu.memory_space<hbm>> -> memref<1x1x256xi32, #tpu.memory_space<hbm>>
      %dma_wait3A_179 = tpu.memref_squeeze %dma_wait3A_178 : memref<1x1x256xi32, #tpu.memory_space<hbm>> -> memref<1x256xi32, #tpu.memory_space<hbm>>
      %dma_wait3A_180 = arith.constant 0 : i32
      %dma_wait3A_181 = arith.constant 0 : i32
      %dma_wait3A_182 = tpu.memref_slice %arg3[%add3A_159, %dma_wait3A_180, %dma_wait3A_181] : memref<2500x1x256xi32, #tpu.memory_space<hbm>> -> memref<1x1x256xi32, #tpu.memory_space<hbm>>
      %dma_wait3A_183 = tpu.memref_squeeze %dma_wait3A_182 : memref<1x1x256xi32, #tpu.memory_space<hbm>> -> memref<1x256xi32, #tpu.memory_space<hbm>>
      tpu.wait_dma2 semaphore(%arg22 : memref<!tpu.dma_semaphore, #tpu.memory_space<semaphore_mem>>) src(%dma_wait3A_183 : memref<1x256xi32, #tpu.memory_space<hbm>>) dst(%arg9 : memref<1x256xi32, #tpu.memory_space<vmem>>)
      %dma_wait3A_184 = arith.constant 0 : i32
      %dma_wait3A_185 = arith.constant 0 : i32
      %dma_wait3A_186 = tpu.memref_slice %arg4[%add3A_159, %dma_wait3A_184, %dma_wait3A_185] : memref<2500x1x128xi32, #tpu.memory_space<hbm>> -> memref<1x1x128xi32, #tpu.memory_space<hbm>>
      %dma_wait3A_187 = tpu.memref_squeeze %dma_wait3A_186 : memref<1x1x128xi32, #tpu.memory_space<hbm>> -> memref<1x128xi32, #tpu.memory_space<hbm>>
      %dma_wait3A_188 = arith.constant 0 : i32
      %dma_wait3A_189 = arith.constant 0 : i32
      %dma_wait3A_190 = tpu.memref_slice %arg4[%add3A_159, %dma_wait3A_188, %dma_wait3A_189] : memref<2500x1x128xi32, #tpu.memory_space<hbm>> -> memref<1x1x128xi32, #tpu.memory_space<hbm>>
      %dma_wait3A_191 = tpu.memref_squeeze %dma_wait3A_190 : memref<1x1x128xi32, #tpu.memory_space<hbm>> -> memref<1x128xi32, #tpu.memory_space<hbm>>
      tpu.wait_dma2 semaphore(%arg25 : memref<!tpu.dma_semaphore, #tpu.memory_space<semaphore_mem>>) src(%dma_wait3A_191 : memref<1x128xi32, #tpu.memory_space<hbm>>) dst(%arg12 : memref<1x128xi32, #tpu.memory_space<vmem>>)
      %run_scoped3A = arith.constant 0 : i32
      "tpu.region"() ({
        %run_scoped3A_198 = tpu.sem_alloc : memref<!tpu.dma_semaphore, #tpu.memory_space<semaphore_mem>>
        %dma_start3A_199 = arith.constant 0 : i32
        %dma_start3A_200 = tpu.memref_slice %arg9[%run_scoped3A, %dma_start3A_199] : memref<1x256xi32, #tpu.memory_space<vmem>> -> memref<1x128xi32, #tpu.memory_space<vmem>>
        %dma_start3A_201 = tpu.memref_squeeze %dma_start3A_200 : memref<1x128xi32, #tpu.memory_space<vmem>> -> memref<128xi32, #tpu.memory_space<vmem>>
        %dma_start3A_202 = arith.constant 0 : i32
        %dma_start3A_203 = arith.constant 0 : i32
        %dma_start3A_204 = tpu.memref_slice %arg2[%dma_start3A_202, %dma_start3A_203] : memref<10000x128xf32, #tpu.memory_space<hbm>> -> memref<10000x128xf32, #tpu.memory_space<hbm>>
        tpu.enqueue_indirect_dma source(%dma_start3A_204 : memref<10000x128xf32, #tpu.memory_space<hbm>>) target(%arg6 : memref<128x128xf32, #tpu.memory_space<vmem>>) offsets(%dma_start3A_201 : memref<128xi32, #tpu.memory_space<vmem>>) semaphore(%run_scoped3A_198 : memref<!tpu.dma_semaphore, #tpu.memory_space<semaphore_mem>>)
        %dma_wait3A_205 = arith.constant 0 : i32
        %dma_wait3A_206 = tpu.memref_slice %arg9[%run_scoped3A, %dma_wait3A_205] : memref<1x256xi32, #tpu.memory_space<vmem>> -> memref<1x128xi32, #tpu.memory_space<vmem>>
        %dma_wait3A_207 = tpu.memref_squeeze %dma_wait3A_206 : memref<1x128xi32, #tpu.memory_space<vmem>> -> memref<128xi32, #tpu.memory_space<vmem>>
        %dma_wait3A_208 = arith.constant 0 : i32
        %dma_wait3A_209 = arith.constant 0 : i32
        %dma_wait3A_210 = tpu.memref_slice %arg2[%dma_wait3A_208, %dma_wait3A_209] : memref<10000x128xf32, #tpu.memory_space<hbm>> -> memref<10000x128xf32, #tpu.memory_space<hbm>>
        tpu.wait_indirect_dma semaphore(%run_scoped3A_198 : memref<!tpu.dma_semaphore, #tpu.memory_space<semaphore_mem>>) src(%dma_wait3A_210 : memref<10000x128xf32, #tpu.memory_space<hbm>>) dst(%arg6 : memref<128x128xf32, #tpu.memory_space<vmem>>)
        tpu.yield
      }) : () -> ()
      %scan3A_192 = arith.constant 0 : i32
      %scan3A_193 = arith.constant 8 : i32
      %scan3A_194 = arith.addi %scan3A_192, %scan3A_193 : i32
      %scan3A_195 = arith.constant 1 : i32
      scf.for %scan3A_198 = %scan3A_192 to %scan3A_194 step %scan3A_195  : i32 {
        %mul3A_199 = arith.constant 1 : i32
        %mul3A_200 = arith.muli %scan3A_198, %mul3A_199 : i32
        %add3A_201 = arith.constant 0 : i32
        %add3A_202 = arith.addi %add3A_201, %mul3A_200 : i32
        %mul3A_203 = arith.constant 16 : i32
        %mul3A_204 = arith.muli %add3A_202, %mul3A_203 : i32
        %add3A_205 = arith.constant 128 : i32
        %add3A_206 = arith.addi %add3A_205, %mul3A_204 : i32
        %get3A = arith.constant 0 : i32
        %get3A_207 = arith.index_cast %get3A : i32 to index
        %get3A_208 = arith.index_cast %add3A_206 : i32 to index
        %get3A_209 = tpu.vector_load %arg9[%get3A_207, %get3A_208] {strides = array<i32>} : memref<1x256xi32, #tpu.memory_space<vmem>>, vector<1x16xi32>,
        %get3A_210 = vector.shape_cast %get3A_209 : vector<1x16xi32> to vector<16xi32>
        %bitcast_convert_type3A = tpu.bitcast %get3A_210 : vector<16xi32> -> vector<16xf32>
        %scan3A_211 = arith.constant 0 : i32
        %scan3A_212 = arith.constant 16 : i32
        %scan3A_213 = arith.addi %scan3A_211, %scan3A_212 : i32
        %scan3A_214 = arith.constant 4 : i32
        scf.for %scan3A_216 = %scan3A_211 to %scan3A_213 step %scan3A_214  : i32 {
          %mul3A_217 = arith.constant 1 : i32
          %mul3A_218 = arith.muli %scan3A_216, %mul3A_217 : i32
          %add3A_219 = arith.constant 0 : i32
          %add3A_220 = arith.addi %add3A_219, %mul3A_218 : i32
          %broadcast_in_dim3A = vector.broadcast %add3A_220 : i32 to vector<16xi32>
          %lt3A_221 = arith.constant 0 : i32
          %lt3A_222 = vector.broadcast %lt3A_221 : i32 to vector<16xi32>
          %lt3A_223 = arith.cmpi slt, %broadcast_in_dim3A, %lt3A_222 : vector<16xi32>
          %add3A_224 = arith.constant 16 : i32
          %add3A_225 = vector.broadcast %add3A_224 : i32 to vector<16xi32>
          %add3A_226 = arith.addi %broadcast_in_dim3A, %add3A_225 : vector<16xi32>
          %select_n3A_227 = arith.select %lt3A_223, %add3A_226, %broadcast_in_dim3A : vector<16xi1>, vector<16xi32>
          %broadcast_in_dim3A_228 = vector.shape_cast %select_n3A_227 : vector<16xi32> to vector<16x1xi32>
          %gather3A = vector.shape_cast %broadcast_in_dim3A_228 : vector<16x1xi32> to vector<16xi32>
          %gather3A_229 = tpu.dynamic_gather %bitcast_convert_type3A[%gather3A] in [0] : vector<16xf32>, vector<16xi32> -> vector<16xf32>
          %mul3A_230 = arith.constant 16 : i32
          %mul3A_231 = arith.muli %add3A_202, %mul3A_230 : i32
          %add3A_232 = arith.addi %mul3A_231, %add3A_220 : i32
          %get3A_233 = arith.index_cast %add3A_232 : i32 to index
          %get3A_234 = arith.constant 0 : index
          %get3A_235 = tpu.vector_load %arg6[%get3A_233, %get3A_234] {strides = array<i32>} : memref<128x128xf32, #tpu.memory_space<vmem>>, vector<1x16xf32>,
          %get3A_236 = vector.shape_cast %get3A_235 : vector<1x16xf32> to vector<16xf32>
          %mul3A_237 = arith.mulf %get3A_236, %gather3A_229 : vector<16xf32>
          %swap3A = arith.index_cast %add3A_232 : i32 to index
          %swap3A_238 = arith.constant 0 : index
          %swap3A_239 = tpu.vector_load %arg6[%swap3A, %swap3A_238] {strides = array<i32>} : memref<128x128xf32, #tpu.memory_space<vmem>>, vector<1x16xf32>,
          %swap3A_240 = vector.shape_cast %swap3A_239 : vector<1x16xf32> to vector<16xf32>
          %swap3A_241 = vector.shape_cast %mul3A_237 : vector<16xf32> to vector<1x16xf32>
          tpu.vector_store %arg6[%swap3A, %swap3A_238], %swap3A_241 {strides = array<i32>} : memref<128x128xf32, #tpu.memory_space<vmem>>, vector<1x16xf32>,
          %get3A_242 = arith.index_cast %add3A_232 : i32 to index
          %get3A_243 = arith.constant 16 : index
          %get3A_244 = tpu.vector_load %arg6[%get3A_242, %get3A_243] {strides = array<i32>} : memref<128x128xf32, #tpu.memory_space<vmem>>, vector<1x16xf32>,
          %get3A_245 = vector.shape_cast %get3A_244 : vector<1x16xf32> to vector<16xf32>
          %mul3A_246 = arith.mulf %get3A_245, %gather3A_229 : vector<16xf32>
          %swap3A_247 = arith.index_cast %add3A_232 : i32 to index
          %swap3A_248 = arith.constant 16 : index
          %swap3A_249 = tpu.vector_load %arg6[%swap3A_247, %swap3A_248] {strides = array<i32>} : memref<128x128xf32, #tpu.memory_space<vmem>>, vector<1x16xf32>,
          %swap3A_250 = vector.shape_cast %swap3A_249 : vector<1x16xf32> to vector<16xf32>
          %swap3A_251 = vector.shape_cast %mul3A_246 : vector<16xf32> to vector<1x16xf32>
          tpu.vector_store %arg6[%swap3A_247, %swap3A_248], %swap3A_251 {strides = array<i32>} : memref<128x128xf32, #tpu.memory_space<vmem>>, vector<1x16xf32>,
          %get3A_252 = arith.index_cast %add3A_232 : i32 to index
          %get3A_253 = arith.constant 32 : index
          %get3A_254 = tpu.vector_load %arg6[%get3A_252, %get3A_253] {strides = array<i32>} : memref<128x128xf32, #tpu.memory_space<vmem>>, vector<1x16xf32>,
          %get3A_255 = vector.shape_cast %get3A_254 : vector<1x16xf32> to vector<16xf32>
          %mul3A_256 = arith.mulf %get3A_255, %gather3A_229 : vector<16xf32>
          %swap3A_257 = arith.index_cast %add3A_232 : i32 to index
          %swap3A_258 = arith.constant 32 : index
          %swap3A_259 = tpu.vector_load %arg6[%swap3A_257, %swap3A_258] {strides = array<i32>} : memref<128x128xf32, #tpu.memory_space<vmem>>, vector<1x16xf32>,
          %swap3A_260 = vector.shape_cast %swap3A_259 : vector<1x16xf32> to vector<16xf32>
          %swap3A_261 = vector.shape_cast %mul3A_256 : vector<16xf32> to vector<1x16xf32>
          tpu.vector_store %arg6[%swap3A_257, %swap3A_258], %swap3A_261 {strides = array<i32>} : memref<128x128xf32, #tpu.memory_space<vmem>>, vector<1x16xf32>,
          %get3A_262 = arith.index_cast %add3A_232 : i32 to index
          %get3A_263 = arith.constant 48 : index
          %get3A_264 = tpu.vector_load %arg6[%get3A_262, %get3A_263] {strides = array<i32>} : memref<128x128xf32, #tpu.memory_space<vmem>>, vector<1x16xf32>,
          %get3A_265 = vector.shape_cast %get3A_264 : vector<1x16xf32> to vector<16xf32>
          %mul3A_266 = arith.mulf %get3A_265, %gather3A_229 : vector<16xf32>
          %swap3A_267 = arith.index_cast %add3A_232 : i32 to index
          %swap3A_268 = arith.constant 48 : index
          %swap3A_269 = tpu.vector_load %arg6[%swap3A_267, %swap3A_268] {strides = array<i32>} : memref<128x128xf32, #tpu.memory_space<vmem>>, vector<1x16xf32>,
          %swap3A_270 = vector.shape_cast %swap3A_269 : vector<1x16xf32> to vector<16xf32>
          %swap3A_271 = vector.shape_cast %mul3A_266 : vector<16xf32> to vector<1x16xf32>
          tpu.vector_store %arg6[%swap3A_267, %swap3A_268], %swap3A_271 {strides = array<i32>} : memref<128x128xf32, #tpu.memory_space<vmem>>, vector<1x16xf32>,
          %get3A_272 = arith.index_cast %add3A_232 : i32 to index
          %get3A_273 = arith.constant 64 : index
          %get3A_274 = tpu.vector_load %arg6[%get3A_272, %get3A_273] {strides = array<i32>} : memref<128x128xf32, #tpu.memory_space<vmem>>, vector<1x16xf32>,
          %get3A_275 = vector.shape_cast %get3A_274 : vector<1x16xf32> to vector<16xf32>
          %mul3A_276 = arith.mulf %get3A_275, %gather3A_229 : vector<16xf32>
          %swap3A_277 = arith.index_cast %add3A_232 : i32 to index
          %swap3A_278 = arith.constant 64 : index
          %swap3A_279 = tpu.vector_load %arg6[%swap3A_277, %swap3A_278] {strides = array<i32>} : memref<128x128xf32, #tpu.memory_space<vmem>>, vector<1x16xf32>,
          %swap3A_280 = vector.shape_cast %swap3A_279 : vector<1x16xf32> to vector<16xf32>
          %swap3A_281 = vector.shape_cast %mul3A_276 : vector<16xf32> to vector<1x16xf32>
          tpu.vector_store %arg6[%swap3A_277, %swap3A_278], %swap3A_281 {strides = array<i32>} : memref<128x128xf32, #tpu.memory_space<vmem>>, vector<1x16xf32>,
          %get3A_282 = arith.index_cast %add3A_232 : i32 to index
          %get3A_283 = arith.constant 80 : index
          %get3A_284 = tpu.vector_load %arg6[%get3A_282, %get3A_283] {strides = array<i32>} : memref<128x128xf32, #tpu.memory_space<vmem>>, vector<1x16xf32>,
          %get3A_285 = vector.shape_cast %get3A_284 : vector<1x16xf32> to vector<16xf32>
          %mul3A_286 = arith.mulf %get3A_285, %gather3A_229 : vector<16xf32>
          %swap3A_287 = arith.index_cast %add3A_232 : i32 to index
          %swap3A_288 = arith.constant 80 : index
          %swap3A_289 = tpu.vector_load %arg6[%swap3A_287, %swap3A_288] {strides = array<i32>} : memref<128x128xf32, #tpu.memory_space<vmem>>, vector<1x16xf32>,
          %swap3A_290 = vector.shape_cast %swap3A_289 : vector<1x16xf32> to vector<16xf32>
          %swap3A_291 = vector.shape_cast %mul3A_286 : vector<16xf32> to vector<1x16xf32>
          tpu.vector_store %arg6[%swap3A_287, %swap3A_288], %swap3A_291 {strides = array<i32>} : memref<128x128xf32, #tpu.memory_space<vmem>>, vector<1x16xf32>,
          %get3A_292 = arith.index_cast %add3A_232 : i32 to index
          %get3A_293 = arith.constant 96 : index
          %get3A_294 = tpu.vector_load %arg6[%get3A_292, %get3A_293] {strides = array<i32>} : memref<128x128xf32, #tpu.memory_space<vmem>>, vector<1x16xf32>,
          %get3A_295 = vector.shape_cast %get3A_294 : vector<1x16xf32> to vector<16xf32>
          %mul3A_296 = arith.mulf %get3A_295, %gather3A_229 : vector<16xf32>
          %swap3A_297 = arith.index_cast %add3A_232 : i32 to index
          %swap3A_298 = arith.constant 96 : index
          %swap3A_299 = tpu.vector_load %arg6[%swap3A_297, %swap3A_298] {strides = array<i32>} : memref<128x128xf32, #tpu.memory_space<vmem>>, vector<1x16xf32>,
          %swap3A_300 = vector.shape_cast %swap3A_299 : vector<1x16xf32> to vector<16xf32>
          %swap3A_301 = vector.shape_cast %mul3A_296 : vector<16xf32> to vector<1x16xf32>
          tpu.vector_store %arg6[%swap3A_297, %swap3A_298], %swap3A_301 {strides = array<i32>} : memref<128x128xf32, #tpu.memory_space<vmem>>, vector<1x16xf32>,
          %get3A_302 = arith.index_cast %add3A_232 : i32 to index
          %get3A_303 = arith.constant 112 : index
          %get3A_304 = tpu.vector_load %arg6[%get3A_302, %get3A_303] {strides = array<i32>} : memref<128x128xf32, #tpu.memory_space<vmem>>, vector<1x16xf32>,
          %get3A_305 = vector.shape_cast %get3A_304 : vector<1x16xf32> to vector<16xf32>
          %mul3A_306 = arith.mulf %get3A_305, %gather3A_229 : vector<16xf32>
          %swap3A_307 = arith.index_cast %add3A_232 : i32 to index
          %swap3A_308 = arith.constant 112 : index
          %swap3A_309 = tpu.vector_load %arg6[%swap3A_307, %swap3A_308] {strides = array<i32>} : memref<128x128xf32, #tpu.memory_space<vmem>>, vector<1x16xf32>,
          %swap3A_310 = vector.shape_cast %swap3A_309 : vector<1x16xf32> to vector<16xf32>
          %swap3A_311 = vector.shape_cast %mul3A_306 : vector<16xf32> to vector<1x16xf32>
          tpu.vector_store %arg6[%swap3A_307, %swap3A_308], %swap3A_311 {strides = array<i32>} : memref<128x128xf32, #tpu.memory_space<vmem>>, vector<1x16xf32>,
          %scan3A_312 = arith.constant 1 : i32
          %scan3A_313 = arith.addi %scan3A_216, %scan3A_312 : i32
          %mul3A_314 = arith.constant 1 : i32
          %mul3A_315 = arith.muli %scan3A_313, %mul3A_314 : i32
          %add3A_316 = arith.constant 0 : i32
          %add3A_317 = arith.addi %add3A_316, %mul3A_315 : i32
          %broadcast_in_dim3A_318 = vector.broadcast %add3A_317 : i32 to vector<16xi32>
          %lt3A_319 = arith.constant 0 : i32
          %lt3A_320 = vector.broadcast %lt3A_319 : i32 to vector<16xi32>
          %lt3A_321 = arith.cmpi slt, %broadcast_in_dim3A_318, %lt3A_320 : vector<16xi32>
          %add3A_322 = arith.constant 16 : i32
          %add3A_323 = vector.broadcast %add3A_322 : i32 to vector<16xi32>
          %add3A_324 = arith.addi %broadcast_in_dim3A_318, %add3A_323 : vector<16xi32>
          %select_n3A_325 = arith.select %lt3A_321, %add3A_324, %broadcast_in_dim3A_318 : vector<16xi1>, vector<16xi32>
          %broadcast_in_dim3A_326 = vector.shape_cast %select_n3A_325 : vector<16xi32> to vector<16x1xi32>
          %gather3A_327 = vector.shape_cast %broadcast_in_dim3A_326 : vector<16x1xi32> to vector<16xi32>
          %gather3A_328 = tpu.dynamic_gather %bitcast_convert_type3A[%gather3A_327] in [0] : vector<16xf32>, vector<16xi32> -> vector<16xf32>
          %mul3A_329 = arith.constant 16 : i32
          %mul3A_330 = arith.muli %add3A_202, %mul3A_329 : i32
          %add3A_331 = arith.addi %mul3A_330, %add3A_317 : i32
          %get3A_332 = arith.index_cast %add3A_331 : i32 to index
          %get3A_333 = arith.constant 0 : index
          %get3A_334 = tpu.vector_load %arg6[%get3A_332, %get3A_333] {strides = array<i32>} : memref<128x128xf32, #tpu.memory_space<vmem>>, vector<1x16xf32>,
          %get3A_335 = vector.shape_cast %get3A_334 : vector<1x16xf32> to vector<16xf32>
          %mul3A_336 = arith.mulf %get3A_335, %gather3A_328 : vector<16xf32>
          %swap3A_337 = arith.index_cast %add3A_331 : i32 to index
          %swap3A_338 = arith.constant 0 : index
          %swap3A_339 = tpu.vector_load %arg6[%swap3A_337, %swap3A_338] {strides = array<i32>} : memref<128x128xf32, #tpu.memory_space<vmem>>, vector<1x16xf32>,
          %swap3A_340 = vector.shape_cast %swap3A_339 : vector<1x16xf32> to vector<16xf32>
          %swap3A_341 = vector.shape_cast %mul3A_336 : vector<16xf32> to vector<1x16xf32>
          tpu.vector_store %arg6[%swap3A_337, %swap3A_338], %swap3A_341 {strides = array<i32>} : memref<128x128xf32, #tpu.memory_space<vmem>>, vector<1x16xf32>,
          %get3A_342 = arith.index_cast %add3A_331 : i32 to index
          %get3A_343 = arith.constant 16 : index
          %get3A_344 = tpu.vector_load %arg6[%get3A_342, %get3A_343] {strides = array<i32>} : memref<128x128xf32, #tpu.memory_space<vmem>>, vector<1x16xf32>,
          %get3A_345 = vector.shape_cast %get3A_344 : vector<1x16xf32> to vector<16xf32>
          %mul3A_346 = arith.mulf %get3A_345, %gather3A_328 : vector<16xf32>
          %swap3A_347 = arith.index_cast %add3A_331 : i32 to index
          %swap3A_348 = arith.constant 16 : index
          %swap3A_349 = tpu.vector_load %arg6[%swap3A_347, %swap3A_348] {strides = array<i32>} : memref<128x128xf32, #tpu.memory_space<vmem>>, vector<1x16xf32>,
          %swap3A_350 = vector.shape_cast %swap3A_349 : vector<1x16xf32> to vector<16xf32>
          %swap3A_351 = vector.shape_cast %mul3A_346 : vector<16xf32> to vector<1x16xf32>
          tpu.vector_store %arg6[%swap3A_347, %swap3A_348], %swap3A_351 {strides = array<i32>} : memref<128x128xf32, #tpu.memory_space<vmem>>, vector<1x16xf32>,
          %get3A_352 = arith.index_cast %add3A_331 : i32 to index
          %get3A_353 = arith.constant 32 : index
          %get3A_354 = tpu.vector_load %arg6[%get3A_352, %get3A_353] {strides = array<i32>} : memref<128x128xf32, #tpu.memory_space<vmem>>, vector<1x16xf32>,
          %get3A_355 = vector.shape_cast %get3A_354 : vector<1x16xf32> to vector<16xf32>
          %mul3A_356 = arith.mulf %get3A_355, %gather3A_328 : vector<16xf32>
          %swap3A_357 = arith.index_cast %add3A_331 : i32 to index
          %swap3A_358 = arith.constant 32 : index
          %swap3A_359 = tpu.vector_load %arg6[%swap3A_357, %swap3A_358] {strides = array<i32>} : memref<128x128xf32, #tpu.memory_space<vmem>>, vector<1x16xf32>,
          %swap3A_360 = vector.shape_cast %swap3A_359 : vector<1x16xf32> to vector<16xf32>
          %swap3A_361 = vector.shape_cast %mul3A_356 : vector<16xf32> to vector<1x16xf32>
          tpu.vector_store %arg6[%swap3A_357, %swap3A_358], %swap3A_361 {strides = array<i32>} : memref<128x128xf32, #tpu.memory_space<vmem>>, vector<1x16xf32>,
          %get3A_362 = arith.index_cast %add3A_331 : i32 to index
          %get3A_363 = arith.constant 48 : index
          %get3A_364 = tpu.vector_load %arg6[%get3A_362, %get3A_363] {strides = array<i32>} : memref<128x128xf32, #tpu.memory_space<vmem>>, vector<1x16xf32>,
          %get3A_365 = vector.shape_cast %get3A_364 : vector<1x16xf32> to vector<16xf32>
          %mul3A_366 = arith.mulf %get3A_365, %gather3A_328 : vector<16xf32>
          %swap3A_367 = arith.index_cast %add3A_331 : i32 to index
          %swap3A_368 = arith.constant 48 : index
          %swap3A_369 = tpu.vector_load %arg6[%swap3A_367, %swap3A_368] {strides = array<i32>} : memref<128x128xf32, #tpu.memory_space<vmem>>, vector<1x16xf32>,
          %swap3A_370 = vector.shape_cast %swap3A_369 : vector<1x16xf32> to vector<16xf32>
          %swap3A_371 = vector.shape_cast %mul3A_366 : vector<16xf32> to vector<1x16xf32>
          tpu.vector_store %arg6[%swap3A_367, %swap3A_368], %swap3A_371 {strides = array<i32>} : memref<128x128xf32, #tpu.memory_space<vmem>>, vector<1x16xf32>,
          %get3A_372 = arith.index_cast %add3A_331 : i32 to index
          %get3A_373 = arith.constant 64 : index
          %get3A_374 = tpu.vector_load %arg6[%get3A_372, %get3A_373] {strides = array<i32>} : memref<128x128xf32, #tpu.memory_space<vmem>>, vector<1x16xf32>,
          %get3A_375 = vector.shape_cast %get3A_374 : vector<1x16xf32> to vector<16xf32>
          %mul3A_376 = arith.mulf %get3A_375, %gather3A_328 : vector<16xf32>
          %swap3A_377 = arith.index_cast %add3A_331 : i32 to index
          %swap3A_378 = arith.constant 64 : index
          %swap3A_379 = tpu.vector_load %arg6[%swap3A_377, %swap3A_378] {strides = array<i32>} : memref<128x128xf32, #tpu.memory_space<vmem>>, vector<1x16xf32>,
          %swap3A_380 = vector.shape_cast %swap3A_379 : vector<1x16xf32> to vector<16xf32>
          %swap3A_381 = vector.shape_cast %mul3A_376 : vector<16xf32> to vector<1x16xf32>
          tpu.vector_store %arg6[%swap3A_377, %swap3A_378], %swap3A_381 {strides = array<i32>} : memref<128x128xf32, #tpu.memory_space<vmem>>, vector<1x16xf32>,
          %get3A_382 = arith.index_cast %add3A_331 : i32 to index
          %get3A_383 = arith.constant 80 : index
          %get3A_384 = tpu.vector_load %arg6[%get3A_382, %get3A_383] {strides = array<i32>} : memref<128x128xf32, #tpu.memory_space<vmem>>, vector<1x16xf32>,
          %get3A_385 = vector.shape_cast %get3A_384 : vector<1x16xf32> to vector<16xf32>
          %mul3A_386 = arith.mulf %get3A_385, %gather3A_328 : vector<16xf32>
          %swap3A_387 = arith.index_cast %add3A_331 : i32 to index
          %swap3A_388 = arith.constant 80 : index
          %swap3A_389 = tpu.vector_load %arg6[%swap3A_387, %swap3A_388] {strides = array<i32>} : memref<128x128xf32, #tpu.memory_space<vmem>>, vector<1x16xf32>,
          %swap3A_390 = vector.shape_cast %swap3A_389 : vector<1x16xf32> to vector<16xf32>
          %swap3A_391 = vector.shape_cast %mul3A_386 : vector<16xf32> to vector<1x16xf32>
          tpu.vector_store %arg6[%swap3A_387, %swap3A_388], %swap3A_391 {strides = array<i32>} : memref<128x128xf32, #tpu.memory_space<vmem>>, vector<1x16xf32>,
          %get3A_392 = arith.index_cast %add3A_331 : i32 to index
          %get3A_393 = arith.constant 96 : index
          %get3A_394 = tpu.vector_load %arg6[%get3A_392, %get3A_393] {strides = array<i32>} : memref<128x128xf32, #tpu.memory_space<vmem>>, vector<1x16xf32>,
          %get3A_395 = vector.shape_cast %get3A_394 : vector<1x16xf32> to vector<16xf32>
          %mul3A_396 = arith.mulf %get3A_395, %gather3A_328 : vector<16xf32>
          %swap3A_397 = arith.index_cast %add3A_331 : i32 to index
          %swap3A_398 = arith.constant 96 : index
          %swap3A_399 = tpu.vector_load %arg6[%swap3A_397, %swap3A_398] {strides = array<i32>} : memref<128x128xf32, #tpu.memory_space<vmem>>, vector<1x16xf32>,
          %swap3A_400 = vector.shape_cast %swap3A_399 : vector<1x16xf32> to vector<16xf32>
          %swap3A_401 = vector.shape_cast %mul3A_396 : vector<16xf32> to vector<1x16xf32>
          tpu.vector_store %arg6[%swap3A_397, %swap3A_398], %swap3A_401 {strides = array<i32>} : memref<128x128xf32, #tpu.memory_space<vmem>>, vector<1x16xf32>,
          %get3A_402 = arith.index_cast %add3A_331 : i32 to index
          %get3A_403 = arith.constant 112 : index
          %get3A_404 = tpu.vector_load %arg6[%get3A_402, %get3A_403] {strides = array<i32>} : memref<128x128xf32, #tpu.memory_space<vmem>>, vector<1x16xf32>,
          %get3A_405 = vector.shape_cast %get3A_404 : vector<1x16xf32> to vector<16xf32>
          %mul3A_406 = arith.mulf %get3A_405, %gather3A_328 : vector<16xf32>
          %swap3A_407 = arith.index_cast %add3A_331 : i32 to index
          %swap3A_408 = arith.constant 112 : index
          %swap3A_409 = tpu.vector_load %arg6[%swap3A_407, %swap3A_408] {strides = array<i32>} : memref<128x128xf32, #tpu.memory_space<vmem>>, vector<1x16xf32>,
          %swap3A_410 = vector.shape_cast %swap3A_409 : vector<1x16xf32> to vector<16xf32>
          %swap3A_411 = vector.shape_cast %mul3A_406 : vector<16xf32> to vector<1x16xf32>
          tpu.vector_store %arg6[%swap3A_407, %swap3A_408], %swap3A_411 {strides = array<i32>} : memref<128x128xf32, #tpu.memory_space<vmem>>, vector<1x16xf32>,
          %scan3A_412 = arith.constant 2 : i32
          %scan3A_413 = arith.addi %scan3A_216, %scan3A_412 : i32
          %mul3A_414 = arith.constant 1 : i32
          %mul3A_415 = arith.muli %scan3A_413, %mul3A_414 : i32
          %add3A_416 = arith.constant 0 : i32
          %add3A_417 = arith.addi %add3A_416, %mul3A_415 : i32
          %broadcast_in_dim3A_418 = vector.broadcast %add3A_417 : i32 to vector<16xi32>
          %lt3A_419 = arith.constant 0 : i32
          %lt3A_420 = vector.broadcast %lt3A_419 : i32 to vector<16xi32>
          %lt3A_421 = arith.cmpi slt, %broadcast_in_dim3A_418, %lt3A_420 : vector<16xi32>
          %add3A_422 = arith.constant 16 : i32
          %add3A_423 = vector.broadcast %add3A_422 : i32 to vector<16xi32>
          %add3A_424 = arith.addi %broadcast_in_dim3A_418, %add3A_423 : vector<16xi32>
          %select_n3A_425 = arith.select %lt3A_421, %add3A_424, %broadcast_in_dim3A_418 : vector<16xi1>, vector<16xi32>
          %broadcast_in_dim3A_426 = vector.shape_cast %select_n3A_425 : vector<16xi32> to vector<16x1xi32>
          %gather3A_427 = vector.shape_cast %broadcast_in_dim3A_426 : vector<16x1xi32> to vector<16xi32>
          %gather3A_428 = tpu.dynamic_gather %bitcast_convert_type3A[%gather3A_427] in [0] : vector<16xf32>, vector<16xi32> -> vector<16xf32>
          %mul3A_429 = arith.constant 16 : i32
          %mul3A_430 = arith.muli %add3A_202, %mul3A_429 : i32
          %add3A_431 = arith.addi %mul3A_430, %add3A_417 : i32
          %get3A_432 = arith.index_cast %add3A_431 : i32 to index
          %get3A_433 = arith.constant 0 : index
          %get3A_434 = tpu.vector_load %arg6[%get3A_432, %get3A_433] {strides = array<i32>} : memref<128x128xf32, #tpu.memory_space<vmem>>, vector<1x16xf32>,
          %get3A_435 = vector.shape_cast %get3A_434 : vector<1x16xf32> to vector<16xf32>
          %mul3A_436 = arith.mulf %get3A_435, %gather3A_428 : vector<16xf32>
          %swap3A_437 = arith.index_cast %add3A_431 : i32 to index
          %swap3A_438 = arith.constant 0 : index
          %swap3A_439 = tpu.vector_load %arg6[%swap3A_437, %swap3A_438] {strides = array<i32>} : memref<128x128xf32, #tpu.memory_space<vmem>>, vector<1x16xf32>,
          %swap3A_440 = vector.shape_cast %swap3A_439 : vector<1x16xf32> to vector<16xf32>
          %swap3A_441 = vector.shape_cast %mul3A_436 : vector<16xf32> to vector<1x16xf32>
          tpu.vector_store %arg6[%swap3A_437, %swap3A_438], %swap3A_441 {strides = array<i32>} : memref<128x128xf32, #tpu.memory_space<vmem>>, vector<1x16xf32>,
          %get3A_442 = arith.index_cast %add3A_431 : i32 to index
          %get3A_443 = arith.constant 16 : index
          %get3A_444 = tpu.vector_load %arg6[%get3A_442, %get3A_443] {strides = array<i32>} : memref<128x128xf32, #tpu.memory_space<vmem>>, vector<1x16xf32>,
          %get3A_445 = vector.shape_cast %get3A_444 : vector<1x16xf32> to vector<16xf32>
          %mul3A_446 = arith.mulf %get3A_445, %gather3A_428 : vector<16xf32>
          %swap3A_447 = arith.index_cast %add3A_431 : i32 to index
          %swap3A_448 = arith.constant 16 : index
          %swap3A_449 = tpu.vector_load %arg6[%swap3A_447, %swap3A_448] {strides = array<i32>} : memref<128x128xf32, #tpu.memory_space<vmem>>, vector<1x16xf32>,
          %swap3A_450 = vector.shape_cast %swap3A_449 : vector<1x16xf32> to vector<16xf32>
          %swap3A_451 = vector.shape_cast %mul3A_446 : vector<16xf32> to vector<1x16xf32>
          tpu.vector_store %arg6[%swap3A_447, %swap3A_448], %swap3A_451 {strides = array<i32>} : memref<128x128xf32, #tpu.memory_space<vmem>>, vector<1x16xf32>,
          %get3A_452 = arith.index_cast %add3A_431 : i32 to index
          %get3A_453 = arith.constant 32 : index
          %get3A_454 = tpu.vector_load %arg6[%get3A_452, %get3A_453] {strides = array<i32>} : memref<128x128xf32, #tpu.memory_space<vmem>>, vector<1x16xf32>,
          %get3A_455 = vector.shape_cast %get3A_454 : vector<1x16xf32> to vector<16xf32>
          %mul3A_456 = arith.mulf %get3A_455, %gather3A_428 : vector<16xf32>
          %swap3A_457 = arith.index_cast %add3A_431 : i32 to index
          %swap3A_458 = arith.constant 32 : index
          %swap3A_459 = tpu.vector_load %arg6[%swap3A_457, %swap3A_458] {strides = array<i32>} : memref<128x128xf32, #tpu.memory_space<vmem>>, vector<1x16xf32>,
          %swap3A_460 = vector.shape_cast %swap3A_459 : vector<1x16xf32> to vector<16xf32>
          %swap3A_461 = vector.shape_cast %mul3A_456 : vector<16xf32> to vector<1x16xf32>
          tpu.vector_store %arg6[%swap3A_457, %swap3A_458], %swap3A_461 {strides = array<i32>} : memref<128x128xf32, #tpu.memory_space<vmem>>, vector<1x16xf32>,
          %get3A_462 = arith.index_cast %add3A_431 : i32 to index
          %get3A_463 = arith.constant 48 : index
          %get3A_464 = tpu.vector_load %arg6[%get3A_462, %get3A_463] {strides = array<i32>} : memref<128x128xf32, #tpu.memory_space<vmem>>, vector<1x16xf32>,
          %get3A_465 = vector.shape_cast %get3A_464 : vector<1x16xf32> to vector<16xf32>
          %mul3A_466 = arith.mulf %get3A_465, %gather3A_428 : vector<16xf32>
          %swap3A_467 = arith.index_cast %add3A_431 : i32 to index
          %swap3A_468 = arith.constant 48 : index
          %swap3A_469 = tpu.vector_load %arg6[%swap3A_467, %swap3A_468] {strides = array<i32>} : memref<128x128xf32, #tpu.memory_space<vmem>>, vector<1x16xf32>,
          %swap3A_470 = vector.shape_cast %swap3A_469 : vector<1x16xf32> to vector<16xf32>
          %swap3A_471 = vector.shape_cast %mul3A_466 : vector<16xf32> to vector<1x16xf32>
          tpu.vector_store %arg6[%swap3A_467, %swap3A_468], %swap3A_471 {strides = array<i32>} : memref<128x128xf32, #tpu.memory_space<vmem>>, vector<1x16xf32>,
          %get3A_472 = arith.index_cast %add3A_431 : i32 to index
          %get3A_473 = arith.constant 64 : index
          %get3A_474 = tpu.vector_load %arg6[%get3A_472, %get3A_473] {strides = array<i32>} : memref<128x128xf32, #tpu.memory_space<vmem>>, vector<1x16xf32>,
          %get3A_475 = vector.shape_cast %get3A_474 : vector<1x16xf32> to vector<16xf32>
          %mul3A_476 = arith.mulf %get3A_475, %gather3A_428 : vector<16xf32>
          %swap3A_477 = arith.index_cast %add3A_431 : i32 to index
          %swap3A_478 = arith.constant 64 : index
          %swap3A_479 = tpu.vector_load %arg6[%swap3A_477, %swap3A_478] {strides = array<i32>} : memref<128x128xf32, #tpu.memory_space<vmem>>, vector<1x16xf32>,
          %swap3A_480 = vector.shape_cast %swap3A_479 : vector<1x16xf32> to vector<16xf32>
          %swap3A_481 = vector.shape_cast %mul3A_476 : vector<16xf32> to vector<1x16xf32>
          tpu.vector_store %arg6[%swap3A_477, %swap3A_478], %swap3A_481 {strides = array<i32>} : memref<128x128xf32, #tpu.memory_space<vmem>>, vector<1x16xf32>,
          %get3A_482 = arith.index_cast %add3A_431 : i32 to index
          %get3A_483 = arith.constant 80 : index
          %get3A_484 = tpu.vector_load %arg6[%get3A_482, %get3A_483] {strides = array<i32>} : memref<128x128xf32, #tpu.memory_space<vmem>>, vector<1x16xf32>,
          %get3A_485 = vector.shape_cast %get3A_484 : vector<1x16xf32> to vector<16xf32>
          %mul3A_486 = arith.mulf %get3A_485, %gather3A_428 : vector<16xf32>
          %swap3A_487 = arith.index_cast %add3A_431 : i32 to index
          %swap3A_488 = arith.constant 80 : index
          %swap3A_489 = tpu.vector_load %arg6[%swap3A_487, %swap3A_488] {strides = array<i32>} : memref<128x128xf32, #tpu.memory_space<vmem>>, vector<1x16xf32>,
          %swap3A_490 = vector.shape_cast %swap3A_489 : vector<1x16xf32> to vector<16xf32>
          %swap3A_491 = vector.shape_cast %mul3A_486 : vector<16xf32> to vector<1x16xf32>
          tpu.vector_store %arg6[%swap3A_487, %swap3A_488], %swap3A_491 {strides = array<i32>} : memref<128x128xf32, #tpu.memory_space<vmem>>, vector<1x16xf32>,
          %get3A_492 = arith.index_cast %add3A_431 : i32 to index
          %get3A_493 = arith.constant 96 : index
          %get3A_494 = tpu.vector_load %arg6[%get3A_492, %get3A_493] {strides = array<i32>} : memref<128x128xf32, #tpu.memory_space<vmem>>, vector<1x16xf32>,
          %get3A_495 = vector.shape_cast %get3A_494 : vector<1x16xf32> to vector<16xf32>
          %mul3A_496 = arith.mulf %get3A_495, %gather3A_428 : vector<16xf32>
          %swap3A_497 = arith.index_cast %add3A_431 : i32 to index
          %swap3A_498 = arith.constant 96 : index
          %swap3A_499 = tpu.vector_load %arg6[%swap3A_497, %swap3A_498] {strides = array<i32>} : memref<128x128xf32, #tpu.memory_space<vmem>>, vector<1x16xf32>,
          %swap3A_500 = vector.shape_cast %swap3A_499 : vector<1x16xf32> to vector<16xf32>
          %swap3A_501 = vector.shape_cast %mul3A_496 : vector<16xf32> to vector<1x16xf32>
          tpu.vector_store %arg6[%swap3A_497, %swap3A_498], %swap3A_501 {strides = array<i32>} : memref<128x128xf32, #tpu.memory_space<vmem>>, vector<1x16xf32>,
          %get3A_502 = arith.index_cast %add3A_431 : i32 to index
          %get3A_503 = arith.constant 112 : index
          %get3A_504 = tpu.vector_load %arg6[%get3A_502, %get3A_503] {strides = array<i32>} : memref<128x128xf32, #tpu.memory_space<vmem>>, vector<1x16xf32>,
          %get3A_505 = vector.shape_cast %get3A_504 : vector<1x16xf32> to vector<16xf32>
          %mul3A_506 = arith.mulf %get3A_505, %gather3A_428 : vector<16xf32>
          %swap3A_507 = arith.index_cast %add3A_431 : i32 to index
          %swap3A_508 = arith.constant 112 : index
          %swap3A_509 = tpu.vector_load %arg6[%swap3A_507, %swap3A_508] {strides = array<i32>} : memref<128x128xf32, #tpu.memory_space<vmem>>, vector<1x16xf32>,
          %swap3A_510 = vector.shape_cast %swap3A_509 : vector<1x16xf32> to vector<16xf32>
          %swap3A_511 = vector.shape_cast %mul3A_506 : vector<16xf32> to vector<1x16xf32>
          tpu.vector_store %arg6[%swap3A_507, %swap3A_508], %swap3A_511 {strides = array<i32>} : memref<128x128xf32, #tpu.memory_space<vmem>>, vector<1x16xf32>,
          %scan3A_512 = arith.constant 3 : i32
          %scan3A_513 = arith.addi %scan3A_216, %scan3A_512 : i32
          %mul3A_514 = arith.constant 1 : i32
          %mul3A_515 = arith.muli %scan3A_513, %mul3A_514 : i32
          %add3A_516 = arith.constant 0 : i32
          %add3A_517 = arith.addi %add3A_516, %mul3A_515 : i32
          %broadcast_in_dim3A_518 = vector.broadcast %add3A_517 : i32 to vector<16xi32>
          %lt3A_519 = arith.constant 0 : i32
          %lt3A_520 = vector.broadcast %lt3A_519 : i32 to vector<16xi32>
          %lt3A_521 = arith.cmpi slt, %broadcast_in_dim3A_518, %lt3A_520 : vector<16xi32>
          %add3A_522 = arith.constant 16 : i32
          %add3A_523 = vector.broadcast %add3A_522 : i32 to vector<16xi32>
          %add3A_524 = arith.addi %broadcast_in_dim3A_518, %add3A_523 : vector<16xi32>
          %select_n3A_525 = arith.select %lt3A_521, %add3A_524, %broadcast_in_dim3A_518 : vector<16xi1>, vector<16xi32>
          %broadcast_in_dim3A_526 = vector.shape_cast %select_n3A_525 : vector<16xi32> to vector<16x1xi32>
          %gather3A_527 = vector.shape_cast %broadcast_in_dim3A_526 : vector<16x1xi32> to vector<16xi32>
          %gather3A_528 = tpu.dynamic_gather %bitcast_convert_type3A[%gather3A_527] in [0] : vector<16xf32>, vector<16xi32> -> vector<16xf32>
          %mul3A_529 = arith.constant 16 : i32
          %mul3A_530 = arith.muli %add3A_202, %mul3A_529 : i32
          %add3A_531 = arith.addi %mul3A_530, %add3A_517 : i32
          %get3A_532 = arith.index_cast %add3A_531 : i32 to index
          %get3A_533 = arith.constant 0 : index
          %get3A_534 = tpu.vector_load %arg6[%get3A_532, %get3A_533] {strides = array<i32>} : memref<128x128xf32, #tpu.memory_space<vmem>>, vector<1x16xf32>,
          %get3A_535 = vector.shape_cast %get3A_534 : vector<1x16xf32> to vector<16xf32>
          %mul3A_536 = arith.mulf %get3A_535, %gather3A_528 : vector<16xf32>
          %swap3A_537 = arith.index_cast %add3A_531 : i32 to index
          %swap3A_538 = arith.constant 0 : index
          %swap3A_539 = tpu.vector_load %arg6[%swap3A_537, %swap3A_538] {strides = array<i32>} : memref<128x128xf32, #tpu.memory_space<vmem>>, vector<1x16xf32>,
          %swap3A_540 = vector.shape_cast %swap3A_539 : vector<1x16xf32> to vector<16xf32>
          %swap3A_541 = vector.shape_cast %mul3A_536 : vector<16xf32> to vector<1x16xf32>
          tpu.vector_store %arg6[%swap3A_537, %swap3A_538], %swap3A_541 {strides = array<i32>} : memref<128x128xf32, #tpu.memory_space<vmem>>, vector<1x16xf32>,
          %get3A_542 = arith.index_cast %add3A_531 : i32 to index
          %get3A_543 = arith.constant 16 : index
          %get3A_544 = tpu.vector_load %arg6[%get3A_542, %get3A_543] {strides = array<i32>} : memref<128x128xf32, #tpu.memory_space<vmem>>, vector<1x16xf32>,
          %get3A_545 = vector.shape_cast %get3A_544 : vector<1x16xf32> to vector<16xf32>
          %mul3A_546 = arith.mulf %get3A_545, %gather3A_528 : vector<16xf32>
          %swap3A_547 = arith.index_cast %add3A_531 : i32 to index
          %swap3A_548 = arith.constant 16 : index
          %swap3A_549 = tpu.vector_load %arg6[%swap3A_547, %swap3A_548] {strides = array<i32>} : memref<128x128xf32, #tpu.memory_space<vmem>>, vector<1x16xf32>,
          %swap3A_550 = vector.shape_cast %swap3A_549 : vector<1x16xf32> to vector<16xf32>
          %swap3A_551 = vector.shape_cast %mul3A_546 : vector<16xf32> to vector<1x16xf32>
          tpu.vector_store %arg6[%swap3A_547, %swap3A_548], %swap3A_551 {strides = array<i32>} : memref<128x128xf32, #tpu.memory_space<vmem>>, vector<1x16xf32>,
          %get3A_552 = arith.index_cast %add3A_531 : i32 to index
          %get3A_553 = arith.constant 32 : index
          %get3A_554 = tpu.vector_load %arg6[%get3A_552, %get3A_553] {strides = array<i32>} : memref<128x128xf32, #tpu.memory_space<vmem>>, vector<1x16xf32>,
          %get3A_555 = vector.shape_cast %get3A_554 : vector<1x16xf32> to vector<16xf32>
          %mul3A_556 = arith.mulf %get3A_555, %gather3A_528 : vector<16xf32>
          %swap3A_557 = arith.index_cast %add3A_531 : i32 to index
          %swap3A_558 = arith.constant 32 : index
          %swap3A_559 = tpu.vector_load %arg6[%swap3A_557, %swap3A_558] {strides = array<i32>} : memref<128x128xf32, #tpu.memory_space<vmem>>, vector<1x16xf32>,
          %swap3A_560 = vector.shape_cast %swap3A_559 : vector<1x16xf32> to vector<16xf32>
          %swap3A_561 = vector.shape_cast %mul3A_556 : vector<16xf32> to vector<1x16xf32>
          tpu.vector_store %arg6[%swap3A_557, %swap3A_558], %swap3A_561 {strides = array<i32>} : memref<128x128xf32, #tpu.memory_space<vmem>>, vector<1x16xf32>,
          %get3A_562 = arith.index_cast %add3A_531 : i32 to index
          %get3A_563 = arith.constant 48 : index
          %get3A_564 = tpu.vector_load %arg6[%get3A_562, %get3A_563] {strides = array<i32>} : memref<128x128xf32, #tpu.memory_space<vmem>>, vector<1x16xf32>,
          %get3A_565 = vector.shape_cast %get3A_564 : vector<1x16xf32> to vector<16xf32>
          %mul3A_566 = arith.mulf %get3A_565, %gather3A_528 : vector<16xf32>
          %swap3A_567 = arith.index_cast %add3A_531 : i32 to index
          %swap3A_568 = arith.constant 48 : index
          %swap3A_569 = tpu.vector_load %arg6[%swap3A_567, %swap3A_568] {strides = array<i32>} : memref<128x128xf32, #tpu.memory_space<vmem>>, vector<1x16xf32>,
          %swap3A_570 = vector.shape_cast %swap3A_569 : vector<1x16xf32> to vector<16xf32>
          %swap3A_571 = vector.shape_cast %mul3A_566 : vector<16xf32> to vector<1x16xf32>
          tpu.vector_store %arg6[%swap3A_567, %swap3A_568], %swap3A_571 {strides = array<i32>} : memref<128x128xf32, #tpu.memory_space<vmem>>, vector<1x16xf32>,
          %get3A_572 = arith.index_cast %add3A_531 : i32 to index
          %get3A_573 = arith.constant 64 : index
          %get3A_574 = tpu.vector_load %arg6[%get3A_572, %get3A_573] {strides = array<i32>} : memref<128x128xf32, #tpu.memory_space<vmem>>, vector<1x16xf32>,
          %get3A_575 = vector.shape_cast %get3A_574 : vector<1x16xf32> to vector<16xf32>
          %mul3A_576 = arith.mulf %get3A_575, %gather3A_528 : vector<16xf32>
          %swap3A_577 = arith.index_cast %add3A_531 : i32 to index
          %swap3A_578 = arith.constant 64 : index
          %swap3A_579 = tpu.vector_load %arg6[%swap3A_577, %swap3A_578] {strides = array<i32>} : memref<128x128xf32, #tpu.memory_space<vmem>>, vector<1x16xf32>,
          %swap3A_580 = vector.shape_cast %swap3A_579 : vector<1x16xf32> to vector<16xf32>
          %swap3A_581 = vector.shape_cast %mul3A_576 : vector<16xf32> to vector<1x16xf32>
          tpu.vector_store %arg6[%swap3A_577, %swap3A_578], %swap3A_581 {strides = array<i32>} : memref<128x128xf32, #tpu.memory_space<vmem>>, vector<1x16xf32>,
          %get3A_582 = arith.index_cast %add3A_531 : i32 to index
          %get3A_583 = arith.constant 80 : index
          %get3A_584 = tpu.vector_load %arg6[%get3A_582, %get3A_583] {strides = array<i32>} : memref<128x128xf32, #tpu.memory_space<vmem>>, vector<1x16xf32>,
          %get3A_585 = vector.shape_cast %get3A_584 : vector<1x16xf32> to vector<16xf32>
          %mul3A_586 = arith.mulf %get3A_585, %gather3A_528 : vector<16xf32>
          %swap3A_587 = arith.index_cast %add3A_531 : i32 to index
          %swap3A_588 = arith.constant 80 : index
          %swap3A_589 = tpu.vector_load %arg6[%swap3A_587, %swap3A_588] {strides = array<i32>} : memref<128x128xf32, #tpu.memory_space<vmem>>, vector<1x16xf32>,
          %swap3A_590 = vector.shape_cast %swap3A_589 : vector<1x16xf32> to vector<16xf32>
          %swap3A_591 = vector.shape_cast %mul3A_586 : vector<16xf32> to vector<1x16xf32>
          tpu.vector_store %arg6[%swap3A_587, %swap3A_588], %swap3A_591 {strides = array<i32>} : memref<128x128xf32, #tpu.memory_space<vmem>>, vector<1x16xf32>,
          %get3A_592 = arith.index_cast %add3A_531 : i32 to index
          %get3A_593 = arith.constant 96 : index
          %get3A_594 = tpu.vector_load %arg6[%get3A_592, %get3A_593] {strides = array<i32>} : memref<128x128xf32, #tpu.memory_space<vmem>>, vector<1x16xf32>,
          %get3A_595 = vector.shape_cast %get3A_594 : vector<1x16xf32> to vector<16xf32>
          %mul3A_596 = arith.mulf %get3A_595, %gather3A_528 : vector<16xf32>
          %swap3A_597 = arith.index_cast %add3A_531 : i32 to index
          %swap3A_598 = arith.constant 96 : index
          %swap3A_599 = tpu.vector_load %arg6[%swap3A_597, %swap3A_598] {strides = array<i32>} : memref<128x128xf32, #tpu.memory_space<vmem>>, vector<1x16xf32>,
          %swap3A_600 = vector.shape_cast %swap3A_599 : vector<1x16xf32> to vector<16xf32>
          %swap3A_601 = vector.shape_cast %mul3A_596 : vector<16xf32> to vector<1x16xf32>
          tpu.vector_store %arg6[%swap3A_597, %swap3A_598], %swap3A_601 {strides = array<i32>} : memref<128x128xf32, #tpu.memory_space<vmem>>, vector<1x16xf32>,
          %get3A_602 = arith.index_cast %add3A_531 : i32 to index
          %get3A_603 = arith.constant 112 : index
          %get3A_604 = tpu.vector_load %arg6[%get3A_602, %get3A_603] {strides = array<i32>} : memref<128x128xf32, #tpu.memory_space<vmem>>, vector<1x16xf32>,
          %get3A_605 = vector.shape_cast %get3A_604 : vector<1x16xf32> to vector<16xf32>
          %mul3A_606 = arith.mulf %get3A_605, %gather3A_528 : vector<16xf32>
          %swap3A_607 = arith.index_cast %add3A_531 : i32 to index
          %swap3A_608 = arith.constant 112 : index
          %swap3A_609 = tpu.vector_load %arg6[%swap3A_607, %swap3A_608] {strides = array<i32>} : memref<128x128xf32, #tpu.memory_space<vmem>>, vector<1x16xf32>,
          %swap3A_610 = vector.shape_cast %swap3A_609 : vector<1x16xf32> to vector<16xf32>
          %swap3A_611 = vector.shape_cast %mul3A_606 : vector<16xf32> to vector<1x16xf32>
          tpu.vector_store %arg6[%swap3A_607, %swap3A_608], %swap3A_611 {strides = array<i32>} : memref<128x128xf32, #tpu.memory_space<vmem>>, vector<1x16xf32>,
        }
        %scan3A_215 = arith.constant 16 : i32
      }
      %scan3A_196 = arith.constant 8 : i32
      %run_scoped3A_197 = arith.constant 0 : i32
      "tpu.region"() ({
        %run_scoped3A_198 = tpu.sem_alloc : memref<!tpu.dma_semaphore, #tpu.memory_space<semaphore_mem>>
        %dma_start3A_199 = arith.constant 0 : i32
        %dma_start3A_200 = tpu.memref_slice %arg12[%run_scoped3A_197, %dma_start3A_199] : memref<1x128xi32, #tpu.memory_space<vmem>> -> memref<1x128xi32, #tpu.memory_space<vmem>>
        %dma_start3A_201 = tpu.memref_squeeze %dma_start3A_200 : memref<1x128xi32, #tpu.memory_space<vmem>> -> memref<128xi32, #tpu.memory_space<vmem>>
        %dma_start3A_202 = arith.constant 0 : i32
        %dma_start3A_203 = arith.constant 0 : i32
        %dma_start3A_204 = tpu.memref_slice %arg15[%dma_start3A_202, %dma_start3A_203] : memref<10000x128xf32, #tpu.memory_space<vmem_shared>> -> memref<10000x128xf32, #tpu.memory_space<vmem_shared>>
        tpu.enqueue_indirect_dma source(%arg6 : memref<128x128xf32, #tpu.memory_space<vmem>>) target(%dma_start3A_204 : memref<10000x128xf32, #tpu.memory_space<vmem_shared>>) offsets(%dma_start3A_201 : memref<128xi32, #tpu.memory_space<vmem>>) semaphore(%run_scoped3A_198 : memref<!tpu.dma_semaphore, #tpu.memory_space<semaphore_mem>>) {add = true}
        %dma_wait3A_205 = arith.constant 0 : i32
        %dma_wait3A_206 = tpu.memref_slice %arg12[%run_scoped3A_197, %dma_wait3A_205] : memref<1x128xi32, #tpu.memory_space<vmem>> -> memref<1x128xi32, #tpu.memory_space<vmem>>
        %dma_wait3A_207 = tpu.memref_squeeze %dma_wait3A_206 : memref<1x128xi32, #tpu.memory_space<vmem>> -> memref<128xi32, #tpu.memory_space<vmem>>
        %dma_wait3A_208 = arith.constant 0 : i32
        %dma_wait3A_209 = arith.constant 0 : i32
        %dma_wait3A_210 = tpu.memref_slice %arg15[%dma_wait3A_208, %dma_wait3A_209] : memref<10000x128xf32, #tpu.memory_space<vmem_shared>> -> memref<10000x128xf32, #tpu.memory_space<vmem_shared>>
        tpu.wait_indirect_dma semaphore(%run_scoped3A_198 : memref<!tpu.dma_semaphore, #tpu.memory_space<semaphore_mem>>) src(%arg6 : memref<128x128xf32, #tpu.memory_space<vmem>>) dst(%dma_wait3A_210 : memref<10000x128xf32, #tpu.memory_space<vmem_shared>>)
        tpu.yield
      }) : () -> ()
    } else {
    }
    %barrier3A_139 = arith.constant 0 : index
    tpu.barrier barrier_id(%barrier3A_139)
    %add3A_140 = arith.addi %add3A_4, %add3A_8 : i32
    %sub3A_141 = arith.subi %add3A_140, %add3A_4 : i32
    %sub3A_142 = arith.constant 1 : i32
    %sub3A_143 = arith.constant 1 : i32
    %sub3A_144 = arith.subi %sub3A_142, %sub3A_143 : i32
    %add3A_145 = arith.addi %sub3A_141, %sub3A_144 : i32
    %div3A_146 = arith.constant 1 : i32
    %div3A_147 = arith.divsi %add3A_145, %div3A_146 : i32
    %while3A_148 = arith.constant 1 : i32
    %while3A_149 = arith.constant 0 : i32
    %while3A_150 = arith.subi %div3A_147, %while3A_149 : i32
    %while3A_151 = arith.addi %while3A_149, %while3A_150 : i32
    %while3A_152 = arith.constant 1 : i32
    %while3A_153 = arith.divsi %while3A_150, %while3A_152 : i32
    %while3A_154 = arith.muli %while3A_153, %while3A_152 : i32
    %while3A_155 = arith.addi %while3A_149, %while3A_154 : i32
    %while3A_156 = arith.constant 1 : i32
    scf.for %while3A_158 = %while3A_149 to %while3A_155 step %while3A_156  : i32 {
      %mul3A_159 = arith.muli %while3A_158, %while3A_148 : i32
      %add3A_160 = arith.addi %add3A_4, %mul3A_159 : i32
      %mul3A_161 = arith.constant 80 : i32
      %mul3A_162 = arith.muli %add3A_160, %mul3A_161 : i32
      %multiple_of3A = tpu.assume_multiple %mul3A_162, 8 : i32
      "tpu.region"() ({
        %run_scoped3A = tpu.sem_alloc : memref<!tpu.dma_semaphore, #tpu.memory_space<semaphore_mem>>
        %dma_start3A_163 = arith.constant 0 : i32
        %dma_start3A_164 = tpu.memref_slice %arg5[%arg0, %multiple_of3A, %dma_start3A_163] : memref<2x10000x128xf32, #tpu.memory_space<hbm>> -> memref<1x80x128xf32, #tpu.memory_space<hbm>>
        %dma_start3A_165 = tpu.memref_squeeze %dma_start3A_164 : memref<1x80x128xf32, #tpu.memory_space<hbm>> -> memref<80x128xf32, #tpu.memory_space<hbm>>
        %dma_start3A_166 = arith.constant 0 : i32
        %dma_start3A_167 = tpu.memref_slice %arg15[%multiple_of3A, %dma_start3A_166] : memref<10000x128xf32, #tpu.memory_space<vmem_shared>> -> memref<80x128xf32, #tpu.memory_space<vmem_shared>>
        tpu.enqueue_dma source(%dma_start3A_167 : memref<80x128xf32, #tpu.memory_space<vmem_shared>>) target(%dma_start3A_165 : memref<80x128xf32, #tpu.memory_space<hbm>>) target_semaphore(%run_scoped3A : memref<!tpu.dma_semaphore, #tpu.memory_space<semaphore_mem>>)
        %dma_wait3A_168 = arith.constant 0 : i32
        %dma_wait3A_169 = tpu.memref_slice %arg5[%arg0, %multiple_of3A, %dma_wait3A_168] : memref<2x10000x128xf32, #tpu.memory_space<hbm>> -> memref<1x80x128xf32, #tpu.memory_space<hbm>>
        %dma_wait3A_170 = tpu.memref_squeeze %dma_wait3A_169 : memref<1x80x128xf32, #tpu.memory_space<hbm>> -> memref<80x128xf32, #tpu.memory_space<hbm>>
        %dma_wait3A_171 = arith.constant 0 : i32
        %dma_wait3A_172 = tpu.memref_slice %arg15[%multiple_of3A, %dma_wait3A_171] : memref<10000x128xf32, #tpu.memory_space<vmem_shared>> -> memref<80x128xf32, #tpu.memory_space<vmem_shared>>
        tpu.wait_dma2 semaphore(%run_scoped3A : memref<!tpu.dma_semaphore, #tpu.memory_space<semaphore_mem>>) src(%dma_wait3A_172 : memref<80x128xf32, #tpu.memory_space<vmem_shared>>) dst(%dma_wait3A_170 : memref<80x128xf32, #tpu.memory_space<hbm>>)
        tpu.yield
      }) : () -> ()
    }
    %while3A_157 = arith.constant 1 : i32
    scf.for %while3A_158 = %while3A_155 to %while3A_151 step %while3A_157  : i32 {
      %mul3A_159 = arith.muli %while3A_158, %while3A_148 : i32
      %add3A_160 = arith.addi %add3A_4, %mul3A_159 : i32
      %mul3A_161 = arith.constant 80 : i32
      %mul3A_162 = arith.muli %add3A_160, %mul3A_161 : i32
      %multiple_of3A = tpu.assume_multiple %mul3A_162, 8 : i32
      "tpu.region"() ({
        %run_scoped3A = tpu.sem_alloc : memref<!tpu.dma_semaphore, #tpu.memory_space<semaphore_mem>>
        %dma_start3A_163 = arith.constant 0 : i32
        %dma_start3A_164 = tpu.memref_slice %arg5[%arg0, %multiple_of3A, %dma_start3A_163] : memref<2x10000x128xf32, #tpu.memory_space<hbm>> -> memref<1x80x128xf32, #tpu.memory_space<hbm>>
        %dma_start3A_165 = tpu.memref_squeeze %dma_start3A_164 : memref<1x80x128xf32, #tpu.memory_space<hbm>> -> memref<80x128xf32, #tpu.memory_space<hbm>>
        %dma_start3A_166 = arith.constant 0 : i32
        %dma_start3A_167 = tpu.memref_slice %arg15[%multiple_of3A, %dma_start3A_166] : memref<10000x128xf32, #tpu.memory_space<vmem_shared>> -> memref<80x128xf32, #tpu.memory_space<vmem_shared>>
        tpu.enqueue_dma source(%dma_start3A_167 : memref<80x128xf32, #tpu.memory_space<vmem_shared>>) target(%dma_start3A_165 : memref<80x128xf32, #tpu.memory_space<hbm>>) target_semaphore(%run_scoped3A : memref<!tpu.dma_semaphore, #tpu.memory_space<semaphore_mem>>)
        %dma_wait3A_168 = arith.constant 0 : i32
        %dma_wait3A_169 = tpu.memref_slice %arg5[%arg0, %multiple_of3A, %dma_wait3A_168] : memref<2x10000x128xf32, #tpu.memory_space<hbm>> -> memref<1x80x128xf32, #tpu.memory_space<hbm>>
        %dma_wait3A_170 = tpu.memref_squeeze %dma_wait3A_169 : memref<1x80x128xf32, #tpu.memory_space<hbm>> -> memref<80x128xf32, #tpu.memory_space<hbm>>
        %dma_wait3A_171 = arith.constant 0 : i32
        %dma_wait3A_172 = tpu.memref_slice %arg15[%multiple_of3A, %dma_wait3A_171] : memref<10000x128xf32, #tpu.memory_space<vmem_shared>> -> memref<80x128xf32, #tpu.memory_space<vmem_shared>>
        tpu.wait_dma2 semaphore(%run_scoped3A : memref<!tpu.dma_semaphore, #tpu.memory_space<semaphore_mem>>) src(%dma_wait3A_172 : memref<80x128xf32, #tpu.memory_space<vmem_shared>>) dst(%dma_wait3A_170 : memref<80x128xf32, #tpu.memory_space<hbm>>)
        tpu.yield
      }) : () -> ()
    }
    return
  }
}

module attributes {stable_mosaic.version = 14 : i64} {
  func.func @_epilogue_body(%arg0: i32, %arg1: memref<1xf32, #tpu.memory_space<smem>>, %arg2: memref<2x1000x128xf32, #tpu.memory_space<vmem>>, %arg3: memref<1000x128xf32, #tpu.memory_space<vmem>>) attributes {dimension_semantics = [#tpu.dimension_semantics<arbitrary>], iteration_bounds = array<i64: 10>, scalar_prefetch = 0 : i64, scratch_operands = 0 : i64, tpu.core_type = #tpu.core_type<tc>, window_params = [{transform_indices = @transform_0, window_bounds = array<i64: 1>}, {transform_indices = @transform_1, window_bounds = array<i64: 2, 1000, 128>}, {transform_indices = @transform_2, window_bounds = array<i64: 1000, 128>}]} {
    %get3A = arith.constant 0 : index
    %get3A_0 = arith.constant 0 : index
    %get3A_1 = arith.constant 0 : index
    %get3A_2 = vector.load %arg2[%get3A, %get3A_0, %get3A_1] : memref<2x1000x128xf32, #tpu.memory_space<vmem>>, vector<1x1000x128xf32>
    %get3A_3 = vector.shape_cast %get3A_2 : vector<1x1000x128xf32> to vector<1000x128xf32>
    %get3A_4 = arith.constant 1 : index
    %get3A_5 = arith.constant 0 : index
    %get3A_6 = arith.constant 0 : index
    %get3A_7 = vector.load %arg2[%get3A_4, %get3A_5, %get3A_6] : memref<2x1000x128xf32, #tpu.memory_space<vmem>>, vector<1x1000x128xf32>
    %get3A_8 = vector.shape_cast %get3A_7 : vector<1x1000x128xf32> to vector<1000x128xf32>
    %add3A = arith.addf %get3A_3, %get3A_8 : vector<1000x128xf32>
    %get3A_9 = arith.constant 0 : index
    %get3A_10 = memref.load %arg1[%get3A_9] : memref<1xf32, #tpu.memory_space<smem>>
    %mul3A = vector.broadcast %get3A_10 : f32 to vector<1000x128xf32>
    %mul3A_11 = arith.mulf %add3A, %mul3A : vector<1000x128xf32>
    %mul3A_12 = arith.mulf %mul3A_11, %mul3A_11 : vector<1000x128xf32>
    %reduce_sum3A = arith.constant dense<0.000000e+00> : vector<1000xf32>
    %reduce_sum3A_13 = vector.multi_reduction <add>, %mul3A_12, %reduce_sum3A [1] : vector<1000x128xf32> to vector<1000xf32>
    %broadcast_in_dim3A = vector.shape_cast %reduce_sum3A_13 : vector<1000xf32> to vector<1000x1xf32>
    %max3A = arith.constant 1.000000e-24 : f32
    %max3A_14 = vector.broadcast %max3A : f32 to vector<1000x1xf32>
    %max3A_15 = arith.maximumf %broadcast_in_dim3A, %max3A_14 : vector<1000x1xf32>
    %rsqrt3A = math.rsqrt %max3A_15 : vector<1000x1xf32>
    %mul3A_16 = vector.broadcast %rsqrt3A : vector<1000x1xf32> to vector<1000x128xf32>
    %mul3A_17 = arith.mulf %mul3A_11, %mul3A_16 : vector<1000x128xf32>
    %mul3A_18 = arith.constant 5.000000e-01 : f32
    %mul3A_19 = vector.broadcast %mul3A_18 : f32 to vector<1000x128xf32>
    %mul3A_20 = arith.mulf %mul3A_19, %mul3A_17 : vector<1000x128xf32>
    %mul3A_21 = arith.constant 0.707106769 : f32
    %mul3A_22 = vector.broadcast %mul3A_21 : f32 to vector<1000x128xf32>
    %mul3A_23 = arith.mulf %mul3A_17, %mul3A_22 : vector<1000x128xf32>
    %erf3A = math.erf %mul3A_23 : vector<1000x128xf32>
    %add3A_24 = arith.constant 1.000000e+00 : f32
    %add3A_25 = vector.broadcast %add3A_24 : f32 to vector<1000x128xf32>
    %add3A_26 = arith.addf %add3A_25, %erf3A : vector<1000x128xf32>
    %mul3A_27 = arith.mulf %mul3A_20, %add3A_26 : vector<1000x128xf32>
    %swap3A = arith.constant 0 : index
    %swap3A_28 = arith.constant 0 : index
    %swap3A_29 = vector.load %arg3[%swap3A, %swap3A_28] : memref<1000x128xf32, #tpu.memory_space<vmem>>, vector<1000x128xf32>
    tpu.vector_store %arg3[%swap3A, %swap3A_28], %mul3A_27 {strides = array<i32>} : memref<1000x128xf32, #tpu.memory_space<vmem>>, vector<1000x128xf32>,
    return
  }
  func.func @transform_0(%arg0: i32) -> i32 {
    %c0_i32 = arith.constant 0 : i32
    %c0_i32_0 = arith.constant 0 : i32
    return %c0_i32 : i32
  }
  func.func @transform_1(%arg0: i32) -> (i32, i32, i32) {
    %c0_i32 = arith.constant 0 : i32
    %c0_i32_0 = arith.constant 0 : i32
    %c0_i32_1 = arith.constant 0 : i32
    return %c0_i32, %arg0, %c0_i32_0 : i32, i32, i32
  }
  func.func @transform_2(%arg0: i32) -> (i32, i32) {
    %c0_i32 = arith.constant 0 : i32
    %c0_i32_0 = arith.constant 0 : i32
    return %arg0, %c0_i32 : i32, i32
  }
}

</mosaic_0001>

<sc_bundles>
// kernel: kernel.4.cloned.1.call-start
scs
__scs_entry_jumppad:
0x0: {  	(pc) =	sbr.rel $0x88, $3  }
0x1: {  	(tag) =	ssettag $0x0;
	lr =	simm.s32 $0x1  }
0x2: {  	[smem:$0x3F9B] =	sst lr;
	_ =	strace $0xD0000000  }
0x3: {  	_ = 	snop  }
0x4: {  	_ = 	snop  }
0x5: {  	_ = 	snop  }
0x6: {  	_ = 	snop  }
0x7: {  	_ = 	snop  }
__scs_overlays_trampoline_lowered:
0x8: {  	[smem:$0x3FAA] =	sst s0  }
0x9: {  	[smem:$0x3FAB] =	sst s1  }
0xa: {  	[smem:$0x3FAC] =	sst s2  }
0xb: {  	[smem:$0x3FAD] =	sst s3  }
0xc: {  	[smem:$0x3FAE] =	sst s4  }
0xd: {  	[smem:$0x3FAF] =	sst s5  }
0xe: {  	[smem:$0x3FB0] =	sst s6  }
0xf: {  	[smem:$0x3FB1] =	sst s7  }
0x10: {  	[smem:$0x3FB2] =	sst s8  }
0x11: {  	[smem:$0x3FB3] =	sst s9;
	s0 =	simm.s32 @!p0 $0x0  }
0x12: {  	s1 =	sld [smem:$0x3F99];
	s0 =	simm.s32 @p0 $0x1  }
0x13: {  	[smem:$0x3FB4] =	sst s0;
	s0 =	simm.s32 @!p1 $0x0  }
0x14: {  	s2 =	sld [smem:$0x3F98];
	s0 =	simm.s32 @p1 $0x1  }
0x15: {  	[smem:$0x3FB5] =	sst s0;
	s0 =	simm.s32 @!p2 $0x0  }
0x16: {  	s3 =	sld [smem:$0x3FDB];
	s0 =	simm.s32 @p2 $0x1  }
0x17: {  	s4 =	simm.s32 $0x1BF5;
	[smem:$0x3FB7] =	sst s0  }
0x18: {  	s0 =	sld [smem:$0x3F9A];
	_ =	swait.ge [sflag:s4], $0x0  }
0x19: {  	s7 =	sld [smem:$0x3F9B]  }
0x1a: {  	s8 =	sadd.s32 $0xFFFFE003, lr  }
0x1b: {  	s9 =	sadd.s32 $0xFFFFFEF7, lr;
	s5 =	simm.s32 $0xFFFFFFFF;
	p2 =	slt.u32 s8, $0xFFFFF086  }
0x1c: {  	p1 =	slt.u32 s9, $0xF7A;
	s5 =	simm.s32 @!p2 $0x0  }
0x1d: {  	s5 =	simm.s32 @p1 $0x1;
	p0 =	seq.s32 s7, s2  }
0x1e: {  	s7 =	smul.u32 @!p0 $0xF7A, s2;
	p2 =	seq.s32 @!p0 s5, $0x0  }
0x1f: {  	s9 =	smul.u32 $0xF7A, s1;
	s8 =	simm.s32 @!p0 $0x1BF5;
	p2 =	por !p2, p0  }
0x20: {  	[sflag:s8] =	ssyncset.s32 @!p0 $0xFFFFF086;
	s6 =	sadd.s32 @!p0 s3, s7;
	s7 =	simm.s32 @!p0 $0x108  }
0x21: {  	s3 =	sadd.s32 s3, s9;
	s6 =	sadd.s32 @!p0 $0x88, s6;
	s7 =	simm.s32 @p2 $0x1082  }
0x22: {  	[simem:s7], [sflag:s8] =	dma.local @!p0 [hbm:s6], $0xF7A  }
0x23: {  	s9 =	sor.u32 $0xD0000000, s2;
	s6 =	simm.s32 $0x108;
	_ =	swait.ge @!p0 [sflag:s8], $0x0  }
0x24: {  	s3 =	sadd.s32 $0x88, s3;
	s6 =	simm.s32 @!p1 $0x1082;
	[sflag:s4] =	ssyncset.s32 $0xFFFFF086  }
0x25: {  	[simem:s6], [sflag:s4] =	dma.local [hbm:s3], $0xF7A  }
0x26: {  	[smem:$0x3F9B] =	sst s1;
	(tag) =	ssettag s2;
	_ =	strace s9  }
0x27: {  	s1 =	sld [smem:$0x3FAB]  }
0x28: {  	s2 =	sld [smem:$0x3FAC]  }
0x29: {  	s4 =	sld [smem:$0x3FAE]  }
0x2a: {  	p0 =	seq.s32 s5, $0x0;
	s5 =	sld [smem:$0x3FAF]  }
0x2b: {  	s6 =	sld [smem:$0x3FB0]  }
0x2c: {  	s7 =	sld [smem:$0x3FB1]  }
0x2d: {  	s3 =	simm.s32 $0x108;
	s8 =	sld [smem:$0x3FB2]  }
0x2e: {  	s3 =	simm.s32 @!p0 $0x1082;
	s9 =	sld [smem:$0x3FB3]  }
0x2f: {  	lr =	sadd.s32 s0, s3;
	s0 =	sld [smem:$0x3FAA]  }
0x30: {  	s3 =	sld [smem:$0x3FAD]  }
0x31: {  	[smem:$0x3FB6] =	sst s10  }
0x32: {  	s10 =	sld [smem:$0x3FB4];
	_ =	sdelay $0x3  }
0x33: {  	p0 =	seq.s32 s10, $0x1;
	s10 =	sld [smem:$0x3FB6];
	_ =	sdelay $0x3  }
0x34: {  	[smem:$0x3FB6] =	sst s10  }
0x35: {  	s10 =	sld [smem:$0x3FB5];
	_ =	sdelay $0x3  }
0x36: {  	p1 =	seq.s32 s10, $0x1;
	s10 =	sld [smem:$0x3FB6];
	_ =	sdelay $0x3  }
0x37: {  	[smem:$0x3FB6] =	sst s10  }
0x38: {  	s10 =	sld [smem:$0x3FB7]  }
0x39: {  	_ = 	snop;
	(pc) =	sbr.ind lr, $3  }
0x3a: {  	_ = 	snop  }
0x3b: {  	_ = 	snop  }
0x3c: {  	p2 =	seq.s32 s10, $0x1;
	s10 =	sld [smem:$0x3FB6]  }
0x3d: {  	_ =	shalt  }
0x3e: {  	_ =	shalt  }
0x3f: {  	_ =	shalt  }
0x40: {  	_ =	shalt  }
0x41: {  	_ =	shalt  }
0x42: {  	_ =	shalt  }
0x43: {  	_ =	shalt  }
0x44: {  	_ =	shalt  }
0x45: {  	_ =	shalt  }
0x46: {  	_ =	shalt  }
0x47: {  	_ =	shalt  }
0x48: {  	_ =	shalt  }
0x49: {  	_ =	shalt  }
0x4a: {  	_ =	shalt  }
0x4b: {  	_ =	shalt  }
0x4c: {  	_ =	shalt  }
0x4d: {  	_ =	shalt  }
0x4e: {  	_ =	shalt  }
0x4f: {  	_ =	shalt  }
0x50: {  	_ =	shalt  }
0x51: {  	_ =	shalt  }
0x52: {  	_ =	shalt  }
0x53: {  	_ =	shalt  }
0x54: {  	_ =	shalt  }
0x55: {  	_ =	shalt  }
0x56: {  	_ =	shalt  }
0x57: {  	_ =	shalt  }
0x58: {  	_ =	shalt  }
0x59: {  	_ =	shalt  }
0x5a: {  	_ =	shalt  }
0x5b: {  	_ =	shalt  }
0x5c: {  	_ =	shalt  }
0x5d: {  	_ =	shalt  }
0x5e: {  	_ =	shalt  }
0x5f: {  	_ =	shalt  }
0x60: {  	_ =	shalt  }
0x61: {  	_ =	shalt  }
0x62: {  	_ =	shalt  }
0x63: {  	_ =	shalt  }
0x64: {  	_ =	shalt  }
0x65: {  	_ =	shalt  }
0x66: {  	_ =	shalt  }
0x67: {  	_ =	shalt  }
0x68: {  	_ =	shalt  }
0x69: {  	_ =	shalt  }
0x6a: {  	_ =	shalt  }
0x6b: {  	_ =	shalt  }
0x6c: {  	_ =	shalt  }
0x6d: {  	_ =	shalt  }
0x6e: {  	_ =	shalt  }
0x6f: {  	_ =	shalt  }
0x70: {  	_ =	shalt  }
0x71: {  	_ =	shalt  }
0x72: {  	_ =	shalt  }
0x73: {  	_ =	shalt  }
0x74: {  	_ =	shalt  }
0x75: {  	_ =	shalt  }
0x76: {  	_ =	shalt  }
0x77: {  	_ =	shalt  }
0x78: {  	_ =	shalt  }
0x79: {  	_ =	shalt  }
0x7a: {  	_ =	shalt  }
0x7b: {  	_ =	shalt  }
0x7c: {  	_ =	shalt  }
0x7d: {  	_ =	shalt  }
0x7e: {  	_ =	shalt  }
0x7f: {  	_ =	shalt  }
0x80: {  	_ =	shalt  }
0x81: {  	_ =	shalt  }
0x82: {  	_ =	shalt  }
0x83: {  	_ =	shalt  }
0x84: {  	_ =	shalt  }
0x85: {  	_ =	shalt  }
0x86: {  	_ =	shalt  }
0x87: {  	_ =	shalt  }
.Lfunc_end0:
.L_simem_size_0:
called_computation_lowered:
.L_overlay_start_0:
0x88: {  	s2 =	sld [smem:$0x3FD9]  }
0x89: {  	s3 =	sld [smem:$0x3FFE];
	_ =	sdelay $0x1  }
0x8a: {  	s1 =	srdreg.scid  }
0x8b: {  	s0 =	sand.u32 $0x1, s1  }
0x8c: {  	s17 =	sshll.u32 s0, $0xA;
	s2 =	sadd.s32 s3, s2  }
0x8d: {  	s2 =	sadd.s32 s2, s17  }
0x8e: {  	[smem:$0x3FC2] =	sst s2  }
0x8f: {  	_ = 	snop  }
0x90: {  	s2 =	sld [smem:$0x3FC9]  }
0x91: {  	s18 =	sld [smem:$0x3FD0];
	(tm) =	ssettm $0x1  }
0x92: {  	s4 =	sld [smem:$0x3FFB];
	_ =	sdelay $0x3  }
0x93: {  	_ =	strace s4  }
0x94: {  	s4 =	sld [smem:$0x3FFC];
	_ =	sdelay $0x3  }
0x95: {  	_ =	strace s4  }
0x96: {  	s4 =	sld [smem:$0x3FFD];
	_ =	sdelay $0x3  }
0x97: {  	_ =	strace s4  }
0x98: {  	_ =	strace $0x8FFFFFFF  }
0x99: {  	s19 =	sld [smem:$0x3FDB];
	_ =	sdelay $0x1  }
0x9a: {  	s5 =	simm.s32 $_scs_section_size  }
0x9b: {  	s6 =	simm.s32 $_size__tile_overlayer_lowered;
	s7 =	simm.s32 $_tile_overlayer_lowered  }
0x9c: {  	s22 =	simm.s32 $0x1BFF;
	s21 =	sshll.u32 s7, $0x1;
	s4 =	sadd.s32 s5, s19  }
0x9d: {  	s8 =	simm.s32 $0x0;
	s20 =	sshll.u32 s6, $0x1;
	s6 =	sadd.s32 s21, s4  }
0x9e: {  	[timem:s8], [sflag:s22] =	dma.local [hbm:s6], s20  }
0x9f: {  	_ =	swait.ge [sflag:s22], s20  }
0xa0: {  	s5 =	ssub.s32 $0x0, s20;
	[sflag:s22] =	ssyncset.done $0x0  }
0xa1: {  	[sflag:s22] =	ssyncadd.s32 s5;
	_ =	sdelay $0x1  }
0xa2: {  	s23 =	simm.s32 $0x1B8B  }
0xa3: {  	_ =	swait.ge [sflag:s23], $0x1  }
0xa4: {  	[sflag:s23] =	ssyncset.done $0x0  }
0xa5: {  	s25 =	simm.s32 $0x1B8E;
	s24 =	sld [smem:$0x3FFE];
	[sflag:s23] =	ssyncadd.s32 $0xFFFFFFFF  }
0xa6: {  	s26 =	simm.s32 $execute0_lowered;
	[smem:$0x3FD2] =	sst s25  }
0xa7: {  	s6 =	sshll.u32 s26, $0x1;
	_ =	strace $0x80000046;
	[dreg:$0x1] =	wrdreg $0xFFFFFFFF  }
0xa8: {  	s28 =	simm.s32 $_size_execute0_lowered;
	s4 =	sadd.s32 s4, s6;
	[dreg:$0x0] =	wrdreg $0x0  }
0xa9: {  	s6 =	sshll.u32 s28, $0x1;
	[dreg:$0x2] =	wrdreg s4  }
0xaa: {  	[dreg:$0x3] =	wrdreg s6  }
0xab: {  	[dreg:$0x4] =	wrdreg $0xC0  }
0xac: {  	_ =	task [dreg:s8], $0x5FFFF  }
0xad: {  	[dreg:$0x1] =	wrdreg $0xFFFFFFFF  }
0xae: {  	[dreg:$0x0] =	wrdreg $0x60  }
0xaf: {  	[dreg:$0x2] =	wrdreg s2  }
0xb0: {  	[dreg:$0x3] =	wrdreg s18  }
0xb1: {  	[dreg:$0x4] =	wrdreg s24  }
0xb2: {  	[dreg:$0x5] =	wrdreg $0xC4800  }
0xb3: {  	[dreg:$0x6] =	wrdreg $0x9  }
0xb4: {  	_ =	task.clear_ibuf [dreg:s8], $0x7FFFF;
	_ =	strace $0x90000046  }
0xb5: {  	s29 =	simm.s32 $0x9;
	_ =	strace $0x80000048  }
0xb6: {  	_ =	swait.ge [sflag:s29], $0x1  }
0xb7: {  	[sflag:s29] =	ssyncadd.s32 $0xFFFFFFFF  }
0xb8: {  	_ =	strace $0x90000048  }
0xb9: {  	_ =	sfence  }
0xba: {  	s30 =	sld [smem:$0x0];
	_ =	sdelay $0x2  }
0xbb: {  	s31 =	sshll.u32 s1, $0xD;
	s1 =	sshrl.u32 s1, $0x2  }
0xbc: {  	s3 =	sand.u32 $0x4000, s31;
	s1 =	sadd.s32 s1, s30  }
0xbd: {  	s0 =	sor.u32 s3, s0;
	s1 =	sshll.u32 s1, $0x11  }
0xbe: {  	s0 =	sor.u32 s1, s0  }
0xbf: {  	s0 =	sadd.s32 $0x8F2B, s0  }
0xc0: {  	[sflag:s0] =	ssyncadd.remote.s32 $0x1  }
0xc1: {  	_ =	sfence.sel $0xFFFF  }
0xc2: {  	[dreg:$0x0] =	wrdreg $0xFFFFFFFF;
	(pc) =	sbr.abs _section_cstart, $3  }
0xc3: {  	[dreg:$0x1] =	wrdreg $0xFFFFFFFF  }
0xc4: {  	_ =	task.clear_ibuf [dreg:s8], $0x2FFFF;
	_ =	strace $0x9FFFFFFF  }
0xc5: {  	(tm) =	ssettm $0x7FFFFFFF  }
tec
execute0_lowered:
.L_overlay_start_1:
0x0: {  	(tag) =	ssettag $0x1  }
0x1: {  	s1 =	rddreg [dreg:$0x0]  }
0x2: {  	s2 =	rddreg [dreg:$0x1]  }
0x3: {  	s0 =	rddreg [dreg:$0x2]  }
0x4: {  	s4 =	rddreg [dreg:$0x3];
	s6 =	simm.s32 $0x0;
	s3 =	srdreg.scid  }
0x5: {  	s5 =	stileid.u32;
	s24 =	simm.s32 $0x8;
	s29 =	simm.s32 $0xC200  }
0x6: {  	s31 =	simm.s32 $0x80;
	s28 =	simm.s32 $0x8000;
	[smem:$0x7FF] =	sst s6  }
0x7: {  	s3 =	sand.u32 $0x1, s3;
	s22 =	sshll.u32 s5, $0x1;
	s19 =	smul.u32 $0x46000, s5  }
0x8: {  	s8 =	ssub.s32 $0x2, s3;
	s9 =	sor.u32 s3, s22;
	s3 =	smul.u32 $0x138800, s3  }
0x9: {  	s6 =	sadd.s32 $0xC00, s0;
	s7 =	sadd.s32 $0xAA00, s0;
	s11 =	smul.u32 $0x4E, s9  }
0xa: {  	p0 =	slt.u32 s5, $0xD;
	_ =	strace $0x80000047;
	s23 =	smul.u32 $0x9C0, s9  }
0xb: {  	s24 =	simm.s32 @!p0 $0x7;
	p0 =	sgt.u32 s5, $0x1;
	s12 =	smul.u32 $0x4E0, s9  }
0xc: {  	s10 =	sshrl.u32 s8, $0x1;
	s13 =	smul.u32 $0x4E00, s9;
	s14 =	sor.u32 $0x9C0, s9  }
0xd: {  	[dreg:$0x5] =	wrdreg s24;
	s0 =	ssub.s32 s8, s10;
	s10 =	smin.u32 s5, $0xD  }
0xe: {  	s20 =	sshll.u32 s14, $0x5;
	s8 =	sadd.s32 s2, s23;
	s25 =	sor.u32 $0x1, s11  }
0xf: {  	s12 =	sadd.s32 s6, s12;
	s13 =	sshrl.u32 s13, $0x3;
	s15 =	sadd.s32 $0x2, s11  }
0x10: {  	s16 =	sadd.s32 $0x3, s11;
	s17 =	sadd.s32 $0x4, s11;
	s21 =	smul.u32 $0xA000, s10  }
0x11: {  	s18 =	sadd.s32 $0x5, s11;
	s22 =	sadd.s32 s2, s20;
	s23 =	smul.u32 $0x11800, s5  }
0x12: {  	s0 =	smax.u32 s0, $0x1;
	s20 =	simm.s32 $0x9;
	[dreg:$0x6] =	wrdreg s8  }
0x13: {  	s11 =	simm.s32 $0x3;
	[dreg:$0x7] =	wrdreg s12;
	s26 =	sshll.u32 s25, $0x5  }
0x14: {  	s8 =	sshll.u32 s25, $0x4;
	s30 =	sadd.s32 s2, s13;
	[dreg:$0xb] =	wrdreg s22  }
0x15: {  	[dreg:$0xd] =	wrdreg s0;
	s12 =	sadd.s32 s2, s26;
	s8 =	sadd.s32 s6, s8  }
0x16: {  	s13 =	sadd.s32 $0x40, s30;
	s9 =	sadd.s32 s21, s19;
	s26 =	smul.u32 $0x2800, s10  }
0x17: {  	s30 =	sadd.s32 s23, s3;
	s19 =	simm.s32 $0xC400;
	[dreg:$0x8] =	wrdreg s12  }
0x18: {  	s3 =	simm.s32 $0x1;
	s10 =	simm.s32 $0x2;
	[dreg:$0x9] =	wrdreg s8  }
0x19: {  	[dreg:$0xa] =	wrdreg s13;
	s8 =	sshll.u32 s14, $0x4;
	s25 =	sshrl.u32 s9, $0x2  }
0x1a: {  	s12 =	simm.s32 $0xC;
	s14 =	simm.s32 $0x0;
	s8 =	sadd.s32 s6, s8  }
0x1b: {  	s22 =	sadd.s32 s25, s4;
	s0 =	sadd.s32 s26, s30;
	[dreg:$0xc] =	wrdreg s8  }
0x1c: {  	v0 =	vimm.f32 $0.0e+00;
	s25 =	simm.s32 $0xC300;
	[dreg:$0xe] =	wrdreg s0;
	s0 =	simm.s32 $0xD  }
.LBB2_1:
0x1d: {  	s5 =	simm.s32 $0x0;
	s8 =	rddreg [dreg:$0x6];
	s9 =	simm.s32 $0xC000  }
0x1e: {  	[tilespmem:s9], [sflag:$0x7] =	stream.linear.gather [hbm4b:s8+s5], $0x100, $0x38;
	[tilespmem:$0x1FD00] =	vst v63  }
0x1f: {  	s23 =	rddreg [dreg:$0x7]  }
0x20: {  	[tilespmem:s25], [sflag:$0xA] =	stream.linear.gather [hbm4b:s23+s5], $0x80, $0x38;
	[tilespmem:$0x1FD00] =	vst v63  }
0x21: {  	s26 =	rddreg [dreg:$0x8];
	s13 =	simm.s32 $0xC100  }
0x22: {  	[tilespmem:s13], [sflag:$0x8] =	stream.linear.gather [hbm4b:s26+s5], $0x100, $0x38;
	[tilespmem:$0x1FD00] =	vst v63  }
0x23: {  	s30 =	rddreg [dreg:$0x9];
	s21 =	simm.s32 $0xC380  }
0x24: {  	[tilespmem:s21], [sflag:$0xB] =	stream.linear.gather [hbm4b:s30+s5], $0x80, $0x38;
	[tilespmem:$0x1FD00] =	vst v63  }
0x25: {  	s23 =	rddreg [dreg:$0xa];
	s25 =	simm.s32 $0x7  }
0x26: {  	[tilespmem:s29], [sflag:$0x9] =	stream.linear.gather [hbm4b:s23+s5], $0x100, $0x38;
	[tilespmem:$0x1FD00] =	vst v63  }
0x27: {  	_ =	swait.ge [sflag:s25], $0x100  }
0x28: {  	[sflag:s25] =	ssyncset.done $0x0  }
0x29: {  	s26 =	simm.s32 $0x8;
	[sflag:s25] =	ssyncadd.s32 $0xFFFFFF00  }
0x2a: {  	[tilespmem:s5], [sflag:$0x1] =	stream.indirect.gather [hbm4b:s1+s31], $0x80, s9, s31, $0xb8;
	[tilespmem:$0x1FD00] =	vst v63  }
0x2b: {  	_ =	swait.ge [sflag:s26], $0x100  }
0x2c: {  	s8 =	simm.s32 $0x0;
	[sflag:s26] =	ssyncset.done $0x0  }
0x2d: {  	s30 =	simm.s32 $0x4000;
	s9 =	simm.s32 $0x200;
	[sflag:s26] =	ssyncadd.s32 $0xFFFFFF00  }
0x2e: {  	[tilespmem:s30], [sflag:$0x2] =	stream.indirect.gather [hbm4b:s1+s31], $0x80, s13, s31, $0xb8;
	[tilespmem:$0x1FD00] =	vst v63  }
.LBB2_2:
0x2f: {  	p1 =	seq.s32 s9, $0x9E00;
	[tilespmem:s8+$0x8070] =	vst v0  }
0x30: {  	[tilespmem:s8+$0x8000] =	vst v0  }
0x31: {  	[tilespmem:s8+$0x8010] =	vst v0  }
.Ltmp0:
0x32: {  	[tilespmem:s8+$0x8020] =	vst v0;
	(pc) =	sbr.rel @!p1 .LBB2_2-.Ltmp0, $4  }
0x33: {  	[tilespmem:s8+$0x8030] =	vst v0  }
0x34: {  	[tilespmem:s8+$0x8040] =	vst v0  }
0x35: {  	[tilespmem:s8+$0x8050] =	vst v0  }
0x36: {  	[tilespmem:s8+$0x8060] =	vst v0;
	s8 =	sshra.s32 s9, $0x2;
	s9 =	sadd.s32 $0x200, s9  }
0x37: {  	[tilespmem:s8+$0x8070] =	vst v0  }
0x38: {  	[tilespmem:s8+$0x8000] =	vst v0  }
0x39: {  	[tilespmem:s8+$0x8010] =	vst v0  }
0x3a: {  	[tilespmem:s8+$0x8020] =	vst v0  }
0x3b: {  	[tilespmem:s8+$0x8030] =	vst v0  }
0x3c: {  	[tilespmem:s8+$0x8040] =	vst v0;
	p1 =	sne.s32 s24, $0x1  }
.Ltmp1:
0x3d: {  	[tilespmem:s8+$0x8050] =	vst v0;
	(pc) =	sbr.rel @!p1 .LBB2_5-.Ltmp1, $4  }
0x3e: {  	[tilespmem:s8+$0x8060] =	vst v0  }
0x3f: {  	[spmem:s22] =	stream.linear.scatter [tilespmem:s28], [sflag:$0xD], $0x2800, $0x38;
	[tilespmem:$0x1FD00] =	vst v63  }
0x40: {  	_ =	swait.ge [sflag:s0], $0x2800  }
0x41: {  	s8 =	sadd.s32 $0xFFFFFFFF, s24;
	s9 =	smov.u32 s22;
	[sflag:s0] =	ssyncset.done $0x0  }
.LBB2_4:
0x42: {  	p2 =	sne.s32 s8, $0x1;
	[sflag:s0] =	ssyncadd.s32 $0xFFFFD800;
	s9 =	sadd.s32 $0x2800, s9  }
.Ltmp2:
0x43: {  	s8 =	sadd.s32 $0xFFFFFFFF, s8;
	(pc) =	sbr.rel @p2 .LBB2_4-.Ltmp2, $4  }
0x44: {  	_ = 	snop  }
0x45: {  	[spmem:s9] =	stream.linear.scatter [tilespmem:s28], [sflag:$0xD], $0x2800, $0x38;
	[tilespmem:$0x1FD00] =	vst v63  }
0x46: {  	_ =	swait.ge [sflag:s0], $0x2800  }
0x47: {  	[sflag:s0] =	ssyncset.done $0x0  }
.LBB2_5:
0x48: {  	[sflag:s0] =	ssyncadd.s32 $0xFFFFD800  }
0x49: {  	s25 =	simm.s32 $0x0;
	s26 =	simm.s32 $0x0;
	[bflag:$0x0] =	sbarrier.arrive $0xFFFF  }
.LBB2_6:
0x4a: {  	s21 =	smul.u32 $0x3, s26  }
0x4b: {  	p2 =	seq.s32 s26, $0x0  }
0x4c: {  	s8 =	simm.s32 @!p2 $0x6;
	s9 =	sadd.s32 s21, s15  }
0x4d: {  	_ =	swait.ge @!p2 [sflag:s8], $0x4000;
	s9 =	sshll.u32 s9, $0x4  }
0x4e: {  	[sflag:s8] =	ssyncset.done @!p2 $0x0;
	s9 =	sand.u32 $0x1FFFFFF0, s9  }
0x4f: {  	[sflag:s8] =	ssyncadd.s32 @!p2 $0xFFFFC000;
	s30 =	sadd.s32 s6, s9  }
0x50: {  	[tilespmem:s19], [sflag:$0xC] =	stream.linear.gather [hbm4b:s30+s25], $0x80, $0x38;
	[tilespmem:$0x1FD00] =	vst v63  }
0x51: {  	_ =	swait.ge [sflag:s20], $0x100  }
0x52: {  	[sflag:s20] =	ssyncset.done $0x0  }
0x53: {  	[sflag:s20] =	ssyncadd.s32 $0xFFFFFF00  }
0x54: {  	[tilespmem:s28], [sflag:$0x3] =	stream.indirect.gather [hbm4b:s1+s31], $0x80, s29, s31, $0xb8;
	[tilespmem:$0x1FD00] =	vst v63  }
0x55: {  	_ =	swait.ge [sflag:s3], $0x4000  }
0x56: {  	[sflag:s3] =	ssyncset.done $0x0  }
0x57: {  	s24 =	simm.s32 $0x0;
	s8 =	simm.s32 $0x100;
	[sflag:s3] =	ssyncadd.s32 $0xFFFFC000  }
.LBB2_7:
0x58: {  	s9 =	sshll.u32 s24, $0x4  }
0x59: {  	v1 =	vld [tilespmem:s9+$0xC080];
	_ =	sdelay $0x1  }
0x5a: {  	v2 =	vld [tilespmem:s8+$0xFFFFFF00]  }
0x5b: {  	s23 =	simm.s32 $0x0;
	v3 =	vld [tilespmem:s8+$0xFFFFFF10]  }
0x5c: {  	v5 =	vld [tilespmem:s8+$0xFFFFFF20];
	v4 =	vmov s23  }
0x5d: {  	v6 =	vld [tilespmem:s8+$0xFFFFFF30];
	v4 =	vperm.xlane v1, v4  }
0x5e: {  	v7 =	vld [tilespmem:s8+$0xFFFFFF40]  }
0x5f: {  	v8 =	vld [tilespmem:s8+$0xFFFFFF50];
	v2 =	vmul.f32 v2, v4  }
0x60: {  	v9 =	vld [tilespmem:s8+$0xFFFFFF60];
	v3 =	vmul.f32 v3, v4  }
0x61: {  	[tilespmem:s8+$0xFFFFFF00] =	vst v2;
	v2 =	vmul.f32 v5, v4;
	v5 =	vld [tilespmem:s8+$0xFFFFFF70]  }
0x62: {  	[tilespmem:s8+$0xFFFFFF10] =	vst v3;
	v3 =	vmul.f32 v6, v4;
	v6 =	vld [tilespmem:s8+$0xFFFFFF80]  }
0x63: {  	s5 =	simm.s32 $0x1;
	[tilespmem:s8+$0xFFFFFF20] =	vst v2;
	v2 =	vmul.f32 v7, v4;
	v7 =	vld [tilespmem:s8+$0xFFFFFF90]  }
0x64: {  	v10 =	vld [tilespmem:s8+$0xFFFFFFA0];
	[tilespmem:s8+$0xFFFFFF30] =	vst v3;
	v3 =	vmul.f32 v8, v4;
	v8 =	vmov s5  }
0x65: {  	v9 =	vmul.f32 v9, v4;
	[tilespmem:s8+$0xFFFFFF40] =	vst v2;
	v2 =	vperm.xlane v1, v8;
	v8 =	vld [tilespmem:s8+$0xFFFFFFB0]  }
0x66: {  	[tilespmem:s8+$0xFFFFFF50] =	vst v3;
	v3 =	vmul.f32 v5, v4;
	v4 =	vld [tilespmem:s8+$0xFFFFFFC0]  }
0x67: {  	[tilespmem:s8+$0xFFFFFF60] =	vst v9;
	v5 =	vmul.f32 v6, v2;
	v6 =	vld [tilespmem:s8+$0xFFFFFFD0]  }
0x68: {  	[tilespmem:s8+$0xFFFFFF70] =	vst v3;
	v3 =	vmul.f32 v7, v2;
	v7 =	vld [tilespmem:s8+$0xFFFFFFE0]  }
0x69: {  	v9 =	vld [tilespmem:s8+$0x0];
	[tilespmem:s8+$0xFFFFFF80] =	vst v5;
	v5 =	vmul.f32 v10, v2  }
0x6a: {  	s13 =	simm.s32 $0x2;
	[tilespmem:s8+$0xFFFFFF90] =	vst v3;
	v3 =	vmul.f32 v8, v2;
	v8 =	vld [tilespmem:s8+$0x10]  }
0x6b: {  	v10 =	vld [tilespmem:s8+$0x20];
	[tilespmem:s8+$0xFFFFFFA0] =	vst v5;
	v4 =	vmul.f32 v4, v2;
	v5 =	vmov s13  }
0x6c: {  	[tilespmem:s8+$0xFFFFFFB0] =	vst v3;
	v3 =	vmul.f32 v6, v2;
	v5 =	vperm.xlane v1, v5;
	v6 =	vld [tilespmem:s8+$0x30]  }
0x6d: {  	[tilespmem:s8+$0xFFFFFFC0] =	vst v4;
	v4 =	vmul.f32 v7, v2;
	v7 =	vld [tilespmem:s8+$0x40]  }
0x6e: {  	[tilespmem:s8+$0xFFFFFFD0] =	vst v3;
	v3 =	vmul.f32 v9, v5;
	v9 =	vld [tilespmem:s8+$0x50]  }
0x6f: {  	[tilespmem:s8+$0xFFFFFFE0] =	vst v4;
	v4 =	vmul.f32 v8, v5;
	v8 =	vld [tilespmem:s8+$0x60]  }
0x70: {  	[tilespmem:s8+$0x0] =	vst v3;
	v3 =	vmul.f32 v10, v5;
	v10 =	vld [tilespmem:s8+$0x70]  }
0x71: {  	[tilespmem:s8+$0x10] =	vst v4;
	v4 =	vmul.f32 v6, v5;
	v6 =	vld [tilespmem:s8+$0x80]  }
0x72: {  	v11 =	vld [tilespmem:s8+$0x90];
	s23 =	simm.s32 $0x3;
	[tilespmem:s8+$0x20] =	vst v3;
	v3 =	vmul.f32 v7, v5  }
0x73: {  	[tilespmem:s8+$0x30] =	vst v4;
	v7 =	vmul.f32 v9, v5;
	v4 =	vmov s23;
	v9 =	vld [tilespmem:s8+$0xA0]  }
0x74: {  	[tilespmem:s8+$0x40] =	vst v3;
	v8 =	vmul.f32 v8, v5;
	v3 =	vperm.xlane v1, v4;
	v4 =	vld [tilespmem:s8+$0xB0]  }
0x75: {  	[tilespmem:s8+$0x50] =	vst v7;
	v10 =	vmul.f32 v10, v5;
	v5 =	vld [tilespmem:s8+$0xC0]  }
0x76: {  	v7 =	vld [tilespmem:s8+$0xD0];
	[tilespmem:s8+$0x60] =	vst v8;
	v8 =	vmul.f32 v6, v3  }
0x77: {  	v6 =	vld [tilespmem:s8+$0xE0];
	[tilespmem:s8+$0x70] =	vst v10;
	v10 =	vmul.f32 v11, v3  }
0x78: {  	s30 =	smov.u32 s8;
	s13 =	smov.u32 s8;
	s23 =	simm.s32 $0x4;
	[tilespmem:s8+$0x80] =	vst v8;
	v9 =	vmul.f32 v9, v3;
	v8 =	vld [tilespmem:s8+$0xF0]  }
.LBB2_8:
0x79: {  	p2 =	slt.u32 s23, $0xC;
	v11 =	vld [tilespmem:s13+$0xFFFFFFF0];
	[tilespmem:s13+$0x90] =	vst v10;
	v4 =	vmul.f32 v4, v3;
	s30 =	sadd.s32 $0x200, s30  }
0x7a: {  	v10 =	vld [tilespmem:s30+$0xFFFFFF00];
	[tilespmem:s13+$0xA0] =	vst v9;
	v5 =	vmul.f32 v5, v3  }
0x7b: {  	v9 =	vld [tilespmem:s30+$0xFFFFFF10];
	[tilespmem:s13+$0xB0] =	vst v4;
	v4 =	vmul.f32 v7, v3  }
0x7c: {  	v7 =	vmov s23;
	v12 =	vld [tilespmem:s30+$0xFFFFFF20];
	[tilespmem:s13+$0xC0] =	vst v5;
	v5 =	vmul.f32 v6, v3  }
0x7d: {  	v6 =	vperm.xlane v1, v7;
	v7 =	vld [tilespmem:s30+$0xFFFFFF30];
	[tilespmem:s13+$0xD0] =	vst v4;
	v3 =	vmul.f32 v8, v3  }
0x7e: {  	v4 =	vld [tilespmem:s30+$0xFFFFFF40];
	v2 =	vmul.f32 v11, v2;
	[tilespmem:s13+$0xE0] =	vst v5  }
0x7f: {  	v5 =	vmul.f32 v10, v6;
	v8 =	vld [tilespmem:s30+$0xFFFFFF50];
	[tilespmem:s13+$0xF0] =	vst v3  }
0x80: {  	v3 =	vmul.f32 v9, v6;
	v9 =	vld [tilespmem:s30+$0xFFFFFF60];
	[tilespmem:s13+$0xFFFFFFF0] =	vst v2;
	s13 =	smov.u32 s30  }
0x81: {  	[tilespmem:s30+$0xFFFFFF00] =	vst v5;
	v2 =	vmul.f32 v12, v6;
	v5 =	vld [tilespmem:s30+$0xFFFFFF70]  }
0x82: {  	[tilespmem:s30+$0xFFFFFF10] =	vst v3;
	v3 =	vmul.f32 v7, v6;
	v7 =	vld [tilespmem:s30+$0xFFFFFF80]  }
0x83: {  	s9 =	sadd.s32 $0x1, s23;
	[tilespmem:s30+$0xFFFFFF20] =	vst v2;
	v2 =	vmul.f32 v4, v6;
	v4 =	vld [tilespmem:s30+$0xFFFFFF90]  }
0x84: {  	[tilespmem:s30+$0xFFFFFF30] =	vst v3;
	v3 =	vmul.f32 v8, v6;
	v8 =	vmov s9;
	v10 =	vld [tilespmem:s30+$0xFFFFFFA0]  }
0x85: {  	[tilespmem:s30+$0xFFFFFF40] =	vst v2;
	v9 =	vmul.f32 v9, v6;
	v2 =	vperm.xlane v1, v8;
	v8 =	vld [tilespmem:s30+$0xFFFFFFB0]  }
0x86: {  	[tilespmem:s30+$0xFFFFFF50] =	vst v3;
	v3 =	vmul.f32 v5, v6;
	v5 =	vld [tilespmem:s30+$0xFFFFFFC0]  }
0x87: {  	[tilespmem:s30+$0xFFFFFF60] =	vst v9;
	v6 =	vmul.f32 v7, v2;
	v7 =	vld [tilespmem:s30+$0xFFFFFFD0]  }
0x88: {  	[tilespmem:s30+$0xFFFFFF70] =	vst v3;
	v3 =	vmul.f32 v4, v2;
	v4 =	vld [tilespmem:s30+$0xFFFFFFE0]  }
0x89: {  	[tilespmem:s30+$0xFFFFFF80] =	vst v6;
	v6 =	vmul.f32 v10, v2;
	v9 =	vld [tilespmem:s30+$0x0]  }
0x8a: {  	s9 =	sadd.s32 $0x2, s23;
	[tilespmem:s30+$0xFFFFFF90] =	vst v3;
	v3 =	vmul.f32 v8, v2;
	v8 =	vld [tilespmem:s30+$0x10]  }
0x8b: {  	[tilespmem:s30+$0xFFFFFFA0] =	vst v6;
	v5 =	vmul.f32 v5, v2;
	v6 =	vmov s9;
	v10 =	vld [tilespmem:s30+$0x20]  }
0x8c: {  	[tilespmem:s30+$0xFFFFFFB0] =	vst v3;
	v3 =	vmul.f32 v7, v2;
	v6 =	vperm.xlane v1, v6;
	v7 =	vld [tilespmem:s30+$0x30]  }
0x8d: {  	[tilespmem:s30+$0xFFFFFFC0] =	vst v5;
	v4 =	vmul.f32 v4, v2;
	v5 =	vld [tilespmem:s30+$0x40]  }
0x8e: {  	[tilespmem:s30+$0xFFFFFFD0] =	vst v3;
	v3 =	vmul.f32 v9, v6;
	v9 =	vld [tilespmem:s30+$0x50]  }
0x8f: {  	[tilespmem:s30+$0xFFFFFFE0] =	vst v4;
	v4 =	vmul.f32 v8, v6;
	v8 =	vld [tilespmem:s30+$0x60]  }
0x90: {  	[tilespmem:s30+$0x0] =	vst v3;
	v3 =	vmul.f32 v10, v6;
	v10 =	vld [tilespmem:s30+$0x70]  }
0x91: {  	[tilespmem:s30+$0x10] =	vst v4;
	v4 =	vmul.f32 v7, v6;
	v7 =	vld [tilespmem:s30+$0x80]  }
0x92: {  	s9 =	sadd.s32 $0x3, s23;
	[tilespmem:s30+$0x20] =	vst v3;
	v3 =	vmul.f32 v5, v6;
	v11 =	vld [tilespmem:s30+$0x90]  }
0x93: {  	[tilespmem:s30+$0x30] =	vst v4;
	v5 =	vmul.f32 v9, v6;
	v4 =	vmov s9;
	v9 =	vld [tilespmem:s30+$0xA0]  }
.Ltmp3:
0x94: {  	[tilespmem:s30+$0x40] =	vst v3;
	v8 =	vmul.f32 v8, v6;
	v3 =	vperm.xlane v1, v4;
	v4 =	vld [tilespmem:s30+$0xB0];
	(pc) =	sbr.rel @p2 .LBB2_8-.Ltmp3, $4  }
0x95: {  	[tilespmem:s30+$0x50] =	vst v5;
	v6 =	vmul.f32 v10, v6;
	v5 =	vld [tilespmem:s30+$0xC0]  }
0x96: {  	[tilespmem:s30+$0x60] =	vst v8;
	v8 =	vmul.f32 v7, v3;
	v7 =	vld [tilespmem:s30+$0xD0]  }
0x97: {  	[tilespmem:s30+$0x70] =	vst v6;
	v10 =	vmul.f32 v11, v3;
	v6 =	vld [tilespmem:s30+$0xE0]  }
0x98: {  	s23 =	sadd.s32 $0x4, s23;
	[tilespmem:s30+$0x80] =	vst v8;
	v9 =	vmul.f32 v9, v3;
	v8 =	vld [tilespmem:s30+$0xF0]  }
0x99: {  	v1 =	vld [tilespmem:s13+$0xFFFFFFF0];
	[tilespmem:s13+$0x90] =	vst v10;
	v4 =	vmul.f32 v4, v3  }
0x9a: {  	s24 =	sadd.s32 $0x1, s24;
	[tilespmem:s13+$0xA0] =	vst v9;
	v5 =	vmul.f32 v5, v3  }
0x9b: {  	p2 =	sne.s32 s24, $0x8;
	[tilespmem:s13+$0xB0] =	vst v4;
	v62 =	vmul.f32 v7, v3  }
.Ltmp4:
0x9c: {  	[tilespmem:s13+$0xC0] =	vst v5;
	v63 =	vmul.f32 v6, v3;
	(pc) =	sbr.rel @p2 .LBB2_7-.Ltmp4, $4  }
0x9d: {  	[tilespmem:s13+$0xD0] =	vst v62;
	v3 =	vmul.f32 v8, v3  }
0x9e: {  	v1 =	vmul.f32 v1, v2;
	[tilespmem:s13+$0xE0] =	vst v63  }
0x9f: {  	[tilespmem:s13+$0xF0] =	vst v3  }
0xa0: {  	s8 =	sadd.s32 $0x800, s8;
	[tilespmem:s13+$0xFFFFFFF0] =	vst v1  }
0xa1: {  	p2 =	seq.s32 s26, $0x19  }
0xa2: {  	s8 =	simm.s32 @p2 $0xA  }
0xa3: {  	_ =	swait.ge @p2 [sflag:s8], $0x80  }
0xa4: {  	s9 =	simm.s32 @p2 $0xC300;
	[sflag:s8] =	ssyncset.done @p2 $0x0  }
0xa5: {  	s13 =	simm.s32 @p2 $0x0;
	[sflag:s8] =	ssyncadd.s32 @p2 $0xFFFFFF80;
	s8 =	simm.s32 @p2 $0x80  }
0xa6: {  	[spmem:s4] =	stream.indirect.scatter.add.f32 @p2 [tilespmem:s13], [sflag:$0x4], $0x80, s9, s8, $0xb8;
	[tilespmem:$0x1FD00] =	vst v63  }
0xa7: {  	s8 =	simm.s32 @p2 $0x4  }
0xa8: {  	s9 =	sadd.s32 @!p2 s21, s16;
	_ =	swait.ge @p2 [sflag:s8], $0x4000  }
0xa9: {  	s13 =	sshll.u32 @!p2 s9, $0x5;
	[sflag:s8] =	ssyncset.done @p2 $0x0  }
0xaa: {  	[sflag:s8] =	ssyncadd.s32 @p2 $0xFFFFC000;
	s8 =	sand.u32 @!p2 $0x1FFFFFE0, s13  }
0xab: {  	s23 =	simm.s32 @!p2 $0xC000;
	s13 =	simm.s32 @!p2 $0x0;
	s8 =	sadd.s32 @!p2 s2, s8  }
0xac: {  	[tilespmem:s23], [sflag:$0x7] =	stream.linear.gather @!p2 [hbm4b:s8+s13], $0x100, $0x38;
	[tilespmem:$0x1FD00] =	vst v63  }
0xad: {  	s8 =	simm.s32 @!p2 $0xA  }
0xae: {  	_ =	swait.ge @!p2 [sflag:s8], $0x80  }
0xaf: {  	s24 =	simm.s32 @!p2 $0xC300;
	[sflag:s8] =	ssyncset.done @!p2 $0x0  }
0xb0: {  	s30 =	simm.s32 @!p2 $0x4;
	[sflag:s8] =	ssyncadd.s32 @!p2 $0xFFFFFF80;
	s8 =	simm.s32 @!p2 $0x80  }
0xb1: {  	[spmem:s4] =	stream.indirect.scatter.add.f32 @!p2 [tilespmem:s13], [sflag:$0x4], $0x80, s24, s8, $0xb8;
	[tilespmem:$0x1FD00] =	vst v63  }
0xb2: {  	s9 =	sshll.u32 @!p2 s9, $0x4;
	_ =	swait.ge @!p2 [sflag:s30], $0x4000  }
0xb3: {  	s9 =	sand.u32 @!p2 $0x1FFFFFF0, s9;
	[sflag:s30] =	ssyncset.done @!p2 $0x0  }
0xb4: {  	s9 =	sadd.s32 @!p2 s6, s9;
	[sflag:s30] =	ssyncadd.s32 @!p2 $0xFFFFC000  }
0xb5: {  	[tilespmem:s24], [sflag:$0xA] =	stream.linear.gather @!p2 [hbm4b:s9+s13], $0x80, $0x38;
	[tilespmem:$0x1FD00] =	vst v63  }
0xb6: {  	s9 =	simm.s32 @!p2 $0x7  }
0xb7: {  	_ =	swait.ge @!p2 [sflag:s9], $0x100  }
0xb8: {  	[sflag:s9] =	ssyncset.done @!p2 $0x0  }
0xb9: {  	[sflag:s9] =	ssyncadd.s32 @!p2 $0xFFFFFF00  }
0xba: {  	[tilespmem:s13], [sflag:$0x1] =	stream.indirect.gather @!p2 [hbm4b:s1+s8], $0x80, s23, s8, $0xb8;
	[tilespmem:$0x1FD00] =	vst v63  }
0xbb: {  	_ =	swait.ge [sflag:s10], $0x4000  }
0xbc: {  	s9 =	simm.s32 $0x4100;
	[sflag:s10] =	ssyncset.done $0x0  }
0xbd: {  	s8 =	simm.s32 $0x0;
	s13 =	simm.s32 $0x0;
	[sflag:s10] =	ssyncadd.s32 $0xFFFFC000  }
.LBB2_11:
0xbe: {  	s23 =	sshll.u32 s13, $0x4  }
0xbf: {  	v1 =	vld [tilespmem:s23+$0xC180];
	_ =	sdelay $0x1  }
0xc0: {  	v2 =	vld [tilespmem:s9+$0xFFFFFF00]  }
0xc1: {  	v3 =	vld [tilespmem:s9+$0xFFFFFF10]  }
0xc2: {  	v4 =	vmov s8;
	v5 =	vld [tilespmem:s9+$0xFFFFFF20]  }
0xc3: {  	v6 =	vld [tilespmem:s9+$0xFFFFFF30];
	v4 =	vperm.xlane v1, v4  }
0xc4: {  	v7 =	vld [tilespmem:s9+$0xFFFFFF40]  }
0xc5: {  	v8 =	vld [tilespmem:s9+$0xFFFFFF50];
	v2 =	vmul.f32 v2, v4  }
0xc6: {  	v9 =	vld [tilespmem:s9+$0xFFFFFF60];
	v3 =	vmul.f32 v3, v4  }
0xc7: {  	[tilespmem:s9+$0xFFFFFF00] =	vst v2;
	v2 =	vmul.f32 v5, v4;
	v5 =	vld [tilespmem:s9+$0xFFFFFF70]  }
0xc8: {  	[tilespmem:s9+$0xFFFFFF10] =	vst v3;
	v3 =	vmul.f32 v6, v4;
	v6 =	vld [tilespmem:s9+$0xFFFFFF80]  }
0xc9: {  	s24 =	simm.s32 $0x1;
	[tilespmem:s9+$0xFFFFFF20] =	vst v2;
	v2 =	vmul.f32 v7, v4;
	v7 =	vld [tilespmem:s9+$0xFFFFFF90]  }
0xca: {  	v10 =	vld [tilespmem:s9+$0xFFFFFFA0];
	[tilespmem:s9+$0xFFFFFF30] =	vst v3;
	v3 =	vmul.f32 v8, v4;
	v8 =	vmov s24  }
0xcb: {  	v9 =	vmul.f32 v9, v4;
	[tilespmem:s9+$0xFFFFFF40] =	vst v2;
	v2 =	vperm.xlane v1, v8;
	v8 =	vld [tilespmem:s9+$0xFFFFFFB0]  }
0xcc: {  	[tilespmem:s9+$0xFFFFFF50] =	vst v3;
	v3 =	vmul.f32 v5, v4;
	v4 =	vld [tilespmem:s9+$0xFFFFFFC0]  }
0xcd: {  	[tilespmem:s9+$0xFFFFFF60] =	vst v9;
	v5 =	vmul.f32 v6, v2;
	v6 =	vld [tilespmem:s9+$0xFFFFFFD0]  }
0xce: {  	[tilespmem:s9+$0xFFFFFF70] =	vst v3;
	v3 =	vmul.f32 v7, v2;
	v7 =	vld [tilespmem:s9+$0xFFFFFFE0]  }
0xcf: {  	v9 =	vld [tilespmem:s9+$0x0];
	[tilespmem:s9+$0xFFFFFF80] =	vst v5;
	v5 =	vmul.f32 v10, v2  }
0xd0: {  	s5 =	simm.s32 $0x2;
	[tilespmem:s9+$0xFFFFFF90] =	vst v3;
	v3 =	vmul.f32 v8, v2;
	v8 =	vld [tilespmem:s9+$0x10]  }
0xd1: {  	v10 =	vld [tilespmem:s9+$0x20];
	[tilespmem:s9+$0xFFFFFFA0] =	vst v5;
	v4 =	vmul.f32 v4, v2;
	v5 =	vmov s5  }
0xd2: {  	[tilespmem:s9+$0xFFFFFFB0] =	vst v3;
	v3 =	vmul.f32 v6, v2;
	v5 =	vperm.xlane v1, v5;
	v6 =	vld [tilespmem:s9+$0x30]  }
0xd3: {  	[tilespmem:s9+$0xFFFFFFC0] =	vst v4;
	v4 =	vmul.f32 v7, v2;
	v7 =	vld [tilespmem:s9+$0x40]  }
0xd4: {  	[tilespmem:s9+$0xFFFFFFD0] =	vst v3;
	v3 =	vmul.f32 v9, v5;
	v9 =	vld [tilespmem:s9+$0x50]  }
0xd5: {  	[tilespmem:s9+$0xFFFFFFE0] =	vst v4;
	v4 =	vmul.f32 v8, v5;
	v8 =	vld [tilespmem:s9+$0x60]  }
0xd6: {  	[tilespmem:s9+$0x0] =	vst v3;
	v3 =	vmul.f32 v10, v5;
	v10 =	vld [tilespmem:s9+$0x70]  }
0xd7: {  	[tilespmem:s9+$0x10] =	vst v4;
	v4 =	vmul.f32 v6, v5;
	v6 =	vld [tilespmem:s9+$0x80]  }
0xd8: {  	v11 =	vld [tilespmem:s9+$0x90];
	s24 =	simm.s32 $0x3;
	[tilespmem:s9+$0x20] =	vst v3;
	v3 =	vmul.f32 v7, v5  }
0xd9: {  	[tilespmem:s9+$0x30] =	vst v4;
	v7 =	vmul.f32 v9, v5;
	v4 =	vmov s24;
	v9 =	vld [tilespmem:s9+$0xA0]  }
0xda: {  	[tilespmem:s9+$0x40] =	vst v3;
	v8 =	vmul.f32 v8, v5;
	v3 =	vperm.xlane v1, v4;
	v4 =	vld [tilespmem:s9+$0xB0]  }
0xdb: {  	[tilespmem:s9+$0x50] =	vst v7;
	v10 =	vmul.f32 v10, v5;
	v5 =	vld [tilespmem:s9+$0xC0]  }
0xdc: {  	v7 =	vld [tilespmem:s9+$0xD0];
	[tilespmem:s9+$0x60] =	vst v8;
	v8 =	vmul.f32 v6, v3  }
0xdd: {  	v6 =	vld [tilespmem:s9+$0xE0];
	[tilespmem:s9+$0x70] =	vst v10;
	v10 =	vmul.f32 v11, v3  }
0xde: {  	s30 =	simm.s32 $0x4;
	s23 =	smov.u32 s9;
	s24 =	smov.u32 s9;
	[tilespmem:s9+$0x80] =	vst v8;
	v9 =	vmul.f32 v9, v3;
	v8 =	vld [tilespmem:s9+$0xF0]  }
.LBB2_12:
0xdf: {  	p3 =	slt.u32 s30, $0xC;
	v11 =	vld [tilespmem:s24+$0xFFFFFFF0];
	[tilespmem:s24+$0x90] =	vst v10;
	v4 =	vmul.f32 v4, v3;
	s23 =	sadd.s32 $0x200, s23  }
0xe0: {  	v10 =	vld [tilespmem:s23+$0xFFFFFF00];
	[tilespmem:s24+$0xA0] =	vst v9;
	v5 =	vmul.f32 v5, v3  }
0xe1: {  	v9 =	vld [tilespmem:s23+$0xFFFFFF10];
	[tilespmem:s24+$0xB0] =	vst v4;
	v4 =	vmul.f32 v7, v3  }
0xe2: {  	v7 =	vmov s30;
	v12 =	vld [tilespmem:s23+$0xFFFFFF20];
	[tilespmem:s24+$0xC0] =	vst v5;
	v5 =	vmul.f32 v6, v3  }
0xe3: {  	v6 =	vperm.xlane v1, v7;
	v7 =	vld [tilespmem:s23+$0xFFFFFF30];
	[tilespmem:s24+$0xD0] =	vst v4;
	v3 =	vmul.f32 v8, v3  }
0xe4: {  	v4 =	vld [tilespmem:s23+$0xFFFFFF40];
	v2 =	vmul.f32 v11, v2;
	[tilespmem:s24+$0xE0] =	vst v5  }
0xe5: {  	v5 =	vmul.f32 v10, v6;
	v8 =	vld [tilespmem:s23+$0xFFFFFF50];
	[tilespmem:s24+$0xF0] =	vst v3  }
0xe6: {  	v3 =	vmul.f32 v9, v6;
	v9 =	vld [tilespmem:s23+$0xFFFFFF60];
	[tilespmem:s24+$0xFFFFFFF0] =	vst v2;
	s24 =	smov.u32 s23  }
0xe7: {  	[tilespmem:s23+$0xFFFFFF00] =	vst v5;
	v2 =	vmul.f32 v12, v6;
	v5 =	vld [tilespmem:s23+$0xFFFFFF70]  }
0xe8: {  	[tilespmem:s23+$0xFFFFFF10] =	vst v3;
	v3 =	vmul.f32 v7, v6;
	v7 =	vld [tilespmem:s23+$0xFFFFFF80]  }
0xe9: {  	s5 =	sadd.s32 $0x1, s30;
	[tilespmem:s23+$0xFFFFFF20] =	vst v2;
	v2 =	vmul.f32 v4, v6;
	v4 =	vld [tilespmem:s23+$0xFFFFFF90]  }
0xea: {  	[tilespmem:s23+$0xFFFFFF30] =	vst v3;
	v3 =	vmul.f32 v8, v6;
	v8 =	vmov s5;
	v10 =	vld [tilespmem:s23+$0xFFFFFFA0]  }
0xeb: {  	[tilespmem:s23+$0xFFFFFF40] =	vst v2;
	v9 =	vmul.f32 v9, v6;
	v2 =	vperm.xlane v1, v8;
	v8 =	vld [tilespmem:s23+$0xFFFFFFB0]  }
0xec: {  	[tilespmem:s23+$0xFFFFFF50] =	vst v3;
	v3 =	vmul.f32 v5, v6;
	v5 =	vld [tilespmem:s23+$0xFFFFFFC0]  }
0xed: {  	[tilespmem:s23+$0xFFFFFF60] =	vst v9;
	v6 =	vmul.f32 v7, v2;
	v7 =	vld [tilespmem:s23+$0xFFFFFFD0]  }
0xee: {  	[tilespmem:s23+$0xFFFFFF70] =	vst v3;
	v3 =	vmul.f32 v4, v2;
	v4 =	vld [tilespmem:s23+$0xFFFFFFE0]  }
0xef: {  	[tilespmem:s23+$0xFFFFFF80] =	vst v6;
	v6 =	vmul.f32 v10, v2;
	v9 =	vld [tilespmem:s23+$0x0]  }
0xf0: {  	s5 =	sadd.s32 $0x2, s30;
	[tilespmem:s23+$0xFFFFFF90] =	vst v3;
	v3 =	vmul.f32 v8, v2;
	v8 =	vld [tilespmem:s23+$0x10]  }
0xf1: {  	[tilespmem:s23+$0xFFFFFFA0] =	vst v6;
	v5 =	vmul.f32 v5, v2;
	v6 =	vmov s5;
	v10 =	vld [tilespmem:s23+$0x20]  }
0xf2: {  	[tilespmem:s23+$0xFFFFFFB0] =	vst v3;
	v3 =	vmul.f32 v7, v2;
	v6 =	vperm.xlane v1, v6;
	v7 =	vld [tilespmem:s23+$0x30]  }
0xf3: {  	[tilespmem:s23+$0xFFFFFFC0] =	vst v5;
	v4 =	vmul.f32 v4, v2;
	v5 =	vld [tilespmem:s23+$0x40]  }
0xf4: {  	[tilespmem:s23+$0xFFFFFFD0] =	vst v3;
	v3 =	vmul.f32 v9, v6;
	v9 =	vld [tilespmem:s23+$0x50]  }
0xf5: {  	[tilespmem:s23+$0xFFFFFFE0] =	vst v4;
	v4 =	vmul.f32 v8, v6;
	v8 =	vld [tilespmem:s23+$0x60]  }
0xf6: {  	[tilespmem:s23+$0x0] =	vst v3;
	v3 =	vmul.f32 v10, v6;
	v10 =	vld [tilespmem:s23+$0x70]  }
0xf7: {  	[tilespmem:s23+$0x10] =	vst v4;
	v4 =	vmul.f32 v7, v6;
	v7 =	vld [tilespmem:s23+$0x80]  }
0xf8: {  	s5 =	sadd.s32 $0x3, s30;
	[tilespmem:s23+$0x20] =	vst v3;
	v3 =	vmul.f32 v5, v6;
	v11 =	vld [tilespmem:s23+$0x90]  }
0xf9: {  	[tilespmem:s23+$0x30] =	vst v4;
	v5 =	vmul.f32 v9, v6;
	v4 =	vmov s5;
	v9 =	vld [tilespmem:s23+$0xA0]  }
.Ltmp5:
0xfa: {  	[tilespmem:s23+$0x40] =	vst v3;
	v8 =	vmul.f32 v8, v6;
	v3 =	vperm.xlane v1, v4;
	v4 =	vld [tilespmem:s23+$0xB0];
	(pc) =	sbr.rel @p3 .LBB2_12-.Ltmp5, $4  }
0xfb: {  	[tilespmem:s23+$0x50] =	vst v5;
	v6 =	vmul.f32 v10, v6;
	v5 =	vld [tilespmem:s23+$0xC0]  }
0xfc: {  	[tilespmem:s23+$0x60] =	vst v8;
	v8 =	vmul.f32 v7, v3;
	v7 =	vld [tilespmem:s23+$0xD0]  }
0xfd: {  	[tilespmem:s23+$0x70] =	vst v6;
	v10 =	vmul.f32 v11, v3;
	v6 =	vld [tilespmem:s23+$0xE0]  }
0xfe: {  	s30 =	sadd.s32 $0x4, s30;
	[tilespmem:s23+$0x80] =	vst v8;
	v9 =	vmul.f32 v9, v3;
	v8 =	vld [tilespmem:s23+$0xF0]  }
0xff: {  	v1 =	vld [tilespmem:s24+$0xFFFFFFF0];
	[tilespmem:s24+$0x90] =	vst v10;
	v4 =	vmul.f32 v4, v3  }
0x100: {  	s13 =	sadd.s32 $0x1, s13;
	[tilespmem:s24+$0xA0] =	vst v9;
	v5 =	vmul.f32 v5, v3  }
0x101: {  	p3 =	sne.s32 s13, $0x8;
	[tilespmem:s24+$0xB0] =	vst v4;
	v62 =	vmul.f32 v7, v3  }
.Ltmp6:
0x102: {  	[tilespmem:s24+$0xC0] =	vst v5;
	v63 =	vmul.f32 v6, v3;
	(pc) =	sbr.rel @p3 .LBB2_11-.Ltmp6, $4  }
0x103: {  	[tilespmem:s24+$0xD0] =	vst v62;
	v3 =	vmul.f32 v8, v3  }
0x104: {  	v1 =	vmul.f32 v1, v2;
	[tilespmem:s24+$0xE0] =	vst v63  }
0x105: {  	[tilespmem:s24+$0xF0] =	vst v3  }
0x106: {  	s9 =	sadd.s32 $0x800, s9;
	[tilespmem:s24+$0xFFFFFFF0] =	vst v1  }
0x107: {  	s5 =	simm.s32 @p2 $0xB  }
0x108: {  	_ =	swait.ge @p2 [sflag:s5], $0x80  }
0x109: {  	s8 =	simm.s32 @p2 $0xC380;
	[sflag:s5] =	ssyncset.done @p2 $0x0  }
0x10a: {  	s9 =	simm.s32 @p2 $0x4000;
	[sflag:s5] =	ssyncadd.s32 @p2 $0xFFFFFF80;
	s5 =	simm.s32 @p2 $0x80  }
0x10b: {  	[spmem:s4] =	stream.indirect.scatter.add.f32 @p2 [tilespmem:s9], [sflag:$0x5], $0x80, s8, s5, $0xb8;
	[tilespmem:$0x1FD00] =	vst v63  }
0x10c: {  	s5 =	simm.s32 @p2 $0x5  }
0x10d: {  	s8 =	sadd.s32 @!p2 s21, s17;
	_ =	swait.ge @p2 [sflag:s5], $0x4000  }
0x10e: {  	s9 =	sshll.u32 @!p2 s8, $0x5;
	[sflag:s5] =	ssyncset.done @p2 $0x0  }
0x10f: {  	[sflag:s5] =	ssyncadd.s32 @p2 $0xFFFFC000;
	s5 =	sand.u32 @!p2 $0x1FFFFFE0, s9  }
0x110: {  	s13 =	simm.s32 @!p2 $0xC100;
	s9 =	simm.s32 @!p2 $0x0;
	s5 =	sadd.s32 @!p2 s2, s5  }
0x111: {  	[tilespmem:s13], [sflag:$0x8] =	stream.linear.gather @!p2 [hbm4b:s5+s9], $0x100, $0x38;
	[tilespmem:$0x1FD00] =	vst v63  }
0x112: {  	s5 =	simm.s32 @!p2 $0xB  }
0x113: {  	_ =	swait.ge @!p2 [sflag:s5], $0x80  }
0x114: {  	s23 =	simm.s32 @!p2 $0xC380;
	s24 =	simm.s32 @!p2 $0x4000;
	[sflag:s5] =	ssyncset.done @!p2 $0x0  }
0x115: {  	s30 =	simm.s32 @!p2 $0x5;
	[sflag:s5] =	ssyncadd.s32 @!p2 $0xFFFFFF80;
	s5 =	simm.s32 @!p2 $0x80  }
0x116: {  	[spmem:s4] =	stream.indirect.scatter.add.f32 @!p2 [tilespmem:s24], [sflag:$0x5], $0x80, s23, s5, $0xb8;
	[tilespmem:$0x1FD00] =	vst v63  }
0x117: {  	s8 =	sshll.u32 @!p2 s8, $0x4;
	_ =	swait.ge @!p2 [sflag:s30], $0x4000  }
0x118: {  	s8 =	sand.u32 @!p2 $0x1FFFFFF0, s8;
	[sflag:s30] =	ssyncset.done @!p2 $0x0  }
0x119: {  	s8 =	sadd.s32 @!p2 s6, s8;
	[sflag:s30] =	ssyncadd.s32 @!p2 $0xFFFFC000  }
0x11a: {  	[tilespmem:s23], [sflag:$0xB] =	stream.linear.gather @!p2 [hbm4b:s8+s9], $0x80, $0x38;
	[tilespmem:$0x1FD00] =	vst v63  }
0x11b: {  	s8 =	simm.s32 @!p2 $0x8  }
0x11c: {  	_ =	swait.ge @!p2 [sflag:s8], $0x100  }
0x11d: {  	[sflag:s8] =	ssyncset.done @!p2 $0x0  }
0x11e: {  	[sflag:s8] =	ssyncadd.s32 @!p2 $0xFFFFFF00  }
0x11f: {  	[tilespmem:s24], [sflag:$0x2] =	stream.indirect.gather @!p2 [hbm4b:s1+s5], $0x80, s13, s5, $0xb8;
	[tilespmem:$0x1FD00] =	vst v63  }
0x120: {  	_ =	swait.ge [sflag:s11], $0x4000  }
0x121: {  	s8 =	simm.s32 $0x0;
	[sflag:s11] =	ssyncset.done $0x0  }
0x122: {  	s24 =	simm.s32 $0x8100;
	s13 =	simm.s32 $0x0;
	[sflag:s11] =	ssyncadd.s32 $0xFFFFC000  }
.LBB2_15:
0x123: {  	s5 =	sshll.u32 s13, $0x4  }
0x124: {  	v1 =	vld [tilespmem:s5+$0xC280];
	_ =	sdelay $0x1  }
0x125: {  	v2 =	vld [tilespmem:s24+$0xFFFFFF00]  }
0x126: {  	v3 =	vld [tilespmem:s24+$0xFFFFFF10]  }
0x127: {  	v4 =	vmov s8;
	v5 =	vld [tilespmem:s24+$0xFFFFFF20]  }
0x128: {  	v6 =	vld [tilespmem:s24+$0xFFFFFF30];
	v4 =	vperm.xlane v1, v4  }
0x129: {  	v7 =	vld [tilespmem:s24+$0xFFFFFF40]  }
0x12a: {  	v8 =	vld [tilespmem:s24+$0xFFFFFF50];
	v2 =	vmul.f32 v2, v4  }
0x12b: {  	v9 =	vld [tilespmem:s24+$0xFFFFFF60];
	v3 =	vmul.f32 v3, v4  }
0x12c: {  	[tilespmem:s24+$0xFFFFFF00] =	vst v2;
	v2 =	vmul.f32 v5, v4;
	v5 =	vld [tilespmem:s24+$0xFFFFFF70]  }
0x12d: {  	[tilespmem:s24+$0xFFFFFF10] =	vst v3;
	v3 =	vmul.f32 v6, v4;
	v6 =	vld [tilespmem:s24+$0xFFFFFF80]  }
0x12e: {  	s23 =	simm.s32 $0x1;
	[tilespmem:s24+$0xFFFFFF20] =	vst v2;
	v2 =	vmul.f32 v7, v4;
	v7 =	vld [tilespmem:s24+$0xFFFFFF90]  }
0x12f: {  	v10 =	vld [tilespmem:s24+$0xFFFFFFA0];
	[tilespmem:s24+$0xFFFFFF30] =	vst v3;
	v3 =	vmul.f32 v8, v4;
	v8 =	vmov s23  }
0x130: {  	v9 =	vmul.f32 v9, v4;
	[tilespmem:s24+$0xFFFFFF40] =	vst v2;
	v2 =	vperm.xlane v1, v8;
	v8 =	vld [tilespmem:s24+$0xFFFFFFB0]  }
0x131: {  	[tilespmem:s24+$0xFFFFFF50] =	vst v3;
	v3 =	vmul.f32 v5, v4;
	v4 =	vld [tilespmem:s24+$0xFFFFFFC0]  }
0x132: {  	[tilespmem:s24+$0xFFFFFF60] =	vst v9;
	v5 =	vmul.f32 v6, v2;
	v6 =	vld [tilespmem:s24+$0xFFFFFFD0]  }
0x133: {  	[tilespmem:s24+$0xFFFFFF70] =	vst v3;
	v3 =	vmul.f32 v7, v2;
	v7 =	vld [tilespmem:s24+$0xFFFFFFE0]  }
0x134: {  	v9 =	vld [tilespmem:s24+$0x0];
	[tilespmem:s24+$0xFFFFFF80] =	vst v5;
	v5 =	vmul.f32 v10, v2  }
0x135: {  	s9 =	simm.s32 $0x2;
	[tilespmem:s24+$0xFFFFFF90] =	vst v3;
	v3 =	vmul.f32 v8, v2;
	v8 =	vld [tilespmem:s24+$0x10]  }
0x136: {  	v10 =	vld [tilespmem:s24+$0x20];
	[tilespmem:s24+$0xFFFFFFA0] =	vst v5;
	v4 =	vmul.f32 v4, v2;
	v5 =	vmov s9  }
0x137: {  	[tilespmem:s24+$0xFFFFFFB0] =	vst v3;
	v3 =	vmul.f32 v6, v2;
	v5 =	vperm.xlane v1, v5;
	v6 =	vld [tilespmem:s24+$0x30]  }
0x138: {  	[tilespmem:s24+$0xFFFFFFC0] =	vst v4;
	v4 =	vmul.f32 v7, v2;
	v7 =	vld [tilespmem:s24+$0x40]  }
0x139: {  	[tilespmem:s24+$0xFFFFFFD0] =	vst v3;
	v3 =	vmul.f32 v9, v5;
	v9 =	vld [tilespmem:s24+$0x50]  }
0x13a: {  	[tilespmem:s24+$0xFFFFFFE0] =	vst v4;
	v4 =	vmul.f32 v8, v5;
	v8 =	vld [tilespmem:s24+$0x60]  }
0x13b: {  	[tilespmem:s24+$0x0] =	vst v3;
	v3 =	vmul.f32 v10, v5;
	v10 =	vld [tilespmem:s24+$0x70]  }
0x13c: {  	[tilespmem:s24+$0x10] =	vst v4;
	v4 =	vmul.f32 v6, v5;
	v6 =	vld [tilespmem:s24+$0x80]  }
0x13d: {  	v11 =	vld [tilespmem:s24+$0x90];
	s23 =	simm.s32 $0x3;
	[tilespmem:s24+$0x20] =	vst v3;
	v3 =	vmul.f32 v7, v5  }
0x13e: {  	[tilespmem:s24+$0x30] =	vst v4;
	v7 =	vmul.f32 v9, v5;
	v4 =	vmov s23;
	v9 =	vld [tilespmem:s24+$0xA0]  }
0x13f: {  	[tilespmem:s24+$0x40] =	vst v3;
	v8 =	vmul.f32 v8, v5;
	v3 =	vperm.xlane v1, v4;
	v4 =	vld [tilespmem:s24+$0xB0]  }
0x140: {  	[tilespmem:s24+$0x50] =	vst v7;
	v10 =	vmul.f32 v10, v5;
	v5 =	vld [tilespmem:s24+$0xC0]  }
0x141: {  	v7 =	vld [tilespmem:s24+$0xD0];
	[tilespmem:s24+$0x60] =	vst v8;
	v8 =	vmul.f32 v6, v3  }
0x142: {  	v6 =	vld [tilespmem:s24+$0xE0];
	[tilespmem:s24+$0x70] =	vst v10;
	v10 =	vmul.f32 v11, v3  }
0x143: {  	s30 =	simm.s32 $0x4;
	s9 =	smov.u32 s24;
	s23 =	smov.u32 s24;
	[tilespmem:s24+$0x80] =	vst v8;
	v9 =	vmul.f32 v9, v3;
	v8 =	vld [tilespmem:s24+$0xF0]  }
.LBB2_16:
0x144: {  	p3 =	slt.u32 s30, $0xC;
	v11 =	vld [tilespmem:s23+$0xFFFFFFF0];
	[tilespmem:s23+$0x90] =	vst v10;
	v4 =	vmul.f32 v4, v3;
	s9 =	sadd.s32 $0x200, s9  }
0x145: {  	v10 =	vld [tilespmem:s9+$0xFFFFFF00];
	[tilespmem:s23+$0xA0] =	vst v9;
	v5 =	vmul.f32 v5, v3  }
0x146: {  	v9 =	vld [tilespmem:s9+$0xFFFFFF10];
	[tilespmem:s23+$0xB0] =	vst v4;
	v4 =	vmul.f32 v7, v3  }
0x147: {  	v7 =	vmov s30;
	v12 =	vld [tilespmem:s9+$0xFFFFFF20];
	[tilespmem:s23+$0xC0] =	vst v5;
	v5 =	vmul.f32 v6, v3  }
0x148: {  	v6 =	vperm.xlane v1, v7;
	v7 =	vld [tilespmem:s9+$0xFFFFFF30];
	[tilespmem:s23+$0xD0] =	vst v4;
	v3 =	vmul.f32 v8, v3  }
0x149: {  	v4 =	vld [tilespmem:s9+$0xFFFFFF40];
	v2 =	vmul.f32 v11, v2;
	[tilespmem:s23+$0xE0] =	vst v5  }
0x14a: {  	v5 =	vmul.f32 v10, v6;
	v8 =	vld [tilespmem:s9+$0xFFFFFF50];
	[tilespmem:s23+$0xF0] =	vst v3  }
0x14b: {  	v3 =	vmul.f32 v9, v6;
	v9 =	vld [tilespmem:s9+$0xFFFFFF60];
	[tilespmem:s23+$0xFFFFFFF0] =	vst v2;
	s23 =	smov.u32 s9  }
0x14c: {  	[tilespmem:s9+$0xFFFFFF00] =	vst v5;
	v2 =	vmul.f32 v12, v6;
	v5 =	vld [tilespmem:s9+$0xFFFFFF70]  }
0x14d: {  	[tilespmem:s9+$0xFFFFFF10] =	vst v3;
	v3 =	vmul.f32 v7, v6;
	v7 =	vld [tilespmem:s9+$0xFFFFFF80]  }
0x14e: {  	s5 =	sadd.s32 $0x1, s30;
	[tilespmem:s9+$0xFFFFFF20] =	vst v2;
	v2 =	vmul.f32 v4, v6;
	v4 =	vld [tilespmem:s9+$0xFFFFFF90]  }
0x14f: {  	[tilespmem:s9+$0xFFFFFF30] =	vst v3;
	v3 =	vmul.f32 v8, v6;
	v8 =	vmov s5;
	v10 =	vld [tilespmem:s9+$0xFFFFFFA0]  }
0x150: {  	[tilespmem:s9+$0xFFFFFF40] =	vst v2;
	v9 =	vmul.f32 v9, v6;
	v2 =	vperm.xlane v1, v8;
	v8 =	vld [tilespmem:s9+$0xFFFFFFB0]  }
0x151: {  	[tilespmem:s9+$0xFFFFFF50] =	vst v3;
	v3 =	vmul.f32 v5, v6;
	v5 =	vld [tilespmem:s9+$0xFFFFFFC0]  }
0x152: {  	[tilespmem:s9+$0xFFFFFF60] =	vst v9;
	v6 =	vmul.f32 v7, v2;
	v7 =	vld [tilespmem:s9+$0xFFFFFFD0]  }
0x153: {  	[tilespmem:s9+$0xFFFFFF70] =	vst v3;
	v3 =	vmul.f32 v4, v2;
	v4 =	vld [tilespmem:s9+$0xFFFFFFE0]  }
0x154: {  	[tilespmem:s9+$0xFFFFFF80] =	vst v6;
	v6 =	vmul.f32 v10, v2;
	v9 =	vld [tilespmem:s9+$0x0]  }
0x155: {  	s5 =	sadd.s32 $0x2, s30;
	[tilespmem:s9+$0xFFFFFF90] =	vst v3;
	v3 =	vmul.f32 v8, v2;
	v8 =	vld [tilespmem:s9+$0x10]  }
0x156: {  	[tilespmem:s9+$0xFFFFFFA0] =	vst v6;
	v5 =	vmul.f32 v5, v2;
	v6 =	vmov s5;
	v10 =	vld [tilespmem:s9+$0x20]  }
0x157: {  	[tilespmem:s9+$0xFFFFFFB0] =	vst v3;
	v3 =	vmul.f32 v7, v2;
	v6 =	vperm.xlane v1, v6;
	v7 =	vld [tilespmem:s9+$0x30]  }
0x158: {  	[tilespmem:s9+$0xFFFFFFC0] =	vst v5;
	v4 =	vmul.f32 v4, v2;
	v5 =	vld [tilespmem:s9+$0x40]  }
0x159: {  	[tilespmem:s9+$0xFFFFFFD0] =	vst v3;
	v3 =	vmul.f32 v9, v6;
	v9 =	vld [tilespmem:s9+$0x50]  }
0x15a: {  	[tilespmem:s9+$0xFFFFFFE0] =	vst v4;
	v4 =	vmul.f32 v8, v6;
	v8 =	vld [tilespmem:s9+$0x60]  }
0x15b: {  	[tilespmem:s9+$0x0] =	vst v3;
	v3 =	vmul.f32 v10, v6;
	v10 =	vld [tilespmem:s9+$0x70]  }
0x15c: {  	[tilespmem:s9+$0x10] =	vst v4;
	v4 =	vmul.f32 v7, v6;
	v7 =	vld [tilespmem:s9+$0x80]  }
0x15d: {  	s5 =	sadd.s32 $0x3, s30;
	[tilespmem:s9+$0x20] =	vst v3;
	v3 =	vmul.f32 v5, v6;
	v11 =	vld [tilespmem:s9+$0x90]  }
0x15e: {  	[tilespmem:s9+$0x30] =	vst v4;
	v5 =	vmul.f32 v9, v6;
	v4 =	vmov s5;
	v9 =	vld [tilespmem:s9+$0xA0]  }
.Ltmp7:
0x15f: {  	[tilespmem:s9+$0x40] =	vst v3;
	v8 =	vmul.f32 v8, v6;
	v3 =	vperm.xlane v1, v4;
	v4 =	vld [tilespmem:s9+$0xB0];
	(pc) =	sbr.rel @p3 .LBB2_16-.Ltmp7, $4  }
0x160: {  	[tilespmem:s9+$0x50] =	vst v5;
	v6 =	vmul.f32 v10, v6;
	v5 =	vld [tilespmem:s9+$0xC0]  }
0x161: {  	[tilespmem:s9+$0x60] =	vst v8;
	v8 =	vmul.f32 v7, v3;
	v7 =	vld [tilespmem:s9+$0xD0]  }
0x162: {  	[tilespmem:s9+$0x70] =	vst v6;
	v10 =	vmul.f32 v11, v3;
	v6 =	vld [tilespmem:s9+$0xE0]  }
0x163: {  	s30 =	sadd.s32 $0x4, s30;
	[tilespmem:s9+$0x80] =	vst v8;
	v9 =	vmul.f32 v9, v3;
	v8 =	vld [tilespmem:s9+$0xF0]  }
0x164: {  	v1 =	vld [tilespmem:s23+$0xFFFFFFF0];
	[tilespmem:s23+$0x90] =	vst v10;
	v4 =	vmul.f32 v4, v3  }
0x165: {  	s13 =	sadd.s32 $0x1, s13;
	[tilespmem:s23+$0xA0] =	vst v9;
	v5 =	vmul.f32 v5, v3  }
0x166: {  	p3 =	sne.s32 s13, $0x8;
	[tilespmem:s23+$0xB0] =	vst v4;
	v62 =	vmul.f32 v7, v3  }
.Ltmp8:
0x167: {  	[tilespmem:s23+$0xC0] =	vst v5;
	v63 =	vmul.f32 v6, v3;
	(pc) =	sbr.rel @p3 .LBB2_15-.Ltmp8, $4  }
0x168: {  	[tilespmem:s23+$0xD0] =	vst v62;
	v3 =	vmul.f32 v8, v3  }
0x169: {  	v1 =	vmul.f32 v1, v2;
	[tilespmem:s23+$0xE0] =	vst v63  }
0x16a: {  	[tilespmem:s23+$0xF0] =	vst v3  }
0x16b: {  	s24 =	sadd.s32 $0x800, s24;
	[tilespmem:s23+$0xFFFFFFF0] =	vst v1  }
0x16c: {  	s5 =	sadd.s32 @!p2 s21, s18  }
0x16d: {  	s5 =	sshll.u32 @!p2 s5, $0x5  }
0x16e: {  	s8 =	simm.s32 @!p2 $0x0;
	s5 =	sand.u32 @!p2 $0x1FFFFFE0, s5  }
0x16f: {  	s9 =	simm.s32 @!p2 $0xC200;
	s26 =	sadd.s32 $0x1, s26;
	s5 =	sadd.s32 @!p2 s2, s5  }
0x170: {  	[tilespmem:s9], [sflag:$0x9] =	stream.linear.gather @!p2 [hbm4b:s5+s8], $0x100, $0x38;
	[tilespmem:$0x1FD00] =	vst v63  }
0x171: {  	p2 =	sne.s32 s26, $0x1A  }
.Ltmp9:
0x172: {  	_ = 	snop;
	(pc) =	sbr.rel @p2 .LBB2_6-.Ltmp9, $4  }
0x173: {  	_ =	swait.ge [sflag:s12], $0x80  }
0x174: {  	[sflag:s12] =	ssyncset.done $0x0  }
0x175: {  	[sflag:s12] =	ssyncadd.s32 $0xFFFFFF80  }
0x176: {  	[spmem:s4] =	stream.indirect.scatter.add.f32 [tilespmem:s28], [sflag:$0x6], $0x80, s19, s31, $0xb8;
	[tilespmem:$0x1FD00] =	vst v63  }
.Ltmp10:
0x177: {  	(pc) =	sbr.rel @p0 .LBB2_25-.Ltmp10, $4  }
0x178: {  	s5 =	simm.s32 $0x6  }
0x179: {  	_ =	swait.ge [sflag:s5], $0x4000  }
0x17a: {  	[sflag:s5] =	ssyncset.done $0x0  }
0x17b: {  	s25 =	simm.s32 $0xC300;
	[sflag:s5] =	ssyncadd.s32 $0xFFFFC000  }
0x17c: {  	s21 =	simm.s32 $0x0;
	s5 =	rddreg [dreg:$0xb];
	s8 =	simm.s32 $0xC000  }
0x17d: {  	[tilespmem:s8], [sflag:$0x7] =	stream.linear.gather [hbm4b:s5+s21], $0x100, $0x38;
	[tilespmem:$0x1FD00] =	vst v63  }
0x17e: {  	s24 =	rddreg [dreg:$0xc];
	s26 =	simm.s32 $0x7  }
0x17f: {  	[tilespmem:s25], [sflag:$0xA] =	stream.linear.gather [hbm4b:s24+s21], $0x80, $0x38;
	[tilespmem:$0x1FD00] =	vst v63  }
0x180: {  	_ =	swait.ge [sflag:s26], $0x100  }
0x181: {  	[sflag:s26] =	ssyncset.done $0x0  }
0x182: {  	s30 =	simm.s32 $0xA;
	[sflag:s26] =	ssyncadd.s32 $0xFFFFFF00  }
0x183: {  	_ =	swait.ge [sflag:s30], $0x80  }
0x184: {  	[sflag:s30] =	ssyncset.done $0x0  }
0x185: {  	[sflag:s30] =	ssyncadd.s32 $0xFFFFFF80  }
0x186: {  	[tilespmem:s21], [sflag:$0xD] =	stream.indirect.gather [hbm4b:s1+s31], $0x80, s8, s31, $0xb8;
	[tilespmem:$0x1FD00] =	vst v63  }
0x187: {  	_ =	swait.ge [sflag:s0], $0x4000  }
0x188: {  	[sflag:s0] =	ssyncset.done $0x0  }
0x189: {  	s13 =	simm.s32 $0x0;
	s8 =	simm.s32 $0x100;
	[sflag:s0] =	ssyncadd.s32 $0xFFFFC000  }
.LBB2_21:
0x18a: {  	s5 =	sshll.u32 s13, $0x4  }
0x18b: {  	v1 =	vld [tilespmem:s5+$0xC080];
	_ =	sdelay $0x1  }
0x18c: {  	v2 =	vld [tilespmem:s8+$0xFFFFFF00]  }
0x18d: {  	v3 =	vld [tilespmem:s8+$0xFFFFFF10]  }
0x18e: {  	v4 =	vmov s21;
	v5 =	vld [tilespmem:s8+$0xFFFFFF20]  }
0x18f: {  	v6 =	vld [tilespmem:s8+$0xFFFFFF30];
	v4 =	vperm.xlane v1, v4  }
0x190: {  	v7 =	vld [tilespmem:s8+$0xFFFFFF40]  }
0x191: {  	v8 =	vld [tilespmem:s8+$0xFFFFFF50];
	v2 =	vmul.f32 v2, v4  }
0x192: {  	v9 =	vld [tilespmem:s8+$0xFFFFFF60];
	v3 =	vmul.f32 v3, v4  }
0x193: {  	[tilespmem:s8+$0xFFFFFF00] =	vst v2;
	v2 =	vmul.f32 v5, v4;
	v5 =	vld [tilespmem:s8+$0xFFFFFF70]  }
0x194: {  	[tilespmem:s8+$0xFFFFFF10] =	vst v3;
	v3 =	vmul.f32 v6, v4;
	v6 =	vld [tilespmem:s8+$0xFFFFFF80]  }
0x195: {  	s24 =	simm.s32 $0x1;
	[tilespmem:s8+$0xFFFFFF20] =	vst v2;
	v2 =	vmul.f32 v7, v4;
	v7 =	vld [tilespmem:s8+$0xFFFFFF90]  }
0x196: {  	v10 =	vld [tilespmem:s8+$0xFFFFFFA0];
	[tilespmem:s8+$0xFFFFFF30] =	vst v3;
	v3 =	vmul.f32 v8, v4;
	v8 =	vmov s24  }
0x197: {  	v9 =	vmul.f32 v9, v4;
	[tilespmem:s8+$0xFFFFFF40] =	vst v2;
	v2 =	vperm.xlane v1, v8;
	v8 =	vld [tilespmem:s8+$0xFFFFFFB0]  }
0x198: {  	[tilespmem:s8+$0xFFFFFF50] =	vst v3;
	v3 =	vmul.f32 v5, v4;
	v4 =	vld [tilespmem:s8+$0xFFFFFFC0]  }
0x199: {  	[tilespmem:s8+$0xFFFFFF60] =	vst v9;
	v5 =	vmul.f32 v6, v2;
	v6 =	vld [tilespmem:s8+$0xFFFFFFD0]  }
0x19a: {  	[tilespmem:s8+$0xFFFFFF70] =	vst v3;
	v3 =	vmul.f32 v7, v2;
	v7 =	vld [tilespmem:s8+$0xFFFFFFE0]  }
0x19b: {  	v9 =	vld [tilespmem:s8+$0x0];
	[tilespmem:s8+$0xFFFFFF80] =	vst v5;
	v5 =	vmul.f32 v10, v2  }
0x19c: {  	s26 =	simm.s32 $0x2;
	[tilespmem:s8+$0xFFFFFF90] =	vst v3;
	v3 =	vmul.f32 v8, v2;
	v8 =	vld [tilespmem:s8+$0x10]  }
0x19d: {  	v10 =	vld [tilespmem:s8+$0x20];
	[tilespmem:s8+$0xFFFFFFA0] =	vst v5;
	v4 =	vmul.f32 v4, v2;
	v5 =	vmov s26  }
0x19e: {  	[tilespmem:s8+$0xFFFFFFB0] =	vst v3;
	v3 =	vmul.f32 v6, v2;
	v5 =	vperm.xlane v1, v5;
	v6 =	vld [tilespmem:s8+$0x30]  }
0x19f: {  	[tilespmem:s8+$0xFFFFFFC0] =	vst v4;
	v4 =	vmul.f32 v7, v2;
	v7 =	vld [tilespmem:s8+$0x40]  }
0x1a0: {  	[tilespmem:s8+$0xFFFFFFD0] =	vst v3;
	v3 =	vmul.f32 v9, v5;
	v9 =	vld [tilespmem:s8+$0x50]  }
0x1a1: {  	[tilespmem:s8+$0xFFFFFFE0] =	vst v4;
	v4 =	vmul.f32 v8, v5;
	v8 =	vld [tilespmem:s8+$0x60]  }
0x1a2: {  	[tilespmem:s8+$0x0] =	vst v3;
	v3 =	vmul.f32 v10, v5;
	v10 =	vld [tilespmem:s8+$0x70]  }
0x1a3: {  	[tilespmem:s8+$0x10] =	vst v4;
	v4 =	vmul.f32 v6, v5;
	v6 =	vld [tilespmem:s8+$0x80]  }
0x1a4: {  	s30 =	simm.s32 $0x3;
	v11 =	vld [tilespmem:s8+$0x90];
	[tilespmem:s8+$0x20] =	vst v3;
	v3 =	vmul.f32 v7, v5  }
0x1a5: {  	[tilespmem:s8+$0x30] =	vst v4;
	v7 =	vmul.f32 v9, v5;
	v4 =	vmov s30;
	v9 =	vld [tilespmem:s8+$0xA0]  }
0x1a6: {  	[tilespmem:s8+$0x40] =	vst v3;
	v8 =	vmul.f32 v8, v5;
	v3 =	vperm.xlane v1, v4;
	v4 =	vld [tilespmem:s8+$0xB0]  }
0x1a7: {  	[tilespmem:s8+$0x50] =	vst v7;
	v10 =	vmul.f32 v10, v5;
	v5 =	vld [tilespmem:s8+$0xC0]  }
0x1a8: {  	v7 =	vld [tilespmem:s8+$0xD0];
	[tilespmem:s8+$0x60] =	vst v8;
	v8 =	vmul.f32 v6, v3  }
0x1a9: {  	v6 =	vld [tilespmem:s8+$0xE0];
	[tilespmem:s8+$0x70] =	vst v10;
	v10 =	vmul.f32 v11, v3  }
0x1aa: {  	s23 =	smov.u32 s8;
	s9 =	smov.u32 s8;
	s24 =	simm.s32 $0x4;
	[tilespmem:s8+$0x80] =	vst v8;
	v9 =	vmul.f32 v9, v3;
	v8 =	vld [tilespmem:s8+$0xF0]  }
.LBB2_22:
0x1ab: {  	p2 =	slt.u32 s24, $0xC;
	v11 =	vld [tilespmem:s23+$0xFFFFFFF0];
	[tilespmem:s23+$0x90] =	vst v10;
	v4 =	vmul.f32 v4, v3;
	s9 =	sadd.s32 $0x200, s9  }
0x1ac: {  	v10 =	vld [tilespmem:s9+$0xFFFFFF00];
	[tilespmem:s23+$0xA0] =	vst v9;
	v5 =	vmul.f32 v5, v3  }
0x1ad: {  	v9 =	vld [tilespmem:s9+$0xFFFFFF10];
	[tilespmem:s23+$0xB0] =	vst v4;
	v4 =	vmul.f32 v7, v3  }
0x1ae: {  	v7 =	vmov s24;
	v12 =	vld [tilespmem:s9+$0xFFFFFF20];
	[tilespmem:s23+$0xC0] =	vst v5;
	v5 =	vmul.f32 v6, v3  }
0x1af: {  	v6 =	vperm.xlane v1, v7;
	v7 =	vld [tilespmem:s9+$0xFFFFFF30];
	[tilespmem:s23+$0xD0] =	vst v4;
	v3 =	vmul.f32 v8, v3  }
0x1b0: {  	v4 =	vld [tilespmem:s9+$0xFFFFFF40];
	v2 =	vmul.f32 v11, v2;
	[tilespmem:s23+$0xE0] =	vst v5  }
0x1b1: {  	v5 =	vmul.f32 v10, v6;
	v8 =	vld [tilespmem:s9+$0xFFFFFF50];
	[tilespmem:s23+$0xF0] =	vst v3  }
0x1b2: {  	v3 =	vmul.f32 v9, v6;
	v9 =	vld [tilespmem:s9+$0xFFFFFF60];
	[tilespmem:s23+$0xFFFFFFF0] =	vst v2;
	s23 =	smov.u32 s9  }
0x1b3: {  	[tilespmem:s9+$0xFFFFFF00] =	vst v5;
	v2 =	vmul.f32 v12, v6;
	v5 =	vld [tilespmem:s9+$0xFFFFFF70]  }
0x1b4: {  	[tilespmem:s9+$0xFFFFFF10] =	vst v3;
	v3 =	vmul.f32 v7, v6;
	v7 =	vld [tilespmem:s9+$0xFFFFFF80]  }
0x1b5: {  	s5 =	sadd.s32 $0x1, s24;
	[tilespmem:s9+$0xFFFFFF20] =	vst v2;
	v2 =	vmul.f32 v4, v6;
	v4 =	vld [tilespmem:s9+$0xFFFFFF90]  }
0x1b6: {  	[tilespmem:s9+$0xFFFFFF30] =	vst v3;
	v3 =	vmul.f32 v8, v6;
	v8 =	vmov s5;
	v10 =	vld [tilespmem:s9+$0xFFFFFFA0]  }
0x1b7: {  	[tilespmem:s9+$0xFFFFFF40] =	vst v2;
	v9 =	vmul.f32 v9, v6;
	v2 =	vperm.xlane v1, v8;
	v8 =	vld [tilespmem:s9+$0xFFFFFFB0]  }
0x1b8: {  	[tilespmem:s9+$0xFFFFFF50] =	vst v3;
	v3 =	vmul.f32 v5, v6;
	v5 =	vld [tilespmem:s9+$0xFFFFFFC0]  }
0x1b9: {  	[tilespmem:s9+$0xFFFFFF60] =	vst v9;
	v6 =	vmul.f32 v7, v2;
	v7 =	vld [tilespmem:s9+$0xFFFFFFD0]  }
0x1ba: {  	[tilespmem:s9+$0xFFFFFF70] =	vst v3;
	v3 =	vmul.f32 v4, v2;
	v4 =	vld [tilespmem:s9+$0xFFFFFFE0]  }
0x1bb: {  	[tilespmem:s9+$0xFFFFFF80] =	vst v6;
	v6 =	vmul.f32 v10, v2;
	v9 =	vld [tilespmem:s9+$0x0]  }
0x1bc: {  	s5 =	sadd.s32 $0x2, s24;
	[tilespmem:s9+$0xFFFFFF90] =	vst v3;
	v3 =	vmul.f32 v8, v2;
	v8 =	vld [tilespmem:s9+$0x10]  }
0x1bd: {  	[tilespmem:s9+$0xFFFFFFA0] =	vst v6;
	v5 =	vmul.f32 v5, v2;
	v6 =	vmov s5;
	v10 =	vld [tilespmem:s9+$0x20]  }
0x1be: {  	[tilespmem:s9+$0xFFFFFFB0] =	vst v3;
	v3 =	vmul.f32 v7, v2;
	v6 =	vperm.xlane v1, v6;
	v7 =	vld [tilespmem:s9+$0x30]  }
0x1bf: {  	[tilespmem:s9+$0xFFFFFFC0] =	vst v5;
	v4 =	vmul.f32 v4, v2;
	v5 =	vld [tilespmem:s9+$0x40]  }
0x1c0: {  	[tilespmem:s9+$0xFFFFFFD0] =	vst v3;
	v3 =	vmul.f32 v9, v6;
	v9 =	vld [tilespmem:s9+$0x50]  }
0x1c1: {  	[tilespmem:s9+$0xFFFFFFE0] =	vst v4;
	v4 =	vmul.f32 v8, v6;
	v8 =	vld [tilespmem:s9+$0x60]  }
0x1c2: {  	[tilespmem:s9+$0x0] =	vst v3;
	v3 =	vmul.f32 v10, v6;
	v10 =	vld [tilespmem:s9+$0x70]  }
0x1c3: {  	[tilespmem:s9+$0x10] =	vst v4;
	v4 =	vmul.f32 v7, v6;
	v7 =	vld [tilespmem:s9+$0x80]  }
0x1c4: {  	s5 =	sadd.s32 $0x3, s24;
	[tilespmem:s9+$0x20] =	vst v3;
	v3 =	vmul.f32 v5, v6;
	v11 =	vld [tilespmem:s9+$0x90]  }
0x1c5: {  	[tilespmem:s9+$0x30] =	vst v4;
	v5 =	vmul.f32 v9, v6;
	v4 =	vmov s5;
	v9 =	vld [tilespmem:s9+$0xA0]  }
.Ltmp11:
0x1c6: {  	[tilespmem:s9+$0x40] =	vst v3;
	v8 =	vmul.f32 v8, v6;
	v3 =	vperm.xlane v1, v4;
	v4 =	vld [tilespmem:s9+$0xB0];
	(pc) =	sbr.rel @p2 .LBB2_22-.Ltmp11, $4  }
0x1c7: {  	[tilespmem:s9+$0x50] =	vst v5;
	v6 =	vmul.f32 v10, v6;
	v5 =	vld [tilespmem:s9+$0xC0]  }
0x1c8: {  	[tilespmem:s9+$0x60] =	vst v8;
	v8 =	vmul.f32 v7, v3;
	v7 =	vld [tilespmem:s9+$0xD0]  }
0x1c9: {  	[tilespmem:s9+$0x70] =	vst v6;
	v10 =	vmul.f32 v11, v3;
	v6 =	vld [tilespmem:s9+$0xE0]  }
0x1ca: {  	s24 =	sadd.s32 $0x4, s24;
	[tilespmem:s9+$0x80] =	vst v8;
	v9 =	vmul.f32 v9, v3;
	v8 =	vld [tilespmem:s9+$0xF0]  }
0x1cb: {  	v1 =	vld [tilespmem:s23+$0xFFFFFFF0];
	[tilespmem:s23+$0x90] =	vst v10;
	v4 =	vmul.f32 v4, v3  }
0x1cc: {  	s13 =	sadd.s32 $0x1, s13;
	[tilespmem:s23+$0xA0] =	vst v9;
	v5 =	vmul.f32 v5, v3  }
0x1cd: {  	p2 =	sne.s32 s13, $0x8;
	[tilespmem:s23+$0xB0] =	vst v4;
	v62 =	vmul.f32 v7, v3  }
.Ltmp12:
0x1ce: {  	[tilespmem:s23+$0xC0] =	vst v5;
	v63 =	vmul.f32 v6, v3;
	(pc) =	sbr.rel @p2 .LBB2_21-.Ltmp12, $4  }
0x1cf: {  	[tilespmem:s23+$0xD0] =	vst v62;
	v3 =	vmul.f32 v8, v3  }
0x1d0: {  	v1 =	vmul.f32 v1, v2;
	[tilespmem:s23+$0xE0] =	vst v63  }
0x1d1: {  	[tilespmem:s23+$0xF0] =	vst v3  }
0x1d2: {  	s8 =	sadd.s32 $0x800, s8;
	[tilespmem:s23+$0xFFFFFFF0] =	vst v1  }
0x1d3: {  	s5 =	simm.s32 $0x0  }
0x1d4: {  	[spmem:s4] =	stream.indirect.scatter.add.f32 [tilespmem:s5], [sflag:$0xD], $0x80, s25, s31, $0xb8;
	[tilespmem:$0x1FD00] =	vst v63  }
0x1d5: {  	_ =	swait.ge [sflag:s0], $0x4000  }
0x1d6: {  	[sflag:s0] =	ssyncset.done $0x0  }
0x1d7: {  	[sflag:s0] =	ssyncadd.s32 $0xFFFFC000  }
.LBB2_25:
0x1d8: {  	[bflag:$0x0] =	sbarrier.arrive $0xFFFF  }
0x1d9: {  	s5 =	stileid.u32;
	s21 =	rddreg [dreg:$0xe]  }
.Ltmp13:
0x1da: {  	s5 =	sshll.u32 s5, $0x6;
	s8 =	sshrl.u32 s21, $0x3;
	(pc) =	sbr.rel @!p1 .LBB2_27-.Ltmp13, $4  }
0x1db: {  	s9 =	sshrl.u32 s22, $0x3;
	s13 =	sadd.s32 s7, s8;
	s8 =	sor.u32 $0x1C0D, s5  }
0x1dc: {  	[hbm:s13], [sflag:s8] =	dma.local [spmem:s9], $0x500  }
0x1dd: {  	s24 =	rddreg [dreg:$0x5]  }
0x1de: {  	s13 =	sadd.s32 $0x2800, s22;
	s9 =	sadd.s32 $0xFFFFFFFF, s24  }
.LBB2_26:
0x1df: {  	_ =	swait.ge [sflag:s0], $0x500  }
0x1e0: {  	s21 =	sadd.s32 $0x2800, s21;
	s23 =	sshrl.u32 s13, $0x3;
	p1 =	sne.s32 s9, $0x1  }
.Ltmp14:
0x1e1: {  	s5 =	sshrl.u32 s21, $0x3;
	[sflag:s0] =	ssyncset.done $0x0;
	(pc) =	sbr.rel @p1 .LBB2_26-.Ltmp14, $4  }
0x1e2: {  	s5 =	sadd.s32 s7, s5;
	[sflag:s0] =	ssyncadd.s32 $0xFFFFFB00  }
0x1e3: {  	[hbm:s5], [sflag:s8] =	dma.local [spmem:s23], $0x500  }
0x1e4: {  	s9 =	sadd.s32 $0xFFFFFFFF, s9  }
0x1e5: {  	s13 =	sadd.s32 $0x2800, s13  }
.LBB2_27:
0x1e6: {  	_ =	swait.ge [sflag:s0], $0x500  }
0x1e7: {  	s14 =	sadd.s32 $0x1, s14;
	s5 =	rddreg [dreg:$0xd]  }
0x1e8: {  	p1 =	sne.s32 s14, s5  }
.Ltmp15:
0x1e9: {  	_ = 	snop;
	(pc) =	sbr.rel @p1 .LBB2_1-.Ltmp15, $3  }
0x1ea: {  	_ =	sdelay $0x1  }
0x1eb: {  	[sflag:s0] =	ssyncset.done $0x0  }
0x1ec: {  	[sflag:s0] =	ssyncadd.s32 $0xFFFFFB00  }
0x1ed: {  	_ =	sfence.sel $0x180000  }
0x1ee: {  	[bflag:$0x0] =	sbarrier.arrive $0xFFFF  }
0x1ef: {  	_ =	strace $0x90000047  }
0x1f0: {  	s0 =	stileid.u32;
	[bflag:$0x2] =	sbarrier.arrive $0xFFFF  }
0x1f1: {  	p0 =	sne.s32 s0, $0x0;
	s0 =	rddreg [dreg:$0x4]  }
0x1f2: {  	s0 =	sadd.s32 @!p0 $0x100000, s0  }
0x1f3: {  	[sflag:s0] =	ssyncadd.tile.s32 @!p0 $0x1;
	_ =	shalt  }
.Lfunc_end2:
_tile_overlayer_lowered:
.L_overlay_start_2:
0x1f4: {  	(tag) =	ssettag $0x2  }
0x1f5: {  	s0 =	rddreg [dreg:$0x0];
	s2 =	stileid.u32  }
0x1f6: {  	s1 =	rddreg [dreg:$0x1];
	p0 =	sne.s32 s2, $0x0  }
0x1f7: {  	s3 =	rddreg [dreg:$0x2];
	[bflag:$0x3] =	sbarrier.arrive $0xFFFF;
	s2 =	simm.s32 @!p0 $0x1C0D  }
0x1f8: {  	[timem:s3], [sflag:s2] =	dma.local @!p0 [hbm:s0], s1  }
0x1f9: {  	s0 =	simm.s32 @!p0 $0xD  }
0x1fa: {  	_ =	swait.ge @!p0 [sflag:s0], s1  }
0x1fb: {  	s1 =	ssub.s32 @!p0 $0x0, s1;
	[sflag:s0] =	ssyncset.done @!p0 $0x0  }
0x1fc: {  	[sflag:s0] =	ssyncadd.s32 @!p0 s1  }
0x1fd: {  	[bflag:$0x3] =	sbarrier.arrive $0xFFFF  }
0x1fe: {  	_ =	shalt  }

</sc_bundles>
